<compile_context>
chip_gen: v7x
topology: tpu7x:2x2x1
jax: 0.10.2.dev20260603
libtpu: 0.0.44.dev20260713+nightly
codegen_flags: <defaults>
</compile_context>

<pallas_src>
import jax
import jax.numpy as jnp
from jax import lax
from jax.experimental import pallas as pl
from jax.experimental.pallas import tpu as pltpu
from jax.experimental.pallas import tpu_sc as plsc

B, C, H, W = 2, 96, 256, 256
HO = WO = 512
L = 16
NC, NS = 2, 16
NW = NC * NS
R = 32
IN_W = R * W
OUT_W = 2 * R * WO
BLOCKS_PER_PLANE = H // R
PLANES_PER_WORKER = (B * C) // NW
TPW = PLANES_PER_WORKER * BLOCKS_PER_PLANE
NBUF = 2


def _unpool_body(vals_hbm, idx_hbm, out_hbm,
                 v0, v1, i0, i1, o0, o1,
                 sv0, sv1, si0, si1, so0, so1):
    vb, ib, ob = (v0, v1), (i0, i1), (o0, o1)
    sv, si, so = (sv0, sv1), (si0, si1), (so0, so1)

    wid = lax.axis_index("s") * NC + lax.axis_index("c")
    b_idx = wid >> 4
    c_base = (wid & 15) * PLANES_PER_WORKER

    def in_copy(slot, t):
        p = t >> 3
        blk = t & 7
        src_v = vals_hbm.at[b_idx, c_base + p, pl.ds(blk * R, R), :]
        src_i = idx_hbm.at[b_idx, c_base + p, pl.ds(blk * R, R), :]
        return (pltpu.make_async_copy(src_v, vb[slot], sv[slot]),
                pltpu.make_async_copy(src_i, ib[slot], si[slot]))

    def start_in(slot, t):
        for c in in_copy(slot, t):
            c.start()

    def wait_in(slot, t):
        for c in in_copy(slot, t):
            c.wait()

    def out_copy(slot, t):
        p = t >> 3
        blk = t & 7
        dst = out_hbm.at[b_idx, c_base + p, pl.ds(blk * 2 * R, 2 * R), :]
        return pltpu.make_async_copy(ob[slot], dst, so[slot])

    for slot in range(NBUF):
        start_in(slot, slot)

    def outer(step, carry):
        for slot in range(NBUF):
            t = step * NBUF + slot
            wait_in(slot, t)

            @pl.when(t >= NBUF)
            def _():
                out_copy(slot, t - NBUF).wait()

            blk = t & 7
            row0 = blk * 2 * R
            vbuf, ibuf, obuf = vb[slot], ib[slot], ob[slot]
            zero = jnp.zeros((L,), jnp.float32)

            @plsc.parallel_loop(0, R, unroll=1)
            def inner(i_row):
                or0 = 2 * i_row
                or1 = or0 + 1
                for jj in range(0, WO, L):
                    obuf[or0, pl.ds(jj, L)] = zero
                    obuf[or1, pl.ds(jj, L)] = zero
                for jv in range(0, W, L):
                    v = vbuf[i_row, pl.ds(jv, L)]
                    ix = ibuf[i_row, pl.ds(jv, L)]
                    lr = (ix >> 9) - row0
                    lc = ix & 511
                    plsc.store_scatter(obuf, [lr, lc], v)

            out_copy(slot, t).start()

            @pl.when(t + NBUF < TPW)
            def _():
                start_in(slot, t + NBUF)
        return carry

    lax.fori_loop(0, TPW // NBUF, outer, 0)
    for slot in range(NBUF):
        out_copy(slot, TPW - NBUF + slot).wait()


_unpool_call = pl.kernel(
    _unpool_body,
    out_type=jax.ShapeDtypeStruct((B, C, HO, WO), jnp.float32),
    mesh=plsc.VectorSubcoreMesh(
        core_axis_name="c", subcore_axis_name="s",
        num_cores=NC, num_subcores=NS),
    compiler_params=pltpu.CompilerParams(
        needs_layout_passes=False, use_tc_tiling_on_sc=True),
    scratch_types=[
        pltpu.VMEM((R, W), jnp.float32),
        pltpu.VMEM((R, W), jnp.float32),
        pltpu.VMEM((R, W), jnp.int32),
        pltpu.VMEM((R, W), jnp.int32),
        pltpu.VMEM((2 * R, WO), jnp.float32),
        pltpu.VMEM((2 * R, WO), jnp.float32),
        pltpu.SemaphoreType.DMA,
        pltpu.SemaphoreType.DMA,
        pltpu.SemaphoreType.DMA,
        pltpu.SemaphoreType.DMA,
        pltpu.SemaphoreType.DMA,
        pltpu.SemaphoreType.DMA,
    ],
)


def kernel(inputs, indices):
    return _unpool_call(inputs, indices)

# --- scband reference (transcript-rebuilt; emitter-appended) ---
"""Pipeline reference for scband-my-max-un-pool-86474871538142 (READ-ONLY COPY).

The authoritative reference and input builder live on the scoring server;
editing this copy changes nothing except your own understanding.
"""

import jax, jax.numpy as jnp
import numpy as np


def setup_inputs(seed: int = 0) -> dict:
    key = jax.random.key(seed)
    B, C, H, W = 2, 96, 256, 256
    Ho = Wo = 512
    k1, k2 = jax.random.split(key)
    inputs = jax.random.normal(k1, (B, C, H, W), dtype=jnp.float32)
    # Build valid MaxPool2d(kernel=2, stride=2) argmax indices: for each pooled
    # position (i, j) pick one element of its 2x2 window in the (Ho, Wo) output
    # plane, flattened row-major (matches torch MaxUnpool2d index semantics).
    off = jax.random.randint(k2, (B, C, H, W, 2), 0, 2)
    rows = jnp.arange(H)[None, None, :, None] * 2 + off[..., 0]
    cols = jnp.arange(W)[None, None, None, :] * 2 + off[..., 1]
    indices = (rows * Wo + cols).astype(jnp.int32)
    return {"inputs": inputs, "indices": indices}


def reference(inputs, indices):
    # Faithful jax translation of nn.MaxUnpool2d(2) with
    # output_size=(B, C, 512, 512): scatter-overwrite pooled values into a
    # zero-initialized output plane at the recorded argmax flat indices.
    B, C, H, W = inputs.shape
    Ho = Wo = 512
    out = jnp.zeros((B, C, Ho * Wo), dtype=inputs.dtype)
    b_idx = jnp.arange(B)[:, None, None]
    c_idx = jnp.arange(C)[None, :, None]
    idx = indices.reshape(B, C, H * W)
    vals = inputs.reshape(B, C, H * W)
    out = out.at[b_idx, c_idx, idx].set(vals)
    return out.reshape(B, C, Ho, Wo)

if __name__ == "__main__":
    import jax
    _d = setup_inputs()
    print(jax.jit(kernel)(*tuple(_d.values())))

</pallas_src>

<mosaic_0001>
#map = affine_map<(d0, d1) -> (0, 0, 0, 0)>
module attributes {stable_mosaic.version = 14 : i64} {
  func.func @_unpool_body(%arg0: i32, %arg1: i32, %arg2: memref<2x96x256x256xf32, #tpu.memory_space<hbm>>, %arg3: memref<2x96x256x256xi32, #tpu.memory_space<hbm>>, %arg4: memref<2x96x512x512xf32, #tpu.memory_space<hbm>>, %arg5: memref<32x256xf32, #tpu.memory_space<vmem>>, %arg6: memref<32x256xf32, #tpu.memory_space<vmem>>, %arg7: memref<32x256xi32, #tpu.memory_space<vmem>>, %arg8: memref<32x256xi32, #tpu.memory_space<vmem>>, %arg9: memref<64x512xf32, #tpu.memory_space<vmem>>, %arg10: memref<64x512xf32, #tpu.memory_space<vmem>>, %arg11: memref<!tpu.dma_semaphore, #tpu.memory_space<semaphore_mem>>, %arg12: memref<!tpu.dma_semaphore, #tpu.memory_space<semaphore_mem>>, %arg13: memref<!tpu.dma_semaphore, #tpu.memory_space<semaphore_mem>>, %arg14: memref<!tpu.dma_semaphore, #tpu.memory_space<semaphore_mem>>, %arg15: memref<!tpu.dma_semaphore, #tpu.memory_space<semaphore_mem>>, %arg16: memref<!tpu.dma_semaphore, #tpu.memory_space<semaphore_mem>>) attributes {dimension_semantics = [#tpu.dimension_semantics<core_parallel>, #tpu.dimension_semantics<subcore_parallel>], iteration_bounds = array<i64: 2, 16>, scalar_prefetch = 0 : i64, scratch_operands = 12 : i64, tpu.core_type = #tpu.core_type<sc_vector_subcore>, window_params = [{transform_indices = #map}, {transform_indices = #map}, {transform_indices = #map}]} {
    %mul3A = arith.constant 2 : i32
    %mul3A_0 = arith.muli %arg1, %mul3A : i32
    %add3A = arith.addi %mul3A_0, %arg0 : i32
    %shift_right_arithmetic3A = arith.constant 4 : i32
    %shift_right_arithmetic3A_1 = arith.shrsi %add3A, %shift_right_arithmetic3A : i32
    %and3A = arith.constant 15 : i32
    %and3A_2 = arith.andi %add3A, %and3A : i32
    %mul3A_3 = arith.constant 6 : i32
    %mul3A_4 = arith.muli %and3A_2, %mul3A_3 : i32
    %add3A_5 = arith.constant 0 : i32
    %add3A_6 = arith.addi %mul3A_4, %add3A_5 : i32
    %add3A_7 = arith.constant 0 : i32
    %add3A_8 = arith.addi %mul3A_4, %add3A_7 : i32
    %dma_start3A = arith.constant 0 : i32
    %dma_start3A_9 = arith.constant 0 : i32
    %dma_start3A_10 = tpu.memref_slice %arg2[%shift_right_arithmetic3A_1, %add3A_6, %dma_start3A, %dma_start3A_9] : memref<2x96x256x256xf32, #tpu.memory_space<hbm>> -> memref<1x1x32x256xf32, #tpu.memory_space<hbm>>
    %dma_start3A_11 = tpu.memref_squeeze %dma_start3A_10 : memref<1x1x32x256xf32, #tpu.memory_space<hbm>> -> memref<32x256xf32, #tpu.memory_space<hbm>>
    %dma_start3A_12 = arith.constant 0 : i32
    %dma_start3A_13 = arith.constant 0 : i32
    %dma_start3A_14 = tpu.memref_slice %arg2[%shift_right_arithmetic3A_1, %add3A_6, %dma_start3A_12, %dma_start3A_13] : memref<2x96x256x256xf32, #tpu.memory_space<hbm>> -> memref<1x1x32x256xf32, #tpu.memory_space<hbm>>
    %dma_start3A_15 = tpu.memref_squeeze %dma_start3A_14 : memref<1x1x32x256xf32, #tpu.memory_space<hbm>> -> memref<32x256xf32, #tpu.memory_space<hbm>>
    tpu.enqueue_dma source(%dma_start3A_15 : memref<32x256xf32, #tpu.memory_space<hbm>>) target(%arg5 : memref<32x256xf32, #tpu.memory_space<vmem>>) target_semaphore(%arg11 : memref<!tpu.dma_semaphore, #tpu.memory_space<semaphore_mem>>)
    %dma_start3A_16 = arith.constant 0 : i32
    %dma_start3A_17 = arith.constant 0 : i32
    %dma_start3A_18 = tpu.memref_slice %arg3[%shift_right_arithmetic3A_1, %add3A_8, %dma_start3A_16, %dma_start3A_17] : memref<2x96x256x256xi32, #tpu.memory_space<hbm>> -> memref<1x1x32x256xi32, #tpu.memory_space<hbm>>
    %dma_start3A_19 = tpu.memref_squeeze %dma_start3A_18 : memref<1x1x32x256xi32, #tpu.memory_space<hbm>> -> memref<32x256xi32, #tpu.memory_space<hbm>>
    %dma_start3A_20 = arith.constant 0 : i32
    %dma_start3A_21 = arith.constant 0 : i32
    %dma_start3A_22 = tpu.memref_slice %arg3[%shift_right_arithmetic3A_1, %add3A_8, %dma_start3A_20, %dma_start3A_21] : memref<2x96x256x256xi32, #tpu.memory_space<hbm>> -> memref<1x1x32x256xi32, #tpu.memory_space<hbm>>
    %dma_start3A_23 = tpu.memref_squeeze %dma_start3A_22 : memref<1x1x32x256xi32, #tpu.memory_space<hbm>> -> memref<32x256xi32, #tpu.memory_space<hbm>>
    tpu.enqueue_dma source(%dma_start3A_23 : memref<32x256xi32, #tpu.memory_space<hbm>>) target(%arg7 : memref<32x256xi32, #tpu.memory_space<vmem>>) target_semaphore(%arg13 : memref<!tpu.dma_semaphore, #tpu.memory_space<semaphore_mem>>)
    %add3A_24 = arith.constant 0 : i32
    %add3A_25 = arith.addi %mul3A_4, %add3A_24 : i32
    %add3A_26 = arith.constant 0 : i32
    %add3A_27 = arith.addi %mul3A_4, %add3A_26 : i32
    %dma_start3A_28 = arith.constant 32 : i32
    %dma_start3A_29 = arith.constant 0 : i32
    %dma_start3A_30 = tpu.memref_slice %arg2[%shift_right_arithmetic3A_1, %add3A_25, %dma_start3A_28, %dma_start3A_29] : memref<2x96x256x256xf32, #tpu.memory_space<hbm>> -> memref<1x1x32x256xf32, #tpu.memory_space<hbm>>
    %dma_start3A_31 = tpu.memref_squeeze %dma_start3A_30 : memref<1x1x32x256xf32, #tpu.memory_space<hbm>> -> memref<32x256xf32, #tpu.memory_space<hbm>>
    %dma_start3A_32 = arith.constant 32 : i32
    %dma_start3A_33 = arith.constant 0 : i32
    %dma_start3A_34 = tpu.memref_slice %arg2[%shift_right_arithmetic3A_1, %add3A_25, %dma_start3A_32, %dma_start3A_33] : memref<2x96x256x256xf32, #tpu.memory_space<hbm>> -> memref<1x1x32x256xf32, #tpu.memory_space<hbm>>
    %dma_start3A_35 = tpu.memref_squeeze %dma_start3A_34 : memref<1x1x32x256xf32, #tpu.memory_space<hbm>> -> memref<32x256xf32, #tpu.memory_space<hbm>>
    tpu.enqueue_dma source(%dma_start3A_35 : memref<32x256xf32, #tpu.memory_space<hbm>>) target(%arg6 : memref<32x256xf32, #tpu.memory_space<vmem>>) target_semaphore(%arg12 : memref<!tpu.dma_semaphore, #tpu.memory_space<semaphore_mem>>)
    %dma_start3A_36 = arith.constant 32 : i32
    %dma_start3A_37 = arith.constant 0 : i32
    %dma_start3A_38 = tpu.memref_slice %arg3[%shift_right_arithmetic3A_1, %add3A_27, %dma_start3A_36, %dma_start3A_37] : memref<2x96x256x256xi32, #tpu.memory_space<hbm>> -> memref<1x1x32x256xi32, #tpu.memory_space<hbm>>
    %dma_start3A_39 = tpu.memref_squeeze %dma_start3A_38 : memref<1x1x32x256xi32, #tpu.memory_space<hbm>> -> memref<32x256xi32, #tpu.memory_space<hbm>>
    %dma_start3A_40 = arith.constant 32 : i32
    %dma_start3A_41 = arith.constant 0 : i32
    %dma_start3A_42 = tpu.memref_slice %arg3[%shift_right_arithmetic3A_1, %add3A_27, %dma_start3A_40, %dma_start3A_41] : memref<2x96x256x256xi32, #tpu.memory_space<hbm>> -> memref<1x1x32x256xi32, #tpu.memory_space<hbm>>
    %dma_start3A_43 = tpu.memref_squeeze %dma_start3A_42 : memref<1x1x32x256xi32, #tpu.memory_space<hbm>> -> memref<32x256xi32, #tpu.memory_space<hbm>>
    tpu.enqueue_dma source(%dma_start3A_43 : memref<32x256xi32, #tpu.memory_space<hbm>>) target(%arg8 : memref<32x256xi32, #tpu.memory_space<vmem>>) target_semaphore(%arg14 : memref<!tpu.dma_semaphore, #tpu.memory_space<semaphore_mem>>)
    %scan3A = arith.constant 0 : i32
    %scan3A_44 = arith.constant 0 : i32
    %scan3A_45 = arith.constant 24 : i32
    %scan3A_46 = arith.addi %scan3A_44, %scan3A_45 : i32
    %scan3A_47 = arith.constant 1 : i32
    scf.for %scan3A_68 = %scan3A_44 to %scan3A_46 step %scan3A_47  : i32 {
      %mul3A_69 = arith.constant 2 : i32
      %mul3A_70 = arith.muli %scan3A_68, %mul3A_69 : i32
      %add3A_71 = arith.constant 0 : i32
      %add3A_72 = arith.addi %mul3A_70, %add3A_71 : i32
      %shift_right_arithmetic3A_73 = arith.constant 3 : i32
      %shift_right_arithmetic3A_74 = arith.shrsi %add3A_72, %shift_right_arithmetic3A_73 : i32
      %and3A_75 = arith.constant 7 : i32
      %and3A_76 = arith.andi %add3A_72, %and3A_75 : i32
      %add3A_77 = arith.addi %mul3A_4, %shift_right_arithmetic3A_74 : i32
      %mul3A_78 = arith.constant 32 : i32
      %mul3A_79 = arith.muli %and3A_76, %mul3A_78 : i32
      %add3A_80 = arith.addi %mul3A_4, %shift_right_arithmetic3A_74 : i32
      %mul3A_81 = arith.constant 32 : i32
      %mul3A_82 = arith.muli %and3A_76, %mul3A_81 : i32
      %dma_wait3A_83 = arith.constant 0 : i32
      %dma_wait3A_84 = tpu.memref_slice %arg2[%shift_right_arithmetic3A_1, %add3A_77, %mul3A_79, %dma_wait3A_83] : memref<2x96x256x256xf32, #tpu.memory_space<hbm>> -> memref<1x1x32x256xf32, #tpu.memory_space<hbm>>
      %dma_wait3A_85 = tpu.memref_squeeze %dma_wait3A_84 : memref<1x1x32x256xf32, #tpu.memory_space<hbm>> -> memref<32x256xf32, #tpu.memory_space<hbm>>
      %dma_wait3A_86 = arith.constant 0 : i32
      %dma_wait3A_87 = tpu.memref_slice %arg2[%shift_right_arithmetic3A_1, %add3A_77, %mul3A_79, %dma_wait3A_86] : memref<2x96x256x256xf32, #tpu.memory_space<hbm>> -> memref<1x1x32x256xf32, #tpu.memory_space<hbm>>
      %dma_wait3A_88 = tpu.memref_squeeze %dma_wait3A_87 : memref<1x1x32x256xf32, #tpu.memory_space<hbm>> -> memref<32x256xf32, #tpu.memory_space<hbm>>
      tpu.wait_dma2 semaphore(%arg11 : memref<!tpu.dma_semaphore, #tpu.memory_space<semaphore_mem>>) src(%dma_wait3A_88 : memref<32x256xf32, #tpu.memory_space<hbm>>) dst(%arg5 : memref<32x256xf32, #tpu.memory_space<vmem>>)
      %dma_wait3A_89 = arith.constant 0 : i32
      %dma_wait3A_90 = tpu.memref_slice %arg3[%shift_right_arithmetic3A_1, %add3A_80, %mul3A_82, %dma_wait3A_89] : memref<2x96x256x256xi32, #tpu.memory_space<hbm>> -> memref<1x1x32x256xi32, #tpu.memory_space<hbm>>
      %dma_wait3A_91 = tpu.memref_squeeze %dma_wait3A_90 : memref<1x1x32x256xi32, #tpu.memory_space<hbm>> -> memref<32x256xi32, #tpu.memory_space<hbm>>
      %dma_wait3A_92 = arith.constant 0 : i32
      %dma_wait3A_93 = tpu.memref_slice %arg3[%shift_right_arithmetic3A_1, %add3A_80, %mul3A_82, %dma_wait3A_92] : memref<2x96x256x256xi32, #tpu.memory_space<hbm>> -> memref<1x1x32x256xi32, #tpu.memory_space<hbm>>
      %dma_wait3A_94 = tpu.memref_squeeze %dma_wait3A_93 : memref<1x1x32x256xi32, #tpu.memory_space<hbm>> -> memref<32x256xi32, #tpu.memory_space<hbm>>
      tpu.wait_dma2 semaphore(%arg13 : memref<!tpu.dma_semaphore, #tpu.memory_space<semaphore_mem>>) src(%dma_wait3A_94 : memref<32x256xi32, #tpu.memory_space<hbm>>) dst(%arg7 : memref<32x256xi32, #tpu.memory_space<vmem>>)
      %ge3A = arith.constant 2 : i32
      %ge3A_95 = arith.cmpi sge, %add3A_72, %ge3A : i32
      %convert_element_type3A = arith.extui %ge3A_95 : i1 to i32
      %cond3A = arith.constant 0 : i32
      %cond3A_96 = arith.cmpi ne, %convert_element_type3A, %cond3A : i32
      scf.if %cond3A_96 {
        %sub3A = arith.constant 2 : i32
        %sub3A_191 = arith.subi %add3A_72, %sub3A : i32
        %shift_right_arithmetic3A_192 = arith.constant 3 : i32
        %shift_right_arithmetic3A_193 = arith.shrsi %sub3A_191, %shift_right_arithmetic3A_192 : i32
        %and3A_194 = arith.constant 7 : i32
        %and3A_195 = arith.andi %sub3A_191, %and3A_194 : i32
        %add3A_196 = arith.addi %mul3A_4, %shift_right_arithmetic3A_193 : i32
        %mul3A_197 = arith.constant 2 : i32
        %mul3A_198 = arith.muli %and3A_195, %mul3A_197 : i32
        %mul3A_199 = arith.constant 32 : i32
        %mul3A_200 = arith.muli %mul3A_198, %mul3A_199 : i32
        %dma_wait3A_201 = arith.constant 0 : i32
        %dma_wait3A_202 = tpu.memref_slice %arg4[%shift_right_arithmetic3A_1, %add3A_196, %mul3A_200, %dma_wait3A_201] : memref<2x96x512x512xf32, #tpu.memory_space<hbm>> -> memref<1x1x64x512xf32, #tpu.memory_space<hbm>>
        %dma_wait3A_203 = tpu.memref_squeeze %dma_wait3A_202 : memref<1x1x64x512xf32, #tpu.memory_space<hbm>> -> memref<64x512xf32, #tpu.memory_space<hbm>>
        %dma_wait3A_204 = arith.constant 0 : i32
        %dma_wait3A_205 = tpu.memref_slice %arg4[%shift_right_arithmetic3A_1, %add3A_196, %mul3A_200, %dma_wait3A_204] : memref<2x96x512x512xf32, #tpu.memory_space<hbm>> -> memref<1x1x64x512xf32, #tpu.memory_space<hbm>>
        %dma_wait3A_206 = tpu.memref_squeeze %dma_wait3A_205 : memref<1x1x64x512xf32, #tpu.memory_space<hbm>> -> memref<64x512xf32, #tpu.memory_space<hbm>>
        tpu.wait_dma2 semaphore(%arg15 : memref<!tpu.dma_semaphore, #tpu.memory_space<semaphore_mem>>) src(%arg9 : memref<64x512xf32, #tpu.memory_space<vmem>>) dst(%dma_wait3A_206 : memref<64x512xf32, #tpu.memory_space<hbm>>)
      } else {
      }
      %and3A_97 = arith.constant 7 : i32
      %and3A_98 = arith.andi %add3A_72, %and3A_97 : i32
      %mul3A_99 = arith.constant 2 : i32
      %mul3A_100 = arith.muli %and3A_98, %mul3A_99 : i32
      %mul3A_101 = arith.constant 32 : i32
      %mul3A_102 = arith.muli %mul3A_100, %mul3A_101 : i32
      %broadcast_in_dim3A = arith.constant 0.000000e+00 : f32
      %broadcast_in_dim3A_103 = vector.broadcast %broadcast_in_dim3A : f32 to vector<16xf32>
      %parallel_loop3A = arith.constant 0 : i32
      %parallel_loop3A_104 = arith.constant 32 : i32
      %parallel_loop3A_105 = arith.constant 1 : i32
      scf.for %parallel_loop3A_191 = %parallel_loop3A to %parallel_loop3A_104 step %parallel_loop3A_105  : i32 {
        %parallel_loop3A_192 = arith.constant 2 : i32
        %parallel_loop3A_193 = arith.muli %parallel_loop3A_192, %parallel_loop3A_191 : i32
        %parallel_loop3A_194 = arith.constant 1 : i32
        %parallel_loop3A_195 = arith.addi %parallel_loop3A_193, %parallel_loop3A_194 : i32
        %parallel_loop3A_196 = arith.index_cast %parallel_loop3A_193 : i32 to index
        %parallel_loop3A_197 = arith.constant 0 : index
        %parallel_loop3A_198 = tpu.vector_load %arg9[%parallel_loop3A_196, %parallel_loop3A_197] {strides = array<i32>} : memref<64x512xf32, #tpu.memory_space<vmem>>, vector<16xf32>,
        tpu.vector_store %arg9[%parallel_loop3A_196, %parallel_loop3A_197], %broadcast_in_dim3A_103 {strides = array<i32>} : memref<64x512xf32, #tpu.memory_space<vmem>>, vector<16xf32>,
        %parallel_loop3A_199 = arith.index_cast %parallel_loop3A_195 : i32 to index
        %parallel_loop3A_200 = arith.constant 0 : index
        %parallel_loop3A_201 = tpu.vector_load %arg9[%parallel_loop3A_199, %parallel_loop3A_200] {strides = array<i32>} : memref<64x512xf32, #tpu.memory_space<vmem>>, vector<16xf32>,
        tpu.vector_store %arg9[%parallel_loop3A_199, %parallel_loop3A_200], %broadcast_in_dim3A_103 {strides = array<i32>} : memref<64x512xf32, #tpu.memory_space<vmem>>, vector<16xf32>,
        %parallel_loop3A_202 = arith.index_cast %parallel_loop3A_193 : i32 to index
        %parallel_loop3A_203 = arith.constant 16 : index
        %parallel_loop3A_204 = tpu.vector_load %arg9[%parallel_loop3A_202, %parallel_loop3A_203] {strides = array<i32>} : memref<64x512xf32, #tpu.memory_space<vmem>>, vector<16xf32>,
        tpu.vector_store %arg9[%parallel_loop3A_202, %parallel_loop3A_203], %broadcast_in_dim3A_103 {strides = array<i32>} : memref<64x512xf32, #tpu.memory_space<vmem>>, vector<16xf32>,
        %parallel_loop3A_205 = arith.index_cast %parallel_loop3A_195 : i32 to index
        %parallel_loop3A_206 = arith.constant 16 : index
        %parallel_loop3A_207 = tpu.vector_load %arg9[%parallel_loop3A_205, %parallel_loop3A_206] {strides = array<i32>} : memref<64x512xf32, #tpu.memory_space<vmem>>, vector<16xf32>,
        tpu.vector_store %arg9[%parallel_loop3A_205, %parallel_loop3A_206], %broadcast_in_dim3A_103 {strides = array<i32>} : memref<64x512xf32, #tpu.memory_space<vmem>>, vector<16xf32>,
        %parallel_loop3A_208 = arith.index_cast %parallel_loop3A_193 : i32 to index
        %parallel_loop3A_209 = arith.constant 32 : index
        %parallel_loop3A_210 = tpu.vector_load %arg9[%parallel_loop3A_208, %parallel_loop3A_209] {strides = array<i32>} : memref<64x512xf32, #tpu.memory_space<vmem>>, vector<16xf32>,
        tpu.vector_store %arg9[%parallel_loop3A_208, %parallel_loop3A_209], %broadcast_in_dim3A_103 {strides = array<i32>} : memref<64x512xf32, #tpu.memory_space<vmem>>, vector<16xf32>,
        %parallel_loop3A_211 = arith.index_cast %parallel_loop3A_195 : i32 to index
        %parallel_loop3A_212 = arith.constant 32 : index
        %parallel_loop3A_213 = tpu.vector_load %arg9[%parallel_loop3A_211, %parallel_loop3A_212] {strides = array<i32>} : memref<64x512xf32, #tpu.memory_space<vmem>>, vector<16xf32>,
        tpu.vector_store %arg9[%parallel_loop3A_211, %parallel_loop3A_212], %broadcast_in_dim3A_103 {strides = array<i32>} : memref<64x512xf32, #tpu.memory_space<vmem>>, vector<16xf32>,
        %parallel_loop3A_214 = arith.index_cast %parallel_loop3A_193 : i32 to index
        %parallel_loop3A_215 = arith.constant 48 : index
        %parallel_loop3A_216 = tpu.vector_load %arg9[%parallel_loop3A_214, %parallel_loop3A_215] {strides = array<i32>} : memref<64x512xf32, #tpu.memory_space<vmem>>, vector<16xf32>,
        tpu.vector_store %arg9[%parallel_loop3A_214, %parallel_loop3A_215], %broadcast_in_dim3A_103 {strides = array<i32>} : memref<64x512xf32, #tpu.memory_space<vmem>>, vector<16xf32>,
        %parallel_loop3A_217 = arith.index_cast %parallel_loop3A_195 : i32 to index
        %parallel_loop3A_218 = arith.constant 48 : index
        %parallel_loop3A_219 = tpu.vector_load %arg9[%parallel_loop3A_217, %parallel_loop3A_218] {strides = array<i32>} : memref<64x512xf32, #tpu.memory_space<vmem>>, vector<16xf32>,
        tpu.vector_store %arg9[%parallel_loop3A_217, %parallel_loop3A_218], %broadcast_in_dim3A_103 {strides = array<i32>} : memref<64x512xf32, #tpu.memory_space<vmem>>, vector<16xf32>,
        %parallel_loop3A_220 = arith.index_cast %parallel_loop3A_193 : i32 to index
        %parallel_loop3A_221 = arith.constant 64 : index
        %parallel_loop3A_222 = tpu.vector_load %arg9[%parallel_loop3A_220, %parallel_loop3A_221] {strides = array<i32>} : memref<64x512xf32, #tpu.memory_space<vmem>>, vector<16xf32>,
        tpu.vector_store %arg9[%parallel_loop3A_220, %parallel_loop3A_221], %broadcast_in_dim3A_103 {strides = array<i32>} : memref<64x512xf32, #tpu.memory_space<vmem>>, vector<16xf32>,
        %parallel_loop3A_223 = arith.index_cast %parallel_loop3A_195 : i32 to index
        %parallel_loop3A_224 = arith.constant 64 : index
        %parallel_loop3A_225 = tpu.vector_load %arg9[%parallel_loop3A_223, %parallel_loop3A_224] {strides = array<i32>} : memref<64x512xf32, #tpu.memory_space<vmem>>, vector<16xf32>,
        tpu.vector_store %arg9[%parallel_loop3A_223, %parallel_loop3A_224], %broadcast_in_dim3A_103 {strides = array<i32>} : memref<64x512xf32, #tpu.memory_space<vmem>>, vector<16xf32>,
        %parallel_loop3A_226 = arith.index_cast %parallel_loop3A_193 : i32 to index
        %parallel_loop3A_227 = arith.constant 80 : index
        %parallel_loop3A_228 = tpu.vector_load %arg9[%parallel_loop3A_226, %parallel_loop3A_227] {strides = array<i32>} : memref<64x512xf32, #tpu.memory_space<vmem>>, vector<16xf32>,
        tpu.vector_store %arg9[%parallel_loop3A_226, %parallel_loop3A_227], %broadcast_in_dim3A_103 {strides = array<i32>} : memref<64x512xf32, #tpu.memory_space<vmem>>, vector<16xf32>,
        %parallel_loop3A_229 = arith.index_cast %parallel_loop3A_195 : i32 to index
        %parallel_loop3A_230 = arith.constant 80 : index
        %parallel_loop3A_231 = tpu.vector_load %arg9[%parallel_loop3A_229, %parallel_loop3A_230] {strides = array<i32>} : memref<64x512xf32, #tpu.memory_space<vmem>>, vector<16xf32>,
        tpu.vector_store %arg9[%parallel_loop3A_229, %parallel_loop3A_230], %broadcast_in_dim3A_103 {strides = array<i32>} : memref<64x512xf32, #tpu.memory_space<vmem>>, vector<16xf32>,
        %parallel_loop3A_232 = arith.index_cast %parallel_loop3A_193 : i32 to index
        %parallel_loop3A_233 = arith.constant 96 : index
        %parallel_loop3A_234 = tpu.vector_load %arg9[%parallel_loop3A_232, %parallel_loop3A_233] {strides = array<i32>} : memref<64x512xf32, #tpu.memory_space<vmem>>, vector<16xf32>,
        tpu.vector_store %arg9[%parallel_loop3A_232, %parallel_loop3A_233], %broadcast_in_dim3A_103 {strides = array<i32>} : memref<64x512xf32, #tpu.memory_space<vmem>>, vector<16xf32>,
        %parallel_loop3A_235 = arith.index_cast %parallel_loop3A_195 : i32 to index
        %parallel_loop3A_236 = arith.constant 96 : index
        %parallel_loop3A_237 = tpu.vector_load %arg9[%parallel_loop3A_235, %parallel_loop3A_236] {strides = array<i32>} : memref<64x512xf32, #tpu.memory_space<vmem>>, vector<16xf32>,
        tpu.vector_store %arg9[%parallel_loop3A_235, %parallel_loop3A_236], %broadcast_in_dim3A_103 {strides = array<i32>} : memref<64x512xf32, #tpu.memory_space<vmem>>, vector<16xf32>,
        %parallel_loop3A_238 = arith.index_cast %parallel_loop3A_193 : i32 to index
        %parallel_loop3A_239 = arith.constant 112 : index
        %parallel_loop3A_240 = tpu.vector_load %arg9[%parallel_loop3A_238, %parallel_loop3A_239] {strides = array<i32>} : memref<64x512xf32, #tpu.memory_space<vmem>>, vector<16xf32>,
        tpu.vector_store %arg9[%parallel_loop3A_238, %parallel_loop3A_239], %broadcast_in_dim3A_103 {strides = array<i32>} : memref<64x512xf32, #tpu.memory_space<vmem>>, vector<16xf32>,
        %parallel_loop3A_241 = arith.index_cast %parallel_loop3A_195 : i32 to index
        %parallel_loop3A_242 = arith.constant 112 : index
        %parallel_loop3A_243 = tpu.vector_load %arg9[%parallel_loop3A_241, %parallel_loop3A_242] {strides = array<i32>} : memref<64x512xf32, #tpu.memory_space<vmem>>, vector<16xf32>,
        tpu.vector_store %arg9[%parallel_loop3A_241, %parallel_loop3A_242], %broadcast_in_dim3A_103 {strides = array<i32>} : memref<64x512xf32, #tpu.memory_space<vmem>>, vector<16xf32>,
        %parallel_loop3A_244 = arith.index_cast %parallel_loop3A_193 : i32 to index
        %parallel_loop3A_245 = arith.constant 128 : index
        %parallel_loop3A_246 = tpu.vector_load %arg9[%parallel_loop3A_244, %parallel_loop3A_245] {strides = array<i32>} : memref<64x512xf32, #tpu.memory_space<vmem>>, vector<16xf32>,
        tpu.vector_store %arg9[%parallel_loop3A_244, %parallel_loop3A_245], %broadcast_in_dim3A_103 {strides = array<i32>} : memref<64x512xf32, #tpu.memory_space<vmem>>, vector<16xf32>,
        %parallel_loop3A_247 = arith.index_cast %parallel_loop3A_195 : i32 to index
        %parallel_loop3A_248 = arith.constant 128 : index
        %parallel_loop3A_249 = tpu.vector_load %arg9[%parallel_loop3A_247, %parallel_loop3A_248] {strides = array<i32>} : memref<64x512xf32, #tpu.memory_space<vmem>>, vector<16xf32>,
        tpu.vector_store %arg9[%parallel_loop3A_247, %parallel_loop3A_248], %broadcast_in_dim3A_103 {strides = array<i32>} : memref<64x512xf32, #tpu.memory_space<vmem>>, vector<16xf32>,
        %parallel_loop3A_250 = arith.index_cast %parallel_loop3A_193 : i32 to index
        %parallel_loop3A_251 = arith.constant 144 : index
        %parallel_loop3A_252 = tpu.vector_load %arg9[%parallel_loop3A_250, %parallel_loop3A_251] {strides = array<i32>} : memref<64x512xf32, #tpu.memory_space<vmem>>, vector<16xf32>,
        tpu.vector_store %arg9[%parallel_loop3A_250, %parallel_loop3A_251], %broadcast_in_dim3A_103 {strides = array<i32>} : memref<64x512xf32, #tpu.memory_space<vmem>>, vector<16xf32>,
        %parallel_loop3A_253 = arith.index_cast %parallel_loop3A_195 : i32 to index
        %parallel_loop3A_254 = arith.constant 144 : index
        %parallel_loop3A_255 = tpu.vector_load %arg9[%parallel_loop3A_253, %parallel_loop3A_254] {strides = array<i32>} : memref<64x512xf32, #tpu.memory_space<vmem>>, vector<16xf32>,
        tpu.vector_store %arg9[%parallel_loop3A_253, %parallel_loop3A_254], %broadcast_in_dim3A_103 {strides = array<i32>} : memref<64x512xf32, #tpu.memory_space<vmem>>, vector<16xf32>,
        %parallel_loop3A_256 = arith.index_cast %parallel_loop3A_193 : i32 to index
        %parallel_loop3A_257 = arith.constant 160 : index
        %parallel_loop3A_258 = tpu.vector_load %arg9[%parallel_loop3A_256, %parallel_loop3A_257] {strides = array<i32>} : memref<64x512xf32, #tpu.memory_space<vmem>>, vector<16xf32>,
        tpu.vector_store %arg9[%parallel_loop3A_256, %parallel_loop3A_257], %broadcast_in_dim3A_103 {strides = array<i32>} : memref<64x512xf32, #tpu.memory_space<vmem>>, vector<16xf32>,
        %parallel_loop3A_259 = arith.index_cast %parallel_loop3A_195 : i32 to index
        %parallel_loop3A_260 = arith.constant 160 : index
        %parallel_loop3A_261 = tpu.vector_load %arg9[%parallel_loop3A_259, %parallel_loop3A_260] {strides = array<i32>} : memref<64x512xf32, #tpu.memory_space<vmem>>, vector<16xf32>,
        tpu.vector_store %arg9[%parallel_loop3A_259, %parallel_loop3A_260], %broadcast_in_dim3A_103 {strides = array<i32>} : memref<64x512xf32, #tpu.memory_space<vmem>>, vector<16xf32>,
        %parallel_loop3A_262 = arith.index_cast %parallel_loop3A_193 : i32 to index
        %parallel_loop3A_263 = arith.constant 176 : index
        %parallel_loop3A_264 = tpu.vector_load %arg9[%parallel_loop3A_262, %parallel_loop3A_263] {strides = array<i32>} : memref<64x512xf32, #tpu.memory_space<vmem>>, vector<16xf32>,
        tpu.vector_store %arg9[%parallel_loop3A_262, %parallel_loop3A_263], %broadcast_in_dim3A_103 {strides = array<i32>} : memref<64x512xf32, #tpu.memory_space<vmem>>, vector<16xf32>,
        %parallel_loop3A_265 = arith.index_cast %parallel_loop3A_195 : i32 to index
        %parallel_loop3A_266 = arith.constant 176 : index
        %parallel_loop3A_267 = tpu.vector_load %arg9[%parallel_loop3A_265, %parallel_loop3A_266] {strides = array<i32>} : memref<64x512xf32, #tpu.memory_space<vmem>>, vector<16xf32>,
        tpu.vector_store %arg9[%parallel_loop3A_265, %parallel_loop3A_266], %broadcast_in_dim3A_103 {strides = array<i32>} : memref<64x512xf32, #tpu.memory_space<vmem>>, vector<16xf32>,
        %parallel_loop3A_268 = arith.index_cast %parallel_loop3A_193 : i32 to index
        %parallel_loop3A_269 = arith.constant 192 : index
        %parallel_loop3A_270 = tpu.vector_load %arg9[%parallel_loop3A_268, %parallel_loop3A_269] {strides = array<i32>} : memref<64x512xf32, #tpu.memory_space<vmem>>, vector<16xf32>,
        tpu.vector_store %arg9[%parallel_loop3A_268, %parallel_loop3A_269], %broadcast_in_dim3A_103 {strides = array<i32>} : memref<64x512xf32, #tpu.memory_space<vmem>>, vector<16xf32>,
        %parallel_loop3A_271 = arith.index_cast %parallel_loop3A_195 : i32 to index
        %parallel_loop3A_272 = arith.constant 192 : index
        %parallel_loop3A_273 = tpu.vector_load %arg9[%parallel_loop3A_271, %parallel_loop3A_272] {strides = array<i32>} : memref<64x512xf32, #tpu.memory_space<vmem>>, vector<16xf32>,
        tpu.vector_store %arg9[%parallel_loop3A_271, %parallel_loop3A_272], %broadcast_in_dim3A_103 {strides = array<i32>} : memref<64x512xf32, #tpu.memory_space<vmem>>, vector<16xf32>,
        %parallel_loop3A_274 = arith.index_cast %parallel_loop3A_193 : i32 to index
        %parallel_loop3A_275 = arith.constant 208 : index
        %parallel_loop3A_276 = tpu.vector_load %arg9[%parallel_loop3A_274, %parallel_loop3A_275] {strides = array<i32>} : memref<64x512xf32, #tpu.memory_space<vmem>>, vector<16xf32>,
        tpu.vector_store %arg9[%parallel_loop3A_274, %parallel_loop3A_275], %broadcast_in_dim3A_103 {strides = array<i32>} : memref<64x512xf32, #tpu.memory_space<vmem>>, vector<16xf32>,
        %parallel_loop3A_277 = arith.index_cast %parallel_loop3A_195 : i32 to index
        %parallel_loop3A_278 = arith.constant 208 : index
        %parallel_loop3A_279 = tpu.vector_load %arg9[%parallel_loop3A_277, %parallel_loop3A_278] {strides = array<i32>} : memref<64x512xf32, #tpu.memory_space<vmem>>, vector<16xf32>,
        tpu.vector_store %arg9[%parallel_loop3A_277, %parallel_loop3A_278], %broadcast_in_dim3A_103 {strides = array<i32>} : memref<64x512xf32, #tpu.memory_space<vmem>>, vector<16xf32>,
        %parallel_loop3A_280 = arith.index_cast %parallel_loop3A_193 : i32 to index
        %parallel_loop3A_281 = arith.constant 224 : index
        %parallel_loop3A_282 = tpu.vector_load %arg9[%parallel_loop3A_280, %parallel_loop3A_281] {strides = array<i32>} : memref<64x512xf32, #tpu.memory_space<vmem>>, vector<16xf32>,
        tpu.vector_store %arg9[%parallel_loop3A_280, %parallel_loop3A_281], %broadcast_in_dim3A_103 {strides = array<i32>} : memref<64x512xf32, #tpu.memory_space<vmem>>, vector<16xf32>,
        %parallel_loop3A_283 = arith.index_cast %parallel_loop3A_195 : i32 to index
        %parallel_loop3A_284 = arith.constant 224 : index
        %parallel_loop3A_285 = tpu.vector_load %arg9[%parallel_loop3A_283, %parallel_loop3A_284] {strides = array<i32>} : memref<64x512xf32, #tpu.memory_space<vmem>>, vector<16xf32>,
        tpu.vector_store %arg9[%parallel_loop3A_283, %parallel_loop3A_284], %broadcast_in_dim3A_103 {strides = array<i32>} : memref<64x512xf32, #tpu.memory_space<vmem>>, vector<16xf32>,
        %parallel_loop3A_286 = arith.index_cast %parallel_loop3A_193 : i32 to index
        %parallel_loop3A_287 = arith.constant 240 : index
        %parallel_loop3A_288 = tpu.vector_load %arg9[%parallel_loop3A_286, %parallel_loop3A_287] {strides = array<i32>} : memref<64x512xf32, #tpu.memory_space<vmem>>, vector<16xf32>,
        tpu.vector_store %arg9[%parallel_loop3A_286, %parallel_loop3A_287], %broadcast_in_dim3A_103 {strides = array<i32>} : memref<64x512xf32, #tpu.memory_space<vmem>>, vector<16xf32>,
        %parallel_loop3A_289 = arith.index_cast %parallel_loop3A_195 : i32 to index
        %parallel_loop3A_290 = arith.constant 240 : index
        %parallel_loop3A_291 = tpu.vector_load %arg9[%parallel_loop3A_289, %parallel_loop3A_290] {strides = array<i32>} : memref<64x512xf32, #tpu.memory_space<vmem>>, vector<16xf32>,
        tpu.vector_store %arg9[%parallel_loop3A_289, %parallel_loop3A_290], %broadcast_in_dim3A_103 {strides = array<i32>} : memref<64x512xf32, #tpu.memory_space<vmem>>, vector<16xf32>,
        %parallel_loop3A_292 = arith.index_cast %parallel_loop3A_193 : i32 to index
        %parallel_loop3A_293 = arith.constant 256 : index
        %parallel_loop3A_294 = tpu.vector_load %arg9[%parallel_loop3A_292, %parallel_loop3A_293] {strides = array<i32>} : memref<64x512xf32, #tpu.memory_space<vmem>>, vector<16xf32>,
        tpu.vector_store %arg9[%parallel_loop3A_292, %parallel_loop3A_293], %broadcast_in_dim3A_103 {strides = array<i32>} : memref<64x512xf32, #tpu.memory_space<vmem>>, vector<16xf32>,
        %parallel_loop3A_295 = arith.index_cast %parallel_loop3A_195 : i32 to index
        %parallel_loop3A_296 = arith.constant 256 : index
        %parallel_loop3A_297 = tpu.vector_load %arg9[%parallel_loop3A_295, %parallel_loop3A_296] {strides = array<i32>} : memref<64x512xf32, #tpu.memory_space<vmem>>, vector<16xf32>,
        tpu.vector_store %arg9[%parallel_loop3A_295, %parallel_loop3A_296], %broadcast_in_dim3A_103 {strides = array<i32>} : memref<64x512xf32, #tpu.memory_space<vmem>>, vector<16xf32>,
        %parallel_loop3A_298 = arith.index_cast %parallel_loop3A_193 : i32 to index
        %parallel_loop3A_299 = arith.constant 272 : index
        %parallel_loop3A_300 = tpu.vector_load %arg9[%parallel_loop3A_298, %parallel_loop3A_299] {strides = array<i32>} : memref<64x512xf32, #tpu.memory_space<vmem>>, vector<16xf32>,
        tpu.vector_store %arg9[%parallel_loop3A_298, %parallel_loop3A_299], %broadcast_in_dim3A_103 {strides = array<i32>} : memref<64x512xf32, #tpu.memory_space<vmem>>, vector<16xf32>,
        %parallel_loop3A_301 = arith.index_cast %parallel_loop3A_195 : i32 to index
        %parallel_loop3A_302 = arith.constant 272 : index
        %parallel_loop3A_303 = tpu.vector_load %arg9[%parallel_loop3A_301, %parallel_loop3A_302] {strides = array<i32>} : memref<64x512xf32, #tpu.memory_space<vmem>>, vector<16xf32>,
        tpu.vector_store %arg9[%parallel_loop3A_301, %parallel_loop3A_302], %broadcast_in_dim3A_103 {strides = array<i32>} : memref<64x512xf32, #tpu.memory_space<vmem>>, vector<16xf32>,
        %parallel_loop3A_304 = arith.index_cast %parallel_loop3A_193 : i32 to index
        %parallel_loop3A_305 = arith.constant 288 : index
        %parallel_loop3A_306 = tpu.vector_load %arg9[%parallel_loop3A_304, %parallel_loop3A_305] {strides = array<i32>} : memref<64x512xf32, #tpu.memory_space<vmem>>, vector<16xf32>,
        tpu.vector_store %arg9[%parallel_loop3A_304, %parallel_loop3A_305], %broadcast_in_dim3A_103 {strides = array<i32>} : memref<64x512xf32, #tpu.memory_space<vmem>>, vector<16xf32>,
        %parallel_loop3A_307 = arith.index_cast %parallel_loop3A_195 : i32 to index
        %parallel_loop3A_308 = arith.constant 288 : index
        %parallel_loop3A_309 = tpu.vector_load %arg9[%parallel_loop3A_307, %parallel_loop3A_308] {strides = array<i32>} : memref<64x512xf32, #tpu.memory_space<vmem>>, vector<16xf32>,
        tpu.vector_store %arg9[%parallel_loop3A_307, %parallel_loop3A_308], %broadcast_in_dim3A_103 {strides = array<i32>} : memref<64x512xf32, #tpu.memory_space<vmem>>, vector<16xf32>,
        %parallel_loop3A_310 = arith.index_cast %parallel_loop3A_193 : i32 to index
        %parallel_loop3A_311 = arith.constant 304 : index
        %parallel_loop3A_312 = tpu.vector_load %arg9[%parallel_loop3A_310, %parallel_loop3A_311] {strides = array<i32>} : memref<64x512xf32, #tpu.memory_space<vmem>>, vector<16xf32>,
        tpu.vector_store %arg9[%parallel_loop3A_310, %parallel_loop3A_311], %broadcast_in_dim3A_103 {strides = array<i32>} : memref<64x512xf32, #tpu.memory_space<vmem>>, vector<16xf32>,
        %parallel_loop3A_313 = arith.index_cast %parallel_loop3A_195 : i32 to index
        %parallel_loop3A_314 = arith.constant 304 : index
        %parallel_loop3A_315 = tpu.vector_load %arg9[%parallel_loop3A_313, %parallel_loop3A_314] {strides = array<i32>} : memref<64x512xf32, #tpu.memory_space<vmem>>, vector<16xf32>,
        tpu.vector_store %arg9[%parallel_loop3A_313, %parallel_loop3A_314], %broadcast_in_dim3A_103 {strides = array<i32>} : memref<64x512xf32, #tpu.memory_space<vmem>>, vector<16xf32>,
        %parallel_loop3A_316 = arith.index_cast %parallel_loop3A_193 : i32 to index
        %parallel_loop3A_317 = arith.constant 320 : index
        %parallel_loop3A_318 = tpu.vector_load %arg9[%parallel_loop3A_316, %parallel_loop3A_317] {strides = array<i32>} : memref<64x512xf32, #tpu.memory_space<vmem>>, vector<16xf32>,
        tpu.vector_store %arg9[%parallel_loop3A_316, %parallel_loop3A_317], %broadcast_in_dim3A_103 {strides = array<i32>} : memref<64x512xf32, #tpu.memory_space<vmem>>, vector<16xf32>,
        %parallel_loop3A_319 = arith.index_cast %parallel_loop3A_195 : i32 to index
        %parallel_loop3A_320 = arith.constant 320 : index
        %parallel_loop3A_321 = tpu.vector_load %arg9[%parallel_loop3A_319, %parallel_loop3A_320] {strides = array<i32>} : memref<64x512xf32, #tpu.memory_space<vmem>>, vector<16xf32>,
        tpu.vector_store %arg9[%parallel_loop3A_319, %parallel_loop3A_320], %broadcast_in_dim3A_103 {strides = array<i32>} : memref<64x512xf32, #tpu.memory_space<vmem>>, vector<16xf32>,
        %parallel_loop3A_322 = arith.index_cast %parallel_loop3A_193 : i32 to index
        %parallel_loop3A_323 = arith.constant 336 : index
        %parallel_loop3A_324 = tpu.vector_load %arg9[%parallel_loop3A_322, %parallel_loop3A_323] {strides = array<i32>} : memref<64x512xf32, #tpu.memory_space<vmem>>, vector<16xf32>,
        tpu.vector_store %arg9[%parallel_loop3A_322, %parallel_loop3A_323], %broadcast_in_dim3A_103 {strides = array<i32>} : memref<64x512xf32, #tpu.memory_space<vmem>>, vector<16xf32>,
        %parallel_loop3A_325 = arith.index_cast %parallel_loop3A_195 : i32 to index
        %parallel_loop3A_326 = arith.constant 336 : index
        %parallel_loop3A_327 = tpu.vector_load %arg9[%parallel_loop3A_325, %parallel_loop3A_326] {strides = array<i32>} : memref<64x512xf32, #tpu.memory_space<vmem>>, vector<16xf32>,
        tpu.vector_store %arg9[%parallel_loop3A_325, %parallel_loop3A_326], %broadcast_in_dim3A_103 {strides = array<i32>} : memref<64x512xf32, #tpu.memory_space<vmem>>, vector<16xf32>,
        %parallel_loop3A_328 = arith.index_cast %parallel_loop3A_193 : i32 to index
        %parallel_loop3A_329 = arith.constant 352 : index
        %parallel_loop3A_330 = tpu.vector_load %arg9[%parallel_loop3A_328, %parallel_loop3A_329] {strides = array<i32>} : memref<64x512xf32, #tpu.memory_space<vmem>>, vector<16xf32>,
        tpu.vector_store %arg9[%parallel_loop3A_328, %parallel_loop3A_329], %broadcast_in_dim3A_103 {strides = array<i32>} : memref<64x512xf32, #tpu.memory_space<vmem>>, vector<16xf32>,
        %parallel_loop3A_331 = arith.index_cast %parallel_loop3A_195 : i32 to index
        %parallel_loop3A_332 = arith.constant 352 : index
        %parallel_loop3A_333 = tpu.vector_load %arg9[%parallel_loop3A_331, %parallel_loop3A_332] {strides = array<i32>} : memref<64x512xf32, #tpu.memory_space<vmem>>, vector<16xf32>,
        tpu.vector_store %arg9[%parallel_loop3A_331, %parallel_loop3A_332], %broadcast_in_dim3A_103 {strides = array<i32>} : memref<64x512xf32, #tpu.memory_space<vmem>>, vector<16xf32>,
        %parallel_loop3A_334 = arith.index_cast %parallel_loop3A_193 : i32 to index
        %parallel_loop3A_335 = arith.constant 368 : index
        %parallel_loop3A_336 = tpu.vector_load %arg9[%parallel_loop3A_334, %parallel_loop3A_335] {strides = array<i32>} : memref<64x512xf32, #tpu.memory_space<vmem>>, vector<16xf32>,
        tpu.vector_store %arg9[%parallel_loop3A_334, %parallel_loop3A_335], %broadcast_in_dim3A_103 {strides = array<i32>} : memref<64x512xf32, #tpu.memory_space<vmem>>, vector<16xf32>,
        %parallel_loop3A_337 = arith.index_cast %parallel_loop3A_195 : i32 to index
        %parallel_loop3A_338 = arith.constant 368 : index
        %parallel_loop3A_339 = tpu.vector_load %arg9[%parallel_loop3A_337, %parallel_loop3A_338] {strides = array<i32>} : memref<64x512xf32, #tpu.memory_space<vmem>>, vector<16xf32>,
        tpu.vector_store %arg9[%parallel_loop3A_337, %parallel_loop3A_338], %broadcast_in_dim3A_103 {strides = array<i32>} : memref<64x512xf32, #tpu.memory_space<vmem>>, vector<16xf32>,
        %parallel_loop3A_340 = arith.index_cast %parallel_loop3A_193 : i32 to index
        %parallel_loop3A_341 = arith.constant 384 : index
        %parallel_loop3A_342 = tpu.vector_load %arg9[%parallel_loop3A_340, %parallel_loop3A_341] {strides = array<i32>} : memref<64x512xf32, #tpu.memory_space<vmem>>, vector<16xf32>,
        tpu.vector_store %arg9[%parallel_loop3A_340, %parallel_loop3A_341], %broadcast_in_dim3A_103 {strides = array<i32>} : memref<64x512xf32, #tpu.memory_space<vmem>>, vector<16xf32>,
        %parallel_loop3A_343 = arith.index_cast %parallel_loop3A_195 : i32 to index
        %parallel_loop3A_344 = arith.constant 384 : index
        %parallel_loop3A_345 = tpu.vector_load %arg9[%parallel_loop3A_343, %parallel_loop3A_344] {strides = array<i32>} : memref<64x512xf32, #tpu.memory_space<vmem>>, vector<16xf32>,
        tpu.vector_store %arg9[%parallel_loop3A_343, %parallel_loop3A_344], %broadcast_in_dim3A_103 {strides = array<i32>} : memref<64x512xf32, #tpu.memory_space<vmem>>, vector<16xf32>,
        %parallel_loop3A_346 = arith.index_cast %parallel_loop3A_193 : i32 to index
        %parallel_loop3A_347 = arith.constant 400 : index
        %parallel_loop3A_348 = tpu.vector_load %arg9[%parallel_loop3A_346, %parallel_loop3A_347] {strides = array<i32>} : memref<64x512xf32, #tpu.memory_space<vmem>>, vector<16xf32>,
        tpu.vector_store %arg9[%parallel_loop3A_346, %parallel_loop3A_347], %broadcast_in_dim3A_103 {strides = array<i32>} : memref<64x512xf32, #tpu.memory_space<vmem>>, vector<16xf32>,
        %parallel_loop3A_349 = arith.index_cast %parallel_loop3A_195 : i32 to index
        %parallel_loop3A_350 = arith.constant 400 : index
        %parallel_loop3A_351 = tpu.vector_load %arg9[%parallel_loop3A_349, %parallel_loop3A_350] {strides = array<i32>} : memref<64x512xf32, #tpu.memory_space<vmem>>, vector<16xf32>,
        tpu.vector_store %arg9[%parallel_loop3A_349, %parallel_loop3A_350], %broadcast_in_dim3A_103 {strides = array<i32>} : memref<64x512xf32, #tpu.memory_space<vmem>>, vector<16xf32>,
        %parallel_loop3A_352 = arith.index_cast %parallel_loop3A_193 : i32 to index
        %parallel_loop3A_353 = arith.constant 416 : index
        %parallel_loop3A_354 = tpu.vector_load %arg9[%parallel_loop3A_352, %parallel_loop3A_353] {strides = array<i32>} : memref<64x512xf32, #tpu.memory_space<vmem>>, vector<16xf32>,
        tpu.vector_store %arg9[%parallel_loop3A_352, %parallel_loop3A_353], %broadcast_in_dim3A_103 {strides = array<i32>} : memref<64x512xf32, #tpu.memory_space<vmem>>, vector<16xf32>,
        %parallel_loop3A_355 = arith.index_cast %parallel_loop3A_195 : i32 to index
        %parallel_loop3A_356 = arith.constant 416 : index
        %parallel_loop3A_357 = tpu.vector_load %arg9[%parallel_loop3A_355, %parallel_loop3A_356] {strides = array<i32>} : memref<64x512xf32, #tpu.memory_space<vmem>>, vector<16xf32>,
        tpu.vector_store %arg9[%parallel_loop3A_355, %parallel_loop3A_356], %broadcast_in_dim3A_103 {strides = array<i32>} : memref<64x512xf32, #tpu.memory_space<vmem>>, vector<16xf32>,
        %parallel_loop3A_358 = arith.index_cast %parallel_loop3A_193 : i32 to index
        %parallel_loop3A_359 = arith.constant 432 : index
        %parallel_loop3A_360 = tpu.vector_load %arg9[%parallel_loop3A_358, %parallel_loop3A_359] {strides = array<i32>} : memref<64x512xf32, #tpu.memory_space<vmem>>, vector<16xf32>,
        tpu.vector_store %arg9[%parallel_loop3A_358, %parallel_loop3A_359], %broadcast_in_dim3A_103 {strides = array<i32>} : memref<64x512xf32, #tpu.memory_space<vmem>>, vector<16xf32>,
        %parallel_loop3A_361 = arith.index_cast %parallel_loop3A_195 : i32 to index
        %parallel_loop3A_362 = arith.constant 432 : index
        %parallel_loop3A_363 = tpu.vector_load %arg9[%parallel_loop3A_361, %parallel_loop3A_362] {strides = array<i32>} : memref<64x512xf32, #tpu.memory_space<vmem>>, vector<16xf32>,
        tpu.vector_store %arg9[%parallel_loop3A_361, %parallel_loop3A_362], %broadcast_in_dim3A_103 {strides = array<i32>} : memref<64x512xf32, #tpu.memory_space<vmem>>, vector<16xf32>,
        %parallel_loop3A_364 = arith.index_cast %parallel_loop3A_193 : i32 to index
        %parallel_loop3A_365 = arith.constant 448 : index
        %parallel_loop3A_366 = tpu.vector_load %arg9[%parallel_loop3A_364, %parallel_loop3A_365] {strides = array<i32>} : memref<64x512xf32, #tpu.memory_space<vmem>>, vector<16xf32>,
        tpu.vector_store %arg9[%parallel_loop3A_364, %parallel_loop3A_365], %broadcast_in_dim3A_103 {strides = array<i32>} : memref<64x512xf32, #tpu.memory_space<vmem>>, vector<16xf32>,
        %parallel_loop3A_367 = arith.index_cast %parallel_loop3A_195 : i32 to index
        %parallel_loop3A_368 = arith.constant 448 : index
        %parallel_loop3A_369 = tpu.vector_load %arg9[%parallel_loop3A_367, %parallel_loop3A_368] {strides = array<i32>} : memref<64x512xf32, #tpu.memory_space<vmem>>, vector<16xf32>,
        tpu.vector_store %arg9[%parallel_loop3A_367, %parallel_loop3A_368], %broadcast_in_dim3A_103 {strides = array<i32>} : memref<64x512xf32, #tpu.memory_space<vmem>>, vector<16xf32>,
        %parallel_loop3A_370 = arith.index_cast %parallel_loop3A_193 : i32 to index
        %parallel_loop3A_371 = arith.constant 464 : index
        %parallel_loop3A_372 = tpu.vector_load %arg9[%parallel_loop3A_370, %parallel_loop3A_371] {strides = array<i32>} : memref<64x512xf32, #tpu.memory_space<vmem>>, vector<16xf32>,
        tpu.vector_store %arg9[%parallel_loop3A_370, %parallel_loop3A_371], %broadcast_in_dim3A_103 {strides = array<i32>} : memref<64x512xf32, #tpu.memory_space<vmem>>, vector<16xf32>,
        %parallel_loop3A_373 = arith.index_cast %parallel_loop3A_195 : i32 to index
        %parallel_loop3A_374 = arith.constant 464 : index
        %parallel_loop3A_375 = tpu.vector_load %arg9[%parallel_loop3A_373, %parallel_loop3A_374] {strides = array<i32>} : memref<64x512xf32, #tpu.memory_space<vmem>>, vector<16xf32>,
        tpu.vector_store %arg9[%parallel_loop3A_373, %parallel_loop3A_374], %broadcast_in_dim3A_103 {strides = array<i32>} : memref<64x512xf32, #tpu.memory_space<vmem>>, vector<16xf32>,
        %parallel_loop3A_376 = arith.index_cast %parallel_loop3A_193 : i32 to index
        %parallel_loop3A_377 = arith.constant 480 : index
        %parallel_loop3A_378 = tpu.vector_load %arg9[%parallel_loop3A_376, %parallel_loop3A_377] {strides = array<i32>} : memref<64x512xf32, #tpu.memory_space<vmem>>, vector<16xf32>,
        tpu.vector_store %arg9[%parallel_loop3A_376, %parallel_loop3A_377], %broadcast_in_dim3A_103 {strides = array<i32>} : memref<64x512xf32, #tpu.memory_space<vmem>>, vector<16xf32>,
        %parallel_loop3A_379 = arith.index_cast %parallel_loop3A_195 : i32 to index
        %parallel_loop3A_380 = arith.constant 480 : index
        %parallel_loop3A_381 = tpu.vector_load %arg9[%parallel_loop3A_379, %parallel_loop3A_380] {strides = array<i32>} : memref<64x512xf32, #tpu.memory_space<vmem>>, vector<16xf32>,
        tpu.vector_store %arg9[%parallel_loop3A_379, %parallel_loop3A_380], %broadcast_in_dim3A_103 {strides = array<i32>} : memref<64x512xf32, #tpu.memory_space<vmem>>, vector<16xf32>,
        %parallel_loop3A_382 = arith.index_cast %parallel_loop3A_193 : i32 to index
        %parallel_loop3A_383 = arith.constant 496 : index
        %parallel_loop3A_384 = tpu.vector_load %arg9[%parallel_loop3A_382, %parallel_loop3A_383] {strides = array<i32>} : memref<64x512xf32, #tpu.memory_space<vmem>>, vector<16xf32>,
        tpu.vector_store %arg9[%parallel_loop3A_382, %parallel_loop3A_383], %broadcast_in_dim3A_103 {strides = array<i32>} : memref<64x512xf32, #tpu.memory_space<vmem>>, vector<16xf32>,
        %parallel_loop3A_385 = arith.index_cast %parallel_loop3A_195 : i32 to index
        %parallel_loop3A_386 = arith.constant 496 : index
        %parallel_loop3A_387 = tpu.vector_load %arg9[%parallel_loop3A_385, %parallel_loop3A_386] {strides = array<i32>} : memref<64x512xf32, #tpu.memory_space<vmem>>, vector<16xf32>,
        tpu.vector_store %arg9[%parallel_loop3A_385, %parallel_loop3A_386], %broadcast_in_dim3A_103 {strides = array<i32>} : memref<64x512xf32, #tpu.memory_space<vmem>>, vector<16xf32>,
        %parallel_loop3A_388 = arith.index_cast %parallel_loop3A_191 : i32 to index
        %parallel_loop3A_389 = arith.constant 0 : index
        %parallel_loop3A_390 = tpu.vector_load %arg5[%parallel_loop3A_388, %parallel_loop3A_389] {strides = array<i32>} : memref<32x256xf32, #tpu.memory_space<vmem>>, vector<16xf32>,
        %parallel_loop3A_391 = arith.index_cast %parallel_loop3A_191 : i32 to index
        %parallel_loop3A_392 = arith.constant 0 : index
        %parallel_loop3A_393 = tpu.vector_load %arg7[%parallel_loop3A_391, %parallel_loop3A_392] {strides = array<i32>} : memref<32x256xi32, #tpu.memory_space<vmem>>, vector<16xi32>,
        %parallel_loop3A_394 = arith.constant 9 : i32
        %parallel_loop3A_395 = vector.broadcast %parallel_loop3A_394 : i32 to vector<16xi32>
        %parallel_loop3A_396 = arith.shrsi %parallel_loop3A_393, %parallel_loop3A_395 : vector<16xi32>
        %parallel_loop3A_397 = vector.broadcast %mul3A_102 : i32 to vector<16xi32>
        %parallel_loop3A_398 = arith.subi %parallel_loop3A_396, %parallel_loop3A_397 : vector<16xi32>
        %parallel_loop3A_399 = arith.constant 511 : i32
        %parallel_loop3A_400 = vector.broadcast %parallel_loop3A_399 : i32 to vector<16xi32>
        %parallel_loop3A_401 = arith.andi %parallel_loop3A_393, %parallel_loop3A_400 : vector<16xi32>
        tpu.vector_store_idx %arg9[%parallel_loop3A_398, %parallel_loop3A_401], %parallel_loop3A_390 : memref<64x512xf32, #tpu.memory_space<vmem>>[vector<16xi32>, vector<16xi32>], vector<16xf32>,
        %parallel_loop3A_402 = arith.index_cast %parallel_loop3A_191 : i32 to index
        %parallel_loop3A_403 = arith.constant 16 : index
        %parallel_loop3A_404 = tpu.vector_load %arg5[%parallel_loop3A_402, %parallel_loop3A_403] {strides = array<i32>} : memref<32x256xf32, #tpu.memory_space<vmem>>, vector<16xf32>,
        %parallel_loop3A_405 = arith.index_cast %parallel_loop3A_191 : i32 to index
        %parallel_loop3A_406 = arith.constant 16 : index
        %parallel_loop3A_407 = tpu.vector_load %arg7[%parallel_loop3A_405, %parallel_loop3A_406] {strides = array<i32>} : memref<32x256xi32, #tpu.memory_space<vmem>>, vector<16xi32>,
        %parallel_loop3A_408 = arith.constant 9 : i32
        %parallel_loop3A_409 = vector.broadcast %parallel_loop3A_408 : i32 to vector<16xi32>
        %parallel_loop3A_410 = arith.shrsi %parallel_loop3A_407, %parallel_loop3A_409 : vector<16xi32>
        %parallel_loop3A_411 = vector.broadcast %mul3A_102 : i32 to vector<16xi32>
        %parallel_loop3A_412 = arith.subi %parallel_loop3A_410, %parallel_loop3A_411 : vector<16xi32>
        %parallel_loop3A_413 = arith.constant 511 : i32
        %parallel_loop3A_414 = vector.broadcast %parallel_loop3A_413 : i32 to vector<16xi32>
        %parallel_loop3A_415 = arith.andi %parallel_loop3A_407, %parallel_loop3A_414 : vector<16xi32>
        tpu.vector_store_idx %arg9[%parallel_loop3A_412, %parallel_loop3A_415], %parallel_loop3A_404 : memref<64x512xf32, #tpu.memory_space<vmem>>[vector<16xi32>, vector<16xi32>], vector<16xf32>,
        %parallel_loop3A_416 = arith.index_cast %parallel_loop3A_191 : i32 to index
        %parallel_loop3A_417 = arith.constant 32 : index
        %parallel_loop3A_418 = tpu.vector_load %arg5[%parallel_loop3A_416, %parallel_loop3A_417] {strides = array<i32>} : memref<32x256xf32, #tpu.memory_space<vmem>>, vector<16xf32>,
        %parallel_loop3A_419 = arith.index_cast %parallel_loop3A_191 : i32 to index
        %parallel_loop3A_420 = arith.constant 32 : index
        %parallel_loop3A_421 = tpu.vector_load %arg7[%parallel_loop3A_419, %parallel_loop3A_420] {strides = array<i32>} : memref<32x256xi32, #tpu.memory_space<vmem>>, vector<16xi32>,
        %parallel_loop3A_422 = arith.constant 9 : i32
        %parallel_loop3A_423 = vector.broadcast %parallel_loop3A_422 : i32 to vector<16xi32>
        %parallel_loop3A_424 = arith.shrsi %parallel_loop3A_421, %parallel_loop3A_423 : vector<16xi32>
        %parallel_loop3A_425 = vector.broadcast %mul3A_102 : i32 to vector<16xi32>
        %parallel_loop3A_426 = arith.subi %parallel_loop3A_424, %parallel_loop3A_425 : vector<16xi32>
        %parallel_loop3A_427 = arith.constant 511 : i32
        %parallel_loop3A_428 = vector.broadcast %parallel_loop3A_427 : i32 to vector<16xi32>
        %parallel_loop3A_429 = arith.andi %parallel_loop3A_421, %parallel_loop3A_428 : vector<16xi32>
        tpu.vector_store_idx %arg9[%parallel_loop3A_426, %parallel_loop3A_429], %parallel_loop3A_418 : memref<64x512xf32, #tpu.memory_space<vmem>>[vector<16xi32>, vector<16xi32>], vector<16xf32>,
        %parallel_loop3A_430 = arith.index_cast %parallel_loop3A_191 : i32 to index
        %parallel_loop3A_431 = arith.constant 48 : index
        %parallel_loop3A_432 = tpu.vector_load %arg5[%parallel_loop3A_430, %parallel_loop3A_431] {strides = array<i32>} : memref<32x256xf32, #tpu.memory_space<vmem>>, vector<16xf32>,
        %parallel_loop3A_433 = arith.index_cast %parallel_loop3A_191 : i32 to index
        %parallel_loop3A_434 = arith.constant 48 : index
        %parallel_loop3A_435 = tpu.vector_load %arg7[%parallel_loop3A_433, %parallel_loop3A_434] {strides = array<i32>} : memref<32x256xi32, #tpu.memory_space<vmem>>, vector<16xi32>,
        %parallel_loop3A_436 = arith.constant 9 : i32
        %parallel_loop3A_437 = vector.broadcast %parallel_loop3A_436 : i32 to vector<16xi32>
        %parallel_loop3A_438 = arith.shrsi %parallel_loop3A_435, %parallel_loop3A_437 : vector<16xi32>
        %parallel_loop3A_439 = vector.broadcast %mul3A_102 : i32 to vector<16xi32>
        %parallel_loop3A_440 = arith.subi %parallel_loop3A_438, %parallel_loop3A_439 : vector<16xi32>
        %parallel_loop3A_441 = arith.constant 511 : i32
        %parallel_loop3A_442 = vector.broadcast %parallel_loop3A_441 : i32 to vector<16xi32>
        %parallel_loop3A_443 = arith.andi %parallel_loop3A_435, %parallel_loop3A_442 : vector<16xi32>
        tpu.vector_store_idx %arg9[%parallel_loop3A_440, %parallel_loop3A_443], %parallel_loop3A_432 : memref<64x512xf32, #tpu.memory_space<vmem>>[vector<16xi32>, vector<16xi32>], vector<16xf32>,
        %parallel_loop3A_444 = arith.index_cast %parallel_loop3A_191 : i32 to index
        %parallel_loop3A_445 = arith.constant 64 : index
        %parallel_loop3A_446 = tpu.vector_load %arg5[%parallel_loop3A_444, %parallel_loop3A_445] {strides = array<i32>} : memref<32x256xf32, #tpu.memory_space<vmem>>, vector<16xf32>,
        %parallel_loop3A_447 = arith.index_cast %parallel_loop3A_191 : i32 to index
        %parallel_loop3A_448 = arith.constant 64 : index
        %parallel_loop3A_449 = tpu.vector_load %arg7[%parallel_loop3A_447, %parallel_loop3A_448] {strides = array<i32>} : memref<32x256xi32, #tpu.memory_space<vmem>>, vector<16xi32>,
        %parallel_loop3A_450 = arith.constant 9 : i32
        %parallel_loop3A_451 = vector.broadcast %parallel_loop3A_450 : i32 to vector<16xi32>
        %parallel_loop3A_452 = arith.shrsi %parallel_loop3A_449, %parallel_loop3A_451 : vector<16xi32>
        %parallel_loop3A_453 = vector.broadcast %mul3A_102 : i32 to vector<16xi32>
        %parallel_loop3A_454 = arith.subi %parallel_loop3A_452, %parallel_loop3A_453 : vector<16xi32>
        %parallel_loop3A_455 = arith.constant 511 : i32
        %parallel_loop3A_456 = vector.broadcast %parallel_loop3A_455 : i32 to vector<16xi32>
        %parallel_loop3A_457 = arith.andi %parallel_loop3A_449, %parallel_loop3A_456 : vector<16xi32>
        tpu.vector_store_idx %arg9[%parallel_loop3A_454, %parallel_loop3A_457], %parallel_loop3A_446 : memref<64x512xf32, #tpu.memory_space<vmem>>[vector<16xi32>, vector<16xi32>], vector<16xf32>,
        %parallel_loop3A_458 = arith.index_cast %parallel_loop3A_191 : i32 to index
        %parallel_loop3A_459 = arith.constant 80 : index
        %parallel_loop3A_460 = tpu.vector_load %arg5[%parallel_loop3A_458, %parallel_loop3A_459] {strides = array<i32>} : memref<32x256xf32, #tpu.memory_space<vmem>>, vector<16xf32>,
        %parallel_loop3A_461 = arith.index_cast %parallel_loop3A_191 : i32 to index
        %parallel_loop3A_462 = arith.constant 80 : index
        %parallel_loop3A_463 = tpu.vector_load %arg7[%parallel_loop3A_461, %parallel_loop3A_462] {strides = array<i32>} : memref<32x256xi32, #tpu.memory_space<vmem>>, vector<16xi32>,
        %parallel_loop3A_464 = arith.constant 9 : i32
        %parallel_loop3A_465 = vector.broadcast %parallel_loop3A_464 : i32 to vector<16xi32>
        %parallel_loop3A_466 = arith.shrsi %parallel_loop3A_463, %parallel_loop3A_465 : vector<16xi32>
        %parallel_loop3A_467 = vector.broadcast %mul3A_102 : i32 to vector<16xi32>
        %parallel_loop3A_468 = arith.subi %parallel_loop3A_466, %parallel_loop3A_467 : vector<16xi32>
        %parallel_loop3A_469 = arith.constant 511 : i32
        %parallel_loop3A_470 = vector.broadcast %parallel_loop3A_469 : i32 to vector<16xi32>
        %parallel_loop3A_471 = arith.andi %parallel_loop3A_463, %parallel_loop3A_470 : vector<16xi32>
        tpu.vector_store_idx %arg9[%parallel_loop3A_468, %parallel_loop3A_471], %parallel_loop3A_460 : memref<64x512xf32, #tpu.memory_space<vmem>>[vector<16xi32>, vector<16xi32>], vector<16xf32>,
        %parallel_loop3A_472 = arith.index_cast %parallel_loop3A_191 : i32 to index
        %parallel_loop3A_473 = arith.constant 96 : index
        %parallel_loop3A_474 = tpu.vector_load %arg5[%parallel_loop3A_472, %parallel_loop3A_473] {strides = array<i32>} : memref<32x256xf32, #tpu.memory_space<vmem>>, vector<16xf32>,
        %parallel_loop3A_475 = arith.index_cast %parallel_loop3A_191 : i32 to index
        %parallel_loop3A_476 = arith.constant 96 : index
        %parallel_loop3A_477 = tpu.vector_load %arg7[%parallel_loop3A_475, %parallel_loop3A_476] {strides = array<i32>} : memref<32x256xi32, #tpu.memory_space<vmem>>, vector<16xi32>,
        %parallel_loop3A_478 = arith.constant 9 : i32
        %parallel_loop3A_479 = vector.broadcast %parallel_loop3A_478 : i32 to vector<16xi32>
        %parallel_loop3A_480 = arith.shrsi %parallel_loop3A_477, %parallel_loop3A_479 : vector<16xi32>
        %parallel_loop3A_481 = vector.broadcast %mul3A_102 : i32 to vector<16xi32>
        %parallel_loop3A_482 = arith.subi %parallel_loop3A_480, %parallel_loop3A_481 : vector<16xi32>
        %parallel_loop3A_483 = arith.constant 511 : i32
        %parallel_loop3A_484 = vector.broadcast %parallel_loop3A_483 : i32 to vector<16xi32>
        %parallel_loop3A_485 = arith.andi %parallel_loop3A_477, %parallel_loop3A_484 : vector<16xi32>
        tpu.vector_store_idx %arg9[%parallel_loop3A_482, %parallel_loop3A_485], %parallel_loop3A_474 : memref<64x512xf32, #tpu.memory_space<vmem>>[vector<16xi32>, vector<16xi32>], vector<16xf32>,
        %parallel_loop3A_486 = arith.index_cast %parallel_loop3A_191 : i32 to index
        %parallel_loop3A_487 = arith.constant 112 : index
        %parallel_loop3A_488 = tpu.vector_load %arg5[%parallel_loop3A_486, %parallel_loop3A_487] {strides = array<i32>} : memref<32x256xf32, #tpu.memory_space<vmem>>, vector<16xf32>,
        %parallel_loop3A_489 = arith.index_cast %parallel_loop3A_191 : i32 to index
        %parallel_loop3A_490 = arith.constant 112 : index
        %parallel_loop3A_491 = tpu.vector_load %arg7[%parallel_loop3A_489, %parallel_loop3A_490] {strides = array<i32>} : memref<32x256xi32, #tpu.memory_space<vmem>>, vector<16xi32>,
        %parallel_loop3A_492 = arith.constant 9 : i32
        %parallel_loop3A_493 = vector.broadcast %parallel_loop3A_492 : i32 to vector<16xi32>
        %parallel_loop3A_494 = arith.shrsi %parallel_loop3A_491, %parallel_loop3A_493 : vector<16xi32>
        %parallel_loop3A_495 = vector.broadcast %mul3A_102 : i32 to vector<16xi32>
        %parallel_loop3A_496 = arith.subi %parallel_loop3A_494, %parallel_loop3A_495 : vector<16xi32>
        %parallel_loop3A_497 = arith.constant 511 : i32
        %parallel_loop3A_498 = vector.broadcast %parallel_loop3A_497 : i32 to vector<16xi32>
        %parallel_loop3A_499 = arith.andi %parallel_loop3A_491, %parallel_loop3A_498 : vector<16xi32>
        tpu.vector_store_idx %arg9[%parallel_loop3A_496, %parallel_loop3A_499], %parallel_loop3A_488 : memref<64x512xf32, #tpu.memory_space<vmem>>[vector<16xi32>, vector<16xi32>], vector<16xf32>,
        %parallel_loop3A_500 = arith.index_cast %parallel_loop3A_191 : i32 to index
        %parallel_loop3A_501 = arith.constant 128 : index
        %parallel_loop3A_502 = tpu.vector_load %arg5[%parallel_loop3A_500, %parallel_loop3A_501] {strides = array<i32>} : memref<32x256xf32, #tpu.memory_space<vmem>>, vector<16xf32>,
        %parallel_loop3A_503 = arith.index_cast %parallel_loop3A_191 : i32 to index
        %parallel_loop3A_504 = arith.constant 128 : index
        %parallel_loop3A_505 = tpu.vector_load %arg7[%parallel_loop3A_503, %parallel_loop3A_504] {strides = array<i32>} : memref<32x256xi32, #tpu.memory_space<vmem>>, vector<16xi32>,
        %parallel_loop3A_506 = arith.constant 9 : i32
        %parallel_loop3A_507 = vector.broadcast %parallel_loop3A_506 : i32 to vector<16xi32>
        %parallel_loop3A_508 = arith.shrsi %parallel_loop3A_505, %parallel_loop3A_507 : vector<16xi32>
        %parallel_loop3A_509 = vector.broadcast %mul3A_102 : i32 to vector<16xi32>
        %parallel_loop3A_510 = arith.subi %parallel_loop3A_508, %parallel_loop3A_509 : vector<16xi32>
        %parallel_loop3A_511 = arith.constant 511 : i32
        %parallel_loop3A_512 = vector.broadcast %parallel_loop3A_511 : i32 to vector<16xi32>
        %parallel_loop3A_513 = arith.andi %parallel_loop3A_505, %parallel_loop3A_512 : vector<16xi32>
        tpu.vector_store_idx %arg9[%parallel_loop3A_510, %parallel_loop3A_513], %parallel_loop3A_502 : memref<64x512xf32, #tpu.memory_space<vmem>>[vector<16xi32>, vector<16xi32>], vector<16xf32>,
        %parallel_loop3A_514 = arith.index_cast %parallel_loop3A_191 : i32 to index
        %parallel_loop3A_515 = arith.constant 144 : index
        %parallel_loop3A_516 = tpu.vector_load %arg5[%parallel_loop3A_514, %parallel_loop3A_515] {strides = array<i32>} : memref<32x256xf32, #tpu.memory_space<vmem>>, vector<16xf32>,
        %parallel_loop3A_517 = arith.index_cast %parallel_loop3A_191 : i32 to index
        %parallel_loop3A_518 = arith.constant 144 : index
        %parallel_loop3A_519 = tpu.vector_load %arg7[%parallel_loop3A_517, %parallel_loop3A_518] {strides = array<i32>} : memref<32x256xi32, #tpu.memory_space<vmem>>, vector<16xi32>,
        %parallel_loop3A_520 = arith.constant 9 : i32
        %parallel_loop3A_521 = vector.broadcast %parallel_loop3A_520 : i32 to vector<16xi32>
        %parallel_loop3A_522 = arith.shrsi %parallel_loop3A_519, %parallel_loop3A_521 : vector<16xi32>
        %parallel_loop3A_523 = vector.broadcast %mul3A_102 : i32 to vector<16xi32>
        %parallel_loop3A_524 = arith.subi %parallel_loop3A_522, %parallel_loop3A_523 : vector<16xi32>
        %parallel_loop3A_525 = arith.constant 511 : i32
        %parallel_loop3A_526 = vector.broadcast %parallel_loop3A_525 : i32 to vector<16xi32>
        %parallel_loop3A_527 = arith.andi %parallel_loop3A_519, %parallel_loop3A_526 : vector<16xi32>
        tpu.vector_store_idx %arg9[%parallel_loop3A_524, %parallel_loop3A_527], %parallel_loop3A_516 : memref<64x512xf32, #tpu.memory_space<vmem>>[vector<16xi32>, vector<16xi32>], vector<16xf32>,
        %parallel_loop3A_528 = arith.index_cast %parallel_loop3A_191 : i32 to index
        %parallel_loop3A_529 = arith.constant 160 : index
        %parallel_loop3A_530 = tpu.vector_load %arg5[%parallel_loop3A_528, %parallel_loop3A_529] {strides = array<i32>} : memref<32x256xf32, #tpu.memory_space<vmem>>, vector<16xf32>,
        %parallel_loop3A_531 = arith.index_cast %parallel_loop3A_191 : i32 to index
        %parallel_loop3A_532 = arith.constant 160 : index
        %parallel_loop3A_533 = tpu.vector_load %arg7[%parallel_loop3A_531, %parallel_loop3A_532] {strides = array<i32>} : memref<32x256xi32, #tpu.memory_space<vmem>>, vector<16xi32>,
        %parallel_loop3A_534 = arith.constant 9 : i32
        %parallel_loop3A_535 = vector.broadcast %parallel_loop3A_534 : i32 to vector<16xi32>
        %parallel_loop3A_536 = arith.shrsi %parallel_loop3A_533, %parallel_loop3A_535 : vector<16xi32>
        %parallel_loop3A_537 = vector.broadcast %mul3A_102 : i32 to vector<16xi32>
        %parallel_loop3A_538 = arith.subi %parallel_loop3A_536, %parallel_loop3A_537 : vector<16xi32>
        %parallel_loop3A_539 = arith.constant 511 : i32
        %parallel_loop3A_540 = vector.broadcast %parallel_loop3A_539 : i32 to vector<16xi32>
        %parallel_loop3A_541 = arith.andi %parallel_loop3A_533, %parallel_loop3A_540 : vector<16xi32>
        tpu.vector_store_idx %arg9[%parallel_loop3A_538, %parallel_loop3A_541], %parallel_loop3A_530 : memref<64x512xf32, #tpu.memory_space<vmem>>[vector<16xi32>, vector<16xi32>], vector<16xf32>,
        %parallel_loop3A_542 = arith.index_cast %parallel_loop3A_191 : i32 to index
        %parallel_loop3A_543 = arith.constant 176 : index
        %parallel_loop3A_544 = tpu.vector_load %arg5[%parallel_loop3A_542, %parallel_loop3A_543] {strides = array<i32>} : memref<32x256xf32, #tpu.memory_space<vmem>>, vector<16xf32>,
        %parallel_loop3A_545 = arith.index_cast %parallel_loop3A_191 : i32 to index
        %parallel_loop3A_546 = arith.constant 176 : index
        %parallel_loop3A_547 = tpu.vector_load %arg7[%parallel_loop3A_545, %parallel_loop3A_546] {strides = array<i32>} : memref<32x256xi32, #tpu.memory_space<vmem>>, vector<16xi32>,
        %parallel_loop3A_548 = arith.constant 9 : i32
        %parallel_loop3A_549 = vector.broadcast %parallel_loop3A_548 : i32 to vector<16xi32>
        %parallel_loop3A_550 = arith.shrsi %parallel_loop3A_547, %parallel_loop3A_549 : vector<16xi32>
        %parallel_loop3A_551 = vector.broadcast %mul3A_102 : i32 to vector<16xi32>
        %parallel_loop3A_552 = arith.subi %parallel_loop3A_550, %parallel_loop3A_551 : vector<16xi32>
        %parallel_loop3A_553 = arith.constant 511 : i32
        %parallel_loop3A_554 = vector.broadcast %parallel_loop3A_553 : i32 to vector<16xi32>
        %parallel_loop3A_555 = arith.andi %parallel_loop3A_547, %parallel_loop3A_554 : vector<16xi32>
        tpu.vector_store_idx %arg9[%parallel_loop3A_552, %parallel_loop3A_555], %parallel_loop3A_544 : memref<64x512xf32, #tpu.memory_space<vmem>>[vector<16xi32>, vector<16xi32>], vector<16xf32>,
        %parallel_loop3A_556 = arith.index_cast %parallel_loop3A_191 : i32 to index
        %parallel_loop3A_557 = arith.constant 192 : index
        %parallel_loop3A_558 = tpu.vector_load %arg5[%parallel_loop3A_556, %parallel_loop3A_557] {strides = array<i32>} : memref<32x256xf32, #tpu.memory_space<vmem>>, vector<16xf32>,
        %parallel_loop3A_559 = arith.index_cast %parallel_loop3A_191 : i32 to index
        %parallel_loop3A_560 = arith.constant 192 : index
        %parallel_loop3A_561 = tpu.vector_load %arg7[%parallel_loop3A_559, %parallel_loop3A_560] {strides = array<i32>} : memref<32x256xi32, #tpu.memory_space<vmem>>, vector<16xi32>,
        %parallel_loop3A_562 = arith.constant 9 : i32
        %parallel_loop3A_563 = vector.broadcast %parallel_loop3A_562 : i32 to vector<16xi32>
        %parallel_loop3A_564 = arith.shrsi %parallel_loop3A_561, %parallel_loop3A_563 : vector<16xi32>
        %parallel_loop3A_565 = vector.broadcast %mul3A_102 : i32 to vector<16xi32>
        %parallel_loop3A_566 = arith.subi %parallel_loop3A_564, %parallel_loop3A_565 : vector<16xi32>
        %parallel_loop3A_567 = arith.constant 511 : i32
        %parallel_loop3A_568 = vector.broadcast %parallel_loop3A_567 : i32 to vector<16xi32>
        %parallel_loop3A_569 = arith.andi %parallel_loop3A_561, %parallel_loop3A_568 : vector<16xi32>
        tpu.vector_store_idx %arg9[%parallel_loop3A_566, %parallel_loop3A_569], %parallel_loop3A_558 : memref<64x512xf32, #tpu.memory_space<vmem>>[vector<16xi32>, vector<16xi32>], vector<16xf32>,
        %parallel_loop3A_570 = arith.index_cast %parallel_loop3A_191 : i32 to index
        %parallel_loop3A_571 = arith.constant 208 : index
        %parallel_loop3A_572 = tpu.vector_load %arg5[%parallel_loop3A_570, %parallel_loop3A_571] {strides = array<i32>} : memref<32x256xf32, #tpu.memory_space<vmem>>, vector<16xf32>,
        %parallel_loop3A_573 = arith.index_cast %parallel_loop3A_191 : i32 to index
        %parallel_loop3A_574 = arith.constant 208 : index
        %parallel_loop3A_575 = tpu.vector_load %arg7[%parallel_loop3A_573, %parallel_loop3A_574] {strides = array<i32>} : memref<32x256xi32, #tpu.memory_space<vmem>>, vector<16xi32>,
        %parallel_loop3A_576 = arith.constant 9 : i32
        %parallel_loop3A_577 = vector.broadcast %parallel_loop3A_576 : i32 to vector<16xi32>
        %parallel_loop3A_578 = arith.shrsi %parallel_loop3A_575, %parallel_loop3A_577 : vector<16xi32>
        %parallel_loop3A_579 = vector.broadcast %mul3A_102 : i32 to vector<16xi32>
        %parallel_loop3A_580 = arith.subi %parallel_loop3A_578, %parallel_loop3A_579 : vector<16xi32>
        %parallel_loop3A_581 = arith.constant 511 : i32
        %parallel_loop3A_582 = vector.broadcast %parallel_loop3A_581 : i32 to vector<16xi32>
        %parallel_loop3A_583 = arith.andi %parallel_loop3A_575, %parallel_loop3A_582 : vector<16xi32>
        tpu.vector_store_idx %arg9[%parallel_loop3A_580, %parallel_loop3A_583], %parallel_loop3A_572 : memref<64x512xf32, #tpu.memory_space<vmem>>[vector<16xi32>, vector<16xi32>], vector<16xf32>,
        %parallel_loop3A_584 = arith.index_cast %parallel_loop3A_191 : i32 to index
        %parallel_loop3A_585 = arith.constant 224 : index
        %parallel_loop3A_586 = tpu.vector_load %arg5[%parallel_loop3A_584, %parallel_loop3A_585] {strides = array<i32>} : memref<32x256xf32, #tpu.memory_space<vmem>>, vector<16xf32>,
        %parallel_loop3A_587 = arith.index_cast %parallel_loop3A_191 : i32 to index
        %parallel_loop3A_588 = arith.constant 224 : index
        %parallel_loop3A_589 = tpu.vector_load %arg7[%parallel_loop3A_587, %parallel_loop3A_588] {strides = array<i32>} : memref<32x256xi32, #tpu.memory_space<vmem>>, vector<16xi32>,
        %parallel_loop3A_590 = arith.constant 9 : i32
        %parallel_loop3A_591 = vector.broadcast %parallel_loop3A_590 : i32 to vector<16xi32>
        %parallel_loop3A_592 = arith.shrsi %parallel_loop3A_589, %parallel_loop3A_591 : vector<16xi32>
        %parallel_loop3A_593 = vector.broadcast %mul3A_102 : i32 to vector<16xi32>
        %parallel_loop3A_594 = arith.subi %parallel_loop3A_592, %parallel_loop3A_593 : vector<16xi32>
        %parallel_loop3A_595 = arith.constant 511 : i32
        %parallel_loop3A_596 = vector.broadcast %parallel_loop3A_595 : i32 to vector<16xi32>
        %parallel_loop3A_597 = arith.andi %parallel_loop3A_589, %parallel_loop3A_596 : vector<16xi32>
        tpu.vector_store_idx %arg9[%parallel_loop3A_594, %parallel_loop3A_597], %parallel_loop3A_586 : memref<64x512xf32, #tpu.memory_space<vmem>>[vector<16xi32>, vector<16xi32>], vector<16xf32>,
        %parallel_loop3A_598 = arith.index_cast %parallel_loop3A_191 : i32 to index
        %parallel_loop3A_599 = arith.constant 240 : index
        %parallel_loop3A_600 = tpu.vector_load %arg5[%parallel_loop3A_598, %parallel_loop3A_599] {strides = array<i32>} : memref<32x256xf32, #tpu.memory_space<vmem>>, vector<16xf32>,
        %parallel_loop3A_601 = arith.index_cast %parallel_loop3A_191 : i32 to index
        %parallel_loop3A_602 = arith.constant 240 : index
        %parallel_loop3A_603 = tpu.vector_load %arg7[%parallel_loop3A_601, %parallel_loop3A_602] {strides = array<i32>} : memref<32x256xi32, #tpu.memory_space<vmem>>, vector<16xi32>,
        %parallel_loop3A_604 = arith.constant 9 : i32
        %parallel_loop3A_605 = vector.broadcast %parallel_loop3A_604 : i32 to vector<16xi32>
        %parallel_loop3A_606 = arith.shrsi %parallel_loop3A_603, %parallel_loop3A_605 : vector<16xi32>
        %parallel_loop3A_607 = vector.broadcast %mul3A_102 : i32 to vector<16xi32>
        %parallel_loop3A_608 = arith.subi %parallel_loop3A_606, %parallel_loop3A_607 : vector<16xi32>
        %parallel_loop3A_609 = arith.constant 511 : i32
        %parallel_loop3A_610 = vector.broadcast %parallel_loop3A_609 : i32 to vector<16xi32>
        %parallel_loop3A_611 = arith.andi %parallel_loop3A_603, %parallel_loop3A_610 : vector<16xi32>
        tpu.vector_store_idx %arg9[%parallel_loop3A_608, %parallel_loop3A_611], %parallel_loop3A_600 : memref<64x512xf32, #tpu.memory_space<vmem>>[vector<16xi32>, vector<16xi32>], vector<16xf32>,
      } {sc.loop_unroll_factor = 1 : i64, sc.parallel_access}
      %shift_right_arithmetic3A_106 = arith.constant 3 : i32
      %shift_right_arithmetic3A_107 = arith.shrsi %add3A_72, %shift_right_arithmetic3A_106 : i32
      %and3A_108 = arith.constant 7 : i32
      %and3A_109 = arith.andi %add3A_72, %and3A_108 : i32
      %add3A_110 = arith.addi %mul3A_4, %shift_right_arithmetic3A_107 : i32
      %mul3A_111 = arith.constant 2 : i32
      %mul3A_112 = arith.muli %and3A_109, %mul3A_111 : i32
      %mul3A_113 = arith.constant 32 : i32
      %mul3A_114 = arith.muli %mul3A_112, %mul3A_113 : i32
      %dma_start3A_115 = arith.constant 0 : i32
      %dma_start3A_116 = tpu.memref_slice %arg4[%shift_right_arithmetic3A_1, %add3A_110, %mul3A_114, %dma_start3A_115] : memref<2x96x512x512xf32, #tpu.memory_space<hbm>> -> memref<1x1x64x512xf32, #tpu.memory_space<hbm>>
      %dma_start3A_117 = tpu.memref_squeeze %dma_start3A_116 : memref<1x1x64x512xf32, #tpu.memory_space<hbm>> -> memref<64x512xf32, #tpu.memory_space<hbm>>
      %dma_start3A_118 = arith.constant 0 : i32
      %dma_start3A_119 = tpu.memref_slice %arg4[%shift_right_arithmetic3A_1, %add3A_110, %mul3A_114, %dma_start3A_118] : memref<2x96x512x512xf32, #tpu.memory_space<hbm>> -> memref<1x1x64x512xf32, #tpu.memory_space<hbm>>
      %dma_start3A_120 = tpu.memref_squeeze %dma_start3A_119 : memref<1x1x64x512xf32, #tpu.memory_space<hbm>> -> memref<64x512xf32, #tpu.memory_space<hbm>>
      tpu.enqueue_dma source(%arg9 : memref<64x512xf32, #tpu.memory_space<vmem>>) target(%dma_start3A_120 : memref<64x512xf32, #tpu.memory_space<hbm>>) target_semaphore(%arg15 : memref<!tpu.dma_semaphore, #tpu.memory_space<semaphore_mem>>)
      %add3A_121 = arith.constant 2 : i32
      %add3A_122 = arith.addi %add3A_72, %add3A_121 : i32
      %lt3A = arith.constant 48 : i32
      %lt3A_123 = arith.cmpi slt, %add3A_122, %lt3A : i32
      %convert_element_type3A_124 = arith.extui %lt3A_123 : i1 to i32
      %cond3A_125 = arith.constant 0 : i32
      %cond3A_126 = arith.cmpi ne, %convert_element_type3A_124, %cond3A_125 : i32
      scf.if %cond3A_126 {
        %add3A_191 = arith.constant 2 : i32
        %add3A_192 = arith.addi %add3A_72, %add3A_191 : i32
        %shift_right_arithmetic3A_193 = arith.constant 3 : i32
        %shift_right_arithmetic3A_194 = arith.shrsi %add3A_192, %shift_right_arithmetic3A_193 : i32
        %and3A_195 = arith.constant 7 : i32
        %and3A_196 = arith.andi %add3A_192, %and3A_195 : i32
        %add3A_197 = arith.addi %mul3A_4, %shift_right_arithmetic3A_194 : i32
        %mul3A_198 = arith.constant 32 : i32
        %mul3A_199 = arith.muli %and3A_196, %mul3A_198 : i32
        %add3A_200 = arith.addi %mul3A_4, %shift_right_arithmetic3A_194 : i32
        %mul3A_201 = arith.constant 32 : i32
        %mul3A_202 = arith.muli %and3A_196, %mul3A_201 : i32
        %dma_start3A_203 = arith.constant 0 : i32
        %dma_start3A_204 = tpu.memref_slice %arg2[%shift_right_arithmetic3A_1, %add3A_197, %mul3A_199, %dma_start3A_203] : memref<2x96x256x256xf32, #tpu.memory_space<hbm>> -> memref<1x1x32x256xf32, #tpu.memory_space<hbm>>
        %dma_start3A_205 = tpu.memref_squeeze %dma_start3A_204 : memref<1x1x32x256xf32, #tpu.memory_space<hbm>> -> memref<32x256xf32, #tpu.memory_space<hbm>>
        %dma_start3A_206 = arith.constant 0 : i32
        %dma_start3A_207 = tpu.memref_slice %arg2[%shift_right_arithmetic3A_1, %add3A_197, %mul3A_199, %dma_start3A_206] : memref<2x96x256x256xf32, #tpu.memory_space<hbm>> -> memref<1x1x32x256xf32, #tpu.memory_space<hbm>>
        %dma_start3A_208 = tpu.memref_squeeze %dma_start3A_207 : memref<1x1x32x256xf32, #tpu.memory_space<hbm>> -> memref<32x256xf32, #tpu.memory_space<hbm>>
        tpu.enqueue_dma source(%dma_start3A_208 : memref<32x256xf32, #tpu.memory_space<hbm>>) target(%arg5 : memref<32x256xf32, #tpu.memory_space<vmem>>) target_semaphore(%arg11 : memref<!tpu.dma_semaphore, #tpu.memory_space<semaphore_mem>>)
        %dma_start3A_209 = arith.constant 0 : i32
        %dma_start3A_210 = tpu.memref_slice %arg3[%shift_right_arithmetic3A_1, %add3A_200, %mul3A_202, %dma_start3A_209] : memref<2x96x256x256xi32, #tpu.memory_space<hbm>> -> memref<1x1x32x256xi32, #tpu.memory_space<hbm>>
        %dma_start3A_211 = tpu.memref_squeeze %dma_start3A_210 : memref<1x1x32x256xi32, #tpu.memory_space<hbm>> -> memref<32x256xi32, #tpu.memory_space<hbm>>
        %dma_start3A_212 = arith.constant 0 : i32
        %dma_start3A_213 = tpu.memref_slice %arg3[%shift_right_arithmetic3A_1, %add3A_200, %mul3A_202, %dma_start3A_212] : memref<2x96x256x256xi32, #tpu.memory_space<hbm>> -> memref<1x1x32x256xi32, #tpu.memory_space<hbm>>
        %dma_start3A_214 = tpu.memref_squeeze %dma_start3A_213 : memref<1x1x32x256xi32, #tpu.memory_space<hbm>> -> memref<32x256xi32, #tpu.memory_space<hbm>>
        tpu.enqueue_dma source(%dma_start3A_214 : memref<32x256xi32, #tpu.memory_space<hbm>>) target(%arg7 : memref<32x256xi32, #tpu.memory_space<vmem>>) target_semaphore(%arg13 : memref<!tpu.dma_semaphore, #tpu.memory_space<semaphore_mem>>)
      } else {
      }
      %mul3A_127 = arith.constant 2 : i32
      %mul3A_128 = arith.muli %scan3A_68, %mul3A_127 : i32
      %add3A_129 = arith.constant 1 : i32
      %add3A_130 = arith.addi %mul3A_128, %add3A_129 : i32
      %shift_right_arithmetic3A_131 = arith.constant 3 : i32
      %shift_right_arithmetic3A_132 = arith.shrsi %add3A_130, %shift_right_arithmetic3A_131 : i32
      %and3A_133 = arith.constant 7 : i32
      %and3A_134 = arith.andi %add3A_130, %and3A_133 : i32
      %add3A_135 = arith.addi %mul3A_4, %shift_right_arithmetic3A_132 : i32
      %mul3A_136 = arith.constant 32 : i32
      %mul3A_137 = arith.muli %and3A_134, %mul3A_136 : i32
      %add3A_138 = arith.addi %mul3A_4, %shift_right_arithmetic3A_132 : i32
      %mul3A_139 = arith.constant 32 : i32
      %mul3A_140 = arith.muli %and3A_134, %mul3A_139 : i32
      %dma_wait3A_141 = arith.constant 0 : i32
      %dma_wait3A_142 = tpu.memref_slice %arg2[%shift_right_arithmetic3A_1, %add3A_135, %mul3A_137, %dma_wait3A_141] : memref<2x96x256x256xf32, #tpu.memory_space<hbm>> -> memref<1x1x32x256xf32, #tpu.memory_space<hbm>>
      %dma_wait3A_143 = tpu.memref_squeeze %dma_wait3A_142 : memref<1x1x32x256xf32, #tpu.memory_space<hbm>> -> memref<32x256xf32, #tpu.memory_space<hbm>>
      %dma_wait3A_144 = arith.constant 0 : i32
      %dma_wait3A_145 = tpu.memref_slice %arg2[%shift_right_arithmetic3A_1, %add3A_135, %mul3A_137, %dma_wait3A_144] : memref<2x96x256x256xf32, #tpu.memory_space<hbm>> -> memref<1x1x32x256xf32, #tpu.memory_space<hbm>>
      %dma_wait3A_146 = tpu.memref_squeeze %dma_wait3A_145 : memref<1x1x32x256xf32, #tpu.memory_space<hbm>> -> memref<32x256xf32, #tpu.memory_space<hbm>>
      tpu.wait_dma2 semaphore(%arg12 : memref<!tpu.dma_semaphore, #tpu.memory_space<semaphore_mem>>) src(%dma_wait3A_146 : memref<32x256xf32, #tpu.memory_space<hbm>>) dst(%arg6 : memref<32x256xf32, #tpu.memory_space<vmem>>)
      %dma_wait3A_147 = arith.constant 0 : i32
      %dma_wait3A_148 = tpu.memref_slice %arg3[%shift_right_arithmetic3A_1, %add3A_138, %mul3A_140, %dma_wait3A_147] : memref<2x96x256x256xi32, #tpu.memory_space<hbm>> -> memref<1x1x32x256xi32, #tpu.memory_space<hbm>>
      %dma_wait3A_149 = tpu.memref_squeeze %dma_wait3A_148 : memref<1x1x32x256xi32, #tpu.memory_space<hbm>> -> memref<32x256xi32, #tpu.memory_space<hbm>>
      %dma_wait3A_150 = arith.constant 0 : i32
      %dma_wait3A_151 = tpu.memref_slice %arg3[%shift_right_arithmetic3A_1, %add3A_138, %mul3A_140, %dma_wait3A_150] : memref<2x96x256x256xi32, #tpu.memory_space<hbm>> -> memref<1x1x32x256xi32, #tpu.memory_space<hbm>>
      %dma_wait3A_152 = tpu.memref_squeeze %dma_wait3A_151 : memref<1x1x32x256xi32, #tpu.memory_space<hbm>> -> memref<32x256xi32, #tpu.memory_space<hbm>>
      tpu.wait_dma2 semaphore(%arg14 : memref<!tpu.dma_semaphore, #tpu.memory_space<semaphore_mem>>) src(%dma_wait3A_152 : memref<32x256xi32, #tpu.memory_space<hbm>>) dst(%arg8 : memref<32x256xi32, #tpu.memory_space<vmem>>)
      %ge3A_153 = arith.constant 2 : i32
      %ge3A_154 = arith.cmpi sge, %add3A_130, %ge3A_153 : i32
      %convert_element_type3A_155 = arith.extui %ge3A_154 : i1 to i32
      %cond3A_156 = arith.constant 0 : i32
      %cond3A_157 = arith.cmpi ne, %convert_element_type3A_155, %cond3A_156 : i32
      scf.if %cond3A_157 {
        %sub3A = arith.constant 2 : i32
        %sub3A_191 = arith.subi %add3A_130, %sub3A : i32
        %shift_right_arithmetic3A_192 = arith.constant 3 : i32
        %shift_right_arithmetic3A_193 = arith.shrsi %sub3A_191, %shift_right_arithmetic3A_192 : i32
        %and3A_194 = arith.constant 7 : i32
        %and3A_195 = arith.andi %sub3A_191, %and3A_194 : i32
        %add3A_196 = arith.addi %mul3A_4, %shift_right_arithmetic3A_193 : i32
        %mul3A_197 = arith.constant 2 : i32
        %mul3A_198 = arith.muli %and3A_195, %mul3A_197 : i32
        %mul3A_199 = arith.constant 32 : i32
        %mul3A_200 = arith.muli %mul3A_198, %mul3A_199 : i32
        %dma_wait3A_201 = arith.constant 0 : i32
        %dma_wait3A_202 = tpu.memref_slice %arg4[%shift_right_arithmetic3A_1, %add3A_196, %mul3A_200, %dma_wait3A_201] : memref<2x96x512x512xf32, #tpu.memory_space<hbm>> -> memref<1x1x64x512xf32, #tpu.memory_space<hbm>>
        %dma_wait3A_203 = tpu.memref_squeeze %dma_wait3A_202 : memref<1x1x64x512xf32, #tpu.memory_space<hbm>> -> memref<64x512xf32, #tpu.memory_space<hbm>>
        %dma_wait3A_204 = arith.constant 0 : i32
        %dma_wait3A_205 = tpu.memref_slice %arg4[%shift_right_arithmetic3A_1, %add3A_196, %mul3A_200, %dma_wait3A_204] : memref<2x96x512x512xf32, #tpu.memory_space<hbm>> -> memref<1x1x64x512xf32, #tpu.memory_space<hbm>>
        %dma_wait3A_206 = tpu.memref_squeeze %dma_wait3A_205 : memref<1x1x64x512xf32, #tpu.memory_space<hbm>> -> memref<64x512xf32, #tpu.memory_space<hbm>>
        tpu.wait_dma2 semaphore(%arg16 : memref<!tpu.dma_semaphore, #tpu.memory_space<semaphore_mem>>) src(%arg10 : memref<64x512xf32, #tpu.memory_space<vmem>>) dst(%dma_wait3A_206 : memref<64x512xf32, #tpu.memory_space<hbm>>)
      } else {
      }
      %and3A_158 = arith.constant 7 : i32
      %and3A_159 = arith.andi %add3A_130, %and3A_158 : i32
      %mul3A_160 = arith.constant 2 : i32
      %mul3A_161 = arith.muli %and3A_159, %mul3A_160 : i32
      %mul3A_162 = arith.constant 32 : i32
      %mul3A_163 = arith.muli %mul3A_161, %mul3A_162 : i32
      %broadcast_in_dim3A_164 = arith.constant 0.000000e+00 : f32
      %broadcast_in_dim3A_165 = vector.broadcast %broadcast_in_dim3A_164 : f32 to vector<16xf32>
      %parallel_loop3A_166 = arith.constant 0 : i32
      %parallel_loop3A_167 = arith.constant 32 : i32
      %parallel_loop3A_168 = arith.constant 1 : i32
      scf.for %parallel_loop3A_191 = %parallel_loop3A_166 to %parallel_loop3A_167 step %parallel_loop3A_168  : i32 {
        %parallel_loop3A_192 = arith.constant 2 : i32
        %parallel_loop3A_193 = arith.muli %parallel_loop3A_192, %parallel_loop3A_191 : i32
        %parallel_loop3A_194 = arith.constant 1 : i32
        %parallel_loop3A_195 = arith.addi %parallel_loop3A_193, %parallel_loop3A_194 : i32
        %parallel_loop3A_196 = arith.index_cast %parallel_loop3A_193 : i32 to index
        %parallel_loop3A_197 = arith.constant 0 : index
        %parallel_loop3A_198 = tpu.vector_load %arg10[%parallel_loop3A_196, %parallel_loop3A_197] {strides = array<i32>} : memref<64x512xf32, #tpu.memory_space<vmem>>, vector<16xf32>,
        tpu.vector_store %arg10[%parallel_loop3A_196, %parallel_loop3A_197], %broadcast_in_dim3A_165 {strides = array<i32>} : memref<64x512xf32, #tpu.memory_space<vmem>>, vector<16xf32>,
        %parallel_loop3A_199 = arith.index_cast %parallel_loop3A_195 : i32 to index
        %parallel_loop3A_200 = arith.constant 0 : index
        %parallel_loop3A_201 = tpu.vector_load %arg10[%parallel_loop3A_199, %parallel_loop3A_200] {strides = array<i32>} : memref<64x512xf32, #tpu.memory_space<vmem>>, vector<16xf32>,
        tpu.vector_store %arg10[%parallel_loop3A_199, %parallel_loop3A_200], %broadcast_in_dim3A_165 {strides = array<i32>} : memref<64x512xf32, #tpu.memory_space<vmem>>, vector<16xf32>,
        %parallel_loop3A_202 = arith.index_cast %parallel_loop3A_193 : i32 to index
        %parallel_loop3A_203 = arith.constant 16 : index
        %parallel_loop3A_204 = tpu.vector_load %arg10[%parallel_loop3A_202, %parallel_loop3A_203] {strides = array<i32>} : memref<64x512xf32, #tpu.memory_space<vmem>>, vector<16xf32>,
        tpu.vector_store %arg10[%parallel_loop3A_202, %parallel_loop3A_203], %broadcast_in_dim3A_165 {strides = array<i32>} : memref<64x512xf32, #tpu.memory_space<vmem>>, vector<16xf32>,
        %parallel_loop3A_205 = arith.index_cast %parallel_loop3A_195 : i32 to index
        %parallel_loop3A_206 = arith.constant 16 : index
        %parallel_loop3A_207 = tpu.vector_load %arg10[%parallel_loop3A_205, %parallel_loop3A_206] {strides = array<i32>} : memref<64x512xf32, #tpu.memory_space<vmem>>, vector<16xf32>,
        tpu.vector_store %arg10[%parallel_loop3A_205, %parallel_loop3A_206], %broadcast_in_dim3A_165 {strides = array<i32>} : memref<64x512xf32, #tpu.memory_space<vmem>>, vector<16xf32>,
        %parallel_loop3A_208 = arith.index_cast %parallel_loop3A_193 : i32 to index
        %parallel_loop3A_209 = arith.constant 32 : index
        %parallel_loop3A_210 = tpu.vector_load %arg10[%parallel_loop3A_208, %parallel_loop3A_209] {strides = array<i32>} : memref<64x512xf32, #tpu.memory_space<vmem>>, vector<16xf32>,
        tpu.vector_store %arg10[%parallel_loop3A_208, %parallel_loop3A_209], %broadcast_in_dim3A_165 {strides = array<i32>} : memref<64x512xf32, #tpu.memory_space<vmem>>, vector<16xf32>,
        %parallel_loop3A_211 = arith.index_cast %parallel_loop3A_195 : i32 to index
        %parallel_loop3A_212 = arith.constant 32 : index
        %parallel_loop3A_213 = tpu.vector_load %arg10[%parallel_loop3A_211, %parallel_loop3A_212] {strides = array<i32>} : memref<64x512xf32, #tpu.memory_space<vmem>>, vector<16xf32>,
        tpu.vector_store %arg10[%parallel_loop3A_211, %parallel_loop3A_212], %broadcast_in_dim3A_165 {strides = array<i32>} : memref<64x512xf32, #tpu.memory_space<vmem>>, vector<16xf32>,
        %parallel_loop3A_214 = arith.index_cast %parallel_loop3A_193 : i32 to index
        %parallel_loop3A_215 = arith.constant 48 : index
        %parallel_loop3A_216 = tpu.vector_load %arg10[%parallel_loop3A_214, %parallel_loop3A_215] {strides = array<i32>} : memref<64x512xf32, #tpu.memory_space<vmem>>, vector<16xf32>,
        tpu.vector_store %arg10[%parallel_loop3A_214, %parallel_loop3A_215], %broadcast_in_dim3A_165 {strides = array<i32>} : memref<64x512xf32, #tpu.memory_space<vmem>>, vector<16xf32>,
        %parallel_loop3A_217 = arith.index_cast %parallel_loop3A_195 : i32 to index
        %parallel_loop3A_218 = arith.constant 48 : index
        %parallel_loop3A_219 = tpu.vector_load %arg10[%parallel_loop3A_217, %parallel_loop3A_218] {strides = array<i32>} : memref<64x512xf32, #tpu.memory_space<vmem>>, vector<16xf32>,
        tpu.vector_store %arg10[%parallel_loop3A_217, %parallel_loop3A_218], %broadcast_in_dim3A_165 {strides = array<i32>} : memref<64x512xf32, #tpu.memory_space<vmem>>, vector<16xf32>,
        %parallel_loop3A_220 = arith.index_cast %parallel_loop3A_193 : i32 to index
        %parallel_loop3A_221 = arith.constant 64 : index
        %parallel_loop3A_222 = tpu.vector_load %arg10[%parallel_loop3A_220, %parallel_loop3A_221] {strides = array<i32>} : memref<64x512xf32, #tpu.memory_space<vmem>>, vector<16xf32>,
        tpu.vector_store %arg10[%parallel_loop3A_220, %parallel_loop3A_221], %broadcast_in_dim3A_165 {strides = array<i32>} : memref<64x512xf32, #tpu.memory_space<vmem>>, vector<16xf32>,
        %parallel_loop3A_223 = arith.index_cast %parallel_loop3A_195 : i32 to index
        %parallel_loop3A_224 = arith.constant 64 : index
        %parallel_loop3A_225 = tpu.vector_load %arg10[%parallel_loop3A_223, %parallel_loop3A_224] {strides = array<i32>} : memref<64x512xf32, #tpu.memory_space<vmem>>, vector<16xf32>,
        tpu.vector_store %arg10[%parallel_loop3A_223, %parallel_loop3A_224], %broadcast_in_dim3A_165 {strides = array<i32>} : memref<64x512xf32, #tpu.memory_space<vmem>>, vector<16xf32>,
        %parallel_loop3A_226 = arith.index_cast %parallel_loop3A_193 : i32 to index
        %parallel_loop3A_227 = arith.constant 80 : index
        %parallel_loop3A_228 = tpu.vector_load %arg10[%parallel_loop3A_226, %parallel_loop3A_227] {strides = array<i32>} : memref<64x512xf32, #tpu.memory_space<vmem>>, vector<16xf32>,
        tpu.vector_store %arg10[%parallel_loop3A_226, %parallel_loop3A_227], %broadcast_in_dim3A_165 {strides = array<i32>} : memref<64x512xf32, #tpu.memory_space<vmem>>, vector<16xf32>,
        %parallel_loop3A_229 = arith.index_cast %parallel_loop3A_195 : i32 to index
        %parallel_loop3A_230 = arith.constant 80 : index
        %parallel_loop3A_231 = tpu.vector_load %arg10[%parallel_loop3A_229, %parallel_loop3A_230] {strides = array<i32>} : memref<64x512xf32, #tpu.memory_space<vmem>>, vector<16xf32>,
        tpu.vector_store %arg10[%parallel_loop3A_229, %parallel_loop3A_230], %broadcast_in_dim3A_165 {strides = array<i32>} : memref<64x512xf32, #tpu.memory_space<vmem>>, vector<16xf32>,
        %parallel_loop3A_232 = arith.index_cast %parallel_loop3A_193 : i32 to index
        %parallel_loop3A_233 = arith.constant 96 : index
        %parallel_loop3A_234 = tpu.vector_load %arg10[%parallel_loop3A_232, %parallel_loop3A_233] {strides = array<i32>} : memref<64x512xf32, #tpu.memory_space<vmem>>, vector<16xf32>,
        tpu.vector_store %arg10[%parallel_loop3A_232, %parallel_loop3A_233], %broadcast_in_dim3A_165 {strides = array<i32>} : memref<64x512xf32, #tpu.memory_space<vmem>>, vector<16xf32>,
        %parallel_loop3A_235 = arith.index_cast %parallel_loop3A_195 : i32 to index
        %parallel_loop3A_236 = arith.constant 96 : index
        %parallel_loop3A_237 = tpu.vector_load %arg10[%parallel_loop3A_235, %parallel_loop3A_236] {strides = array<i32>} : memref<64x512xf32, #tpu.memory_space<vmem>>, vector<16xf32>,
        tpu.vector_store %arg10[%parallel_loop3A_235, %parallel_loop3A_236], %broadcast_in_dim3A_165 {strides = array<i32>} : memref<64x512xf32, #tpu.memory_space<vmem>>, vector<16xf32>,
        %parallel_loop3A_238 = arith.index_cast %parallel_loop3A_193 : i32 to index
        %parallel_loop3A_239 = arith.constant 112 : index
        %parallel_loop3A_240 = tpu.vector_load %arg10[%parallel_loop3A_238, %parallel_loop3A_239] {strides = array<i32>} : memref<64x512xf32, #tpu.memory_space<vmem>>, vector<16xf32>,
        tpu.vector_store %arg10[%parallel_loop3A_238, %parallel_loop3A_239], %broadcast_in_dim3A_165 {strides = array<i32>} : memref<64x512xf32, #tpu.memory_space<vmem>>, vector<16xf32>,
        %parallel_loop3A_241 = arith.index_cast %parallel_loop3A_195 : i32 to index
        %parallel_loop3A_242 = arith.constant 112 : index
        %parallel_loop3A_243 = tpu.vector_load %arg10[%parallel_loop3A_241, %parallel_loop3A_242] {strides = array<i32>} : memref<64x512xf32, #tpu.memory_space<vmem>>, vector<16xf32>,
        tpu.vector_store %arg10[%parallel_loop3A_241, %parallel_loop3A_242], %broadcast_in_dim3A_165 {strides = array<i32>} : memref<64x512xf32, #tpu.memory_space<vmem>>, vector<16xf32>,
        %parallel_loop3A_244 = arith.index_cast %parallel_loop3A_193 : i32 to index
        %parallel_loop3A_245 = arith.constant 128 : index
        %parallel_loop3A_246 = tpu.vector_load %arg10[%parallel_loop3A_244, %parallel_loop3A_245] {strides = array<i32>} : memref<64x512xf32, #tpu.memory_space<vmem>>, vector<16xf32>,
        tpu.vector_store %arg10[%parallel_loop3A_244, %parallel_loop3A_245], %broadcast_in_dim3A_165 {strides = array<i32>} : memref<64x512xf32, #tpu.memory_space<vmem>>, vector<16xf32>,
        %parallel_loop3A_247 = arith.index_cast %parallel_loop3A_195 : i32 to index
        %parallel_loop3A_248 = arith.constant 128 : index
        %parallel_loop3A_249 = tpu.vector_load %arg10[%parallel_loop3A_247, %parallel_loop3A_248] {strides = array<i32>} : memref<64x512xf32, #tpu.memory_space<vmem>>, vector<16xf32>,
        tpu.vector_store %arg10[%parallel_loop3A_247, %parallel_loop3A_248], %broadcast_in_dim3A_165 {strides = array<i32>} : memref<64x512xf32, #tpu.memory_space<vmem>>, vector<16xf32>,
        %parallel_loop3A_250 = arith.index_cast %parallel_loop3A_193 : i32 to index
        %parallel_loop3A_251 = arith.constant 144 : index
        %parallel_loop3A_252 = tpu.vector_load %arg10[%parallel_loop3A_250, %parallel_loop3A_251] {strides = array<i32>} : memref<64x512xf32, #tpu.memory_space<vmem>>, vector<16xf32>,
        tpu.vector_store %arg10[%parallel_loop3A_250, %parallel_loop3A_251], %broadcast_in_dim3A_165 {strides = array<i32>} : memref<64x512xf32, #tpu.memory_space<vmem>>, vector<16xf32>,
        %parallel_loop3A_253 = arith.index_cast %parallel_loop3A_195 : i32 to index
        %parallel_loop3A_254 = arith.constant 144 : index
        %parallel_loop3A_255 = tpu.vector_load %arg10[%parallel_loop3A_253, %parallel_loop3A_254] {strides = array<i32>} : memref<64x512xf32, #tpu.memory_space<vmem>>, vector<16xf32>,
        tpu.vector_store %arg10[%parallel_loop3A_253, %parallel_loop3A_254], %broadcast_in_dim3A_165 {strides = array<i32>} : memref<64x512xf32, #tpu.memory_space<vmem>>, vector<16xf32>,
        %parallel_loop3A_256 = arith.index_cast %parallel_loop3A_193 : i32 to index
        %parallel_loop3A_257 = arith.constant 160 : index
        %parallel_loop3A_258 = tpu.vector_load %arg10[%parallel_loop3A_256, %parallel_loop3A_257] {strides = array<i32>} : memref<64x512xf32, #tpu.memory_space<vmem>>, vector<16xf32>,
        tpu.vector_store %arg10[%parallel_loop3A_256, %parallel_loop3A_257], %broadcast_in_dim3A_165 {strides = array<i32>} : memref<64x512xf32, #tpu.memory_space<vmem>>, vector<16xf32>,
        %parallel_loop3A_259 = arith.index_cast %parallel_loop3A_195 : i32 to index
        %parallel_loop3A_260 = arith.constant 160 : index
        %parallel_loop3A_261 = tpu.vector_load %arg10[%parallel_loop3A_259, %parallel_loop3A_260] {strides = array<i32>} : memref<64x512xf32, #tpu.memory_space<vmem>>, vector<16xf32>,
        tpu.vector_store %arg10[%parallel_loop3A_259, %parallel_loop3A_260], %broadcast_in_dim3A_165 {strides = array<i32>} : memref<64x512xf32, #tpu.memory_space<vmem>>, vector<16xf32>,
        %parallel_loop3A_262 = arith.index_cast %parallel_loop3A_193 : i32 to index
        %parallel_loop3A_263 = arith.constant 176 : index
        %parallel_loop3A_264 = tpu.vector_load %arg10[%parallel_loop3A_262, %parallel_loop3A_263] {strides = array<i32>} : memref<64x512xf32, #tpu.memory_space<vmem>>, vector<16xf32>,
        tpu.vector_store %arg10[%parallel_loop3A_262, %parallel_loop3A_263], %broadcast_in_dim3A_165 {strides = array<i32>} : memref<64x512xf32, #tpu.memory_space<vmem>>, vector<16xf32>,
        %parallel_loop3A_265 = arith.index_cast %parallel_loop3A_195 : i32 to index
        %parallel_loop3A_266 = arith.constant 176 : index
        %parallel_loop3A_267 = tpu.vector_load %arg10[%parallel_loop3A_265, %parallel_loop3A_266] {strides = array<i32>} : memref<64x512xf32, #tpu.memory_space<vmem>>, vector<16xf32>,
        tpu.vector_store %arg10[%parallel_loop3A_265, %parallel_loop3A_266], %broadcast_in_dim3A_165 {strides = array<i32>} : memref<64x512xf32, #tpu.memory_space<vmem>>, vector<16xf32>,
        %parallel_loop3A_268 = arith.index_cast %parallel_loop3A_193 : i32 to index
        %parallel_loop3A_269 = arith.constant 192 : index
        %parallel_loop3A_270 = tpu.vector_load %arg10[%parallel_loop3A_268, %parallel_loop3A_269] {strides = array<i32>} : memref<64x512xf32, #tpu.memory_space<vmem>>, vector<16xf32>,
        tpu.vector_store %arg10[%parallel_loop3A_268, %parallel_loop3A_269], %broadcast_in_dim3A_165 {strides = array<i32>} : memref<64x512xf32, #tpu.memory_space<vmem>>, vector<16xf32>,
        %parallel_loop3A_271 = arith.index_cast %parallel_loop3A_195 : i32 to index
        %parallel_loop3A_272 = arith.constant 192 : index
        %parallel_loop3A_273 = tpu.vector_load %arg10[%parallel_loop3A_271, %parallel_loop3A_272] {strides = array<i32>} : memref<64x512xf32, #tpu.memory_space<vmem>>, vector<16xf32>,
        tpu.vector_store %arg10[%parallel_loop3A_271, %parallel_loop3A_272], %broadcast_in_dim3A_165 {strides = array<i32>} : memref<64x512xf32, #tpu.memory_space<vmem>>, vector<16xf32>,
        %parallel_loop3A_274 = arith.index_cast %parallel_loop3A_193 : i32 to index
        %parallel_loop3A_275 = arith.constant 208 : index
        %parallel_loop3A_276 = tpu.vector_load %arg10[%parallel_loop3A_274, %parallel_loop3A_275] {strides = array<i32>} : memref<64x512xf32, #tpu.memory_space<vmem>>, vector<16xf32>,
        tpu.vector_store %arg10[%parallel_loop3A_274, %parallel_loop3A_275], %broadcast_in_dim3A_165 {strides = array<i32>} : memref<64x512xf32, #tpu.memory_space<vmem>>, vector<16xf32>,
        %parallel_loop3A_277 = arith.index_cast %parallel_loop3A_195 : i32 to index
        %parallel_loop3A_278 = arith.constant 208 : index
        %parallel_loop3A_279 = tpu.vector_load %arg10[%parallel_loop3A_277, %parallel_loop3A_278] {strides = array<i32>} : memref<64x512xf32, #tpu.memory_space<vmem>>, vector<16xf32>,
        tpu.vector_store %arg10[%parallel_loop3A_277, %parallel_loop3A_278], %broadcast_in_dim3A_165 {strides = array<i32>} : memref<64x512xf32, #tpu.memory_space<vmem>>, vector<16xf32>,
        %parallel_loop3A_280 = arith.index_cast %parallel_loop3A_193 : i32 to index
        %parallel_loop3A_281 = arith.constant 224 : index
        %parallel_loop3A_282 = tpu.vector_load %arg10[%parallel_loop3A_280, %parallel_loop3A_281] {strides = array<i32>} : memref<64x512xf32, #tpu.memory_space<vmem>>, vector<16xf32>,
        tpu.vector_store %arg10[%parallel_loop3A_280, %parallel_loop3A_281], %broadcast_in_dim3A_165 {strides = array<i32>} : memref<64x512xf32, #tpu.memory_space<vmem>>, vector<16xf32>,
        %parallel_loop3A_283 = arith.index_cast %parallel_loop3A_195 : i32 to index
        %parallel_loop3A_284 = arith.constant 224 : index
        %parallel_loop3A_285 = tpu.vector_load %arg10[%parallel_loop3A_283, %parallel_loop3A_284] {strides = array<i32>} : memref<64x512xf32, #tpu.memory_space<vmem>>, vector<16xf32>,
        tpu.vector_store %arg10[%parallel_loop3A_283, %parallel_loop3A_284], %broadcast_in_dim3A_165 {strides = array<i32>} : memref<64x512xf32, #tpu.memory_space<vmem>>, vector<16xf32>,
        %parallel_loop3A_286 = arith.index_cast %parallel_loop3A_193 : i32 to index
        %parallel_loop3A_287 = arith.constant 240 : index
        %parallel_loop3A_288 = tpu.vector_load %arg10[%parallel_loop3A_286, %parallel_loop3A_287] {strides = array<i32>} : memref<64x512xf32, #tpu.memory_space<vmem>>, vector<16xf32>,
        tpu.vector_store %arg10[%parallel_loop3A_286, %parallel_loop3A_287], %broadcast_in_dim3A_165 {strides = array<i32>} : memref<64x512xf32, #tpu.memory_space<vmem>>, vector<16xf32>,
        %parallel_loop3A_289 = arith.index_cast %parallel_loop3A_195 : i32 to index
        %parallel_loop3A_290 = arith.constant 240 : index
        %parallel_loop3A_291 = tpu.vector_load %arg10[%parallel_loop3A_289, %parallel_loop3A_290] {strides = array<i32>} : memref<64x512xf32, #tpu.memory_space<vmem>>, vector<16xf32>,
        tpu.vector_store %arg10[%parallel_loop3A_289, %parallel_loop3A_290], %broadcast_in_dim3A_165 {strides = array<i32>} : memref<64x512xf32, #tpu.memory_space<vmem>>, vector<16xf32>,
        %parallel_loop3A_292 = arith.index_cast %parallel_loop3A_193 : i32 to index
        %parallel_loop3A_293 = arith.constant 256 : index
        %parallel_loop3A_294 = tpu.vector_load %arg10[%parallel_loop3A_292, %parallel_loop3A_293] {strides = array<i32>} : memref<64x512xf32, #tpu.memory_space<vmem>>, vector<16xf32>,
        tpu.vector_store %arg10[%parallel_loop3A_292, %parallel_loop3A_293], %broadcast_in_dim3A_165 {strides = array<i32>} : memref<64x512xf32, #tpu.memory_space<vmem>>, vector<16xf32>,
        %parallel_loop3A_295 = arith.index_cast %parallel_loop3A_195 : i32 to index
        %parallel_loop3A_296 = arith.constant 256 : index
        %parallel_loop3A_297 = tpu.vector_load %arg10[%parallel_loop3A_295, %parallel_loop3A_296] {strides = array<i32>} : memref<64x512xf32, #tpu.memory_space<vmem>>, vector<16xf32>,
        tpu.vector_store %arg10[%parallel_loop3A_295, %parallel_loop3A_296], %broadcast_in_dim3A_165 {strides = array<i32>} : memref<64x512xf32, #tpu.memory_space<vmem>>, vector<16xf32>,
        %parallel_loop3A_298 = arith.index_cast %parallel_loop3A_193 : i32 to index
        %parallel_loop3A_299 = arith.constant 272 : index
        %parallel_loop3A_300 = tpu.vector_load %arg10[%parallel_loop3A_298, %parallel_loop3A_299] {strides = array<i32>} : memref<64x512xf32, #tpu.memory_space<vmem>>, vector<16xf32>,
        tpu.vector_store %arg10[%parallel_loop3A_298, %parallel_loop3A_299], %broadcast_in_dim3A_165 {strides = array<i32>} : memref<64x512xf32, #tpu.memory_space<vmem>>, vector<16xf32>,
        %parallel_loop3A_301 = arith.index_cast %parallel_loop3A_195 : i32 to index
        %parallel_loop3A_302 = arith.constant 272 : index
        %parallel_loop3A_303 = tpu.vector_load %arg10[%parallel_loop3A_301, %parallel_loop3A_302] {strides = array<i32>} : memref<64x512xf32, #tpu.memory_space<vmem>>, vector<16xf32>,
        tpu.vector_store %arg10[%parallel_loop3A_301, %parallel_loop3A_302], %broadcast_in_dim3A_165 {strides = array<i32>} : memref<64x512xf32, #tpu.memory_space<vmem>>, vector<16xf32>,
        %parallel_loop3A_304 = arith.index_cast %parallel_loop3A_193 : i32 to index
        %parallel_loop3A_305 = arith.constant 288 : index
        %parallel_loop3A_306 = tpu.vector_load %arg10[%parallel_loop3A_304, %parallel_loop3A_305] {strides = array<i32>} : memref<64x512xf32, #tpu.memory_space<vmem>>, vector<16xf32>,
        tpu.vector_store %arg10[%parallel_loop3A_304, %parallel_loop3A_305], %broadcast_in_dim3A_165 {strides = array<i32>} : memref<64x512xf32, #tpu.memory_space<vmem>>, vector<16xf32>,
        %parallel_loop3A_307 = arith.index_cast %parallel_loop3A_195 : i32 to index
        %parallel_loop3A_308 = arith.constant 288 : index
        %parallel_loop3A_309 = tpu.vector_load %arg10[%parallel_loop3A_307, %parallel_loop3A_308] {strides = array<i32>} : memref<64x512xf32, #tpu.memory_space<vmem>>, vector<16xf32>,
        tpu.vector_store %arg10[%parallel_loop3A_307, %parallel_loop3A_308], %broadcast_in_dim3A_165 {strides = array<i32>} : memref<64x512xf32, #tpu.memory_space<vmem>>, vector<16xf32>,
        %parallel_loop3A_310 = arith.index_cast %parallel_loop3A_193 : i32 to index
        %parallel_loop3A_311 = arith.constant 304 : index
        %parallel_loop3A_312 = tpu.vector_load %arg10[%parallel_loop3A_310, %parallel_loop3A_311] {strides = array<i32>} : memref<64x512xf32, #tpu.memory_space<vmem>>, vector<16xf32>,
        tpu.vector_store %arg10[%parallel_loop3A_310, %parallel_loop3A_311], %broadcast_in_dim3A_165 {strides = array<i32>} : memref<64x512xf32, #tpu.memory_space<vmem>>, vector<16xf32>,
        %parallel_loop3A_313 = arith.index_cast %parallel_loop3A_195 : i32 to index
        %parallel_loop3A_314 = arith.constant 304 : index
        %parallel_loop3A_315 = tpu.vector_load %arg10[%parallel_loop3A_313, %parallel_loop3A_314] {strides = array<i32>} : memref<64x512xf32, #tpu.memory_space<vmem>>, vector<16xf32>,
        tpu.vector_store %arg10[%parallel_loop3A_313, %parallel_loop3A_314], %broadcast_in_dim3A_165 {strides = array<i32>} : memref<64x512xf32, #tpu.memory_space<vmem>>, vector<16xf32>,
        %parallel_loop3A_316 = arith.index_cast %parallel_loop3A_193 : i32 to index
        %parallel_loop3A_317 = arith.constant 320 : index
        %parallel_loop3A_318 = tpu.vector_load %arg10[%parallel_loop3A_316, %parallel_loop3A_317] {strides = array<i32>} : memref<64x512xf32, #tpu.memory_space<vmem>>, vector<16xf32>,
        tpu.vector_store %arg10[%parallel_loop3A_316, %parallel_loop3A_317], %broadcast_in_dim3A_165 {strides = array<i32>} : memref<64x512xf32, #tpu.memory_space<vmem>>, vector<16xf32>,
        %parallel_loop3A_319 = arith.index_cast %parallel_loop3A_195 : i32 to index
        %parallel_loop3A_320 = arith.constant 320 : index
        %parallel_loop3A_321 = tpu.vector_load %arg10[%parallel_loop3A_319, %parallel_loop3A_320] {strides = array<i32>} : memref<64x512xf32, #tpu.memory_space<vmem>>, vector<16xf32>,
        tpu.vector_store %arg10[%parallel_loop3A_319, %parallel_loop3A_320], %broadcast_in_dim3A_165 {strides = array<i32>} : memref<64x512xf32, #tpu.memory_space<vmem>>, vector<16xf32>,
        %parallel_loop3A_322 = arith.index_cast %parallel_loop3A_193 : i32 to index
        %parallel_loop3A_323 = arith.constant 336 : index
        %parallel_loop3A_324 = tpu.vector_load %arg10[%parallel_loop3A_322, %parallel_loop3A_323] {strides = array<i32>} : memref<64x512xf32, #tpu.memory_space<vmem>>, vector<16xf32>,
        tpu.vector_store %arg10[%parallel_loop3A_322, %parallel_loop3A_323], %broadcast_in_dim3A_165 {strides = array<i32>} : memref<64x512xf32, #tpu.memory_space<vmem>>, vector<16xf32>,
        %parallel_loop3A_325 = arith.index_cast %parallel_loop3A_195 : i32 to index
        %parallel_loop3A_326 = arith.constant 336 : index
        %parallel_loop3A_327 = tpu.vector_load %arg10[%parallel_loop3A_325, %parallel_loop3A_326] {strides = array<i32>} : memref<64x512xf32, #tpu.memory_space<vmem>>, vector<16xf32>,
        tpu.vector_store %arg10[%parallel_loop3A_325, %parallel_loop3A_326], %broadcast_in_dim3A_165 {strides = array<i32>} : memref<64x512xf32, #tpu.memory_space<vmem>>, vector<16xf32>,
        %parallel_loop3A_328 = arith.index_cast %parallel_loop3A_193 : i32 to index
        %parallel_loop3A_329 = arith.constant 352 : index
        %parallel_loop3A_330 = tpu.vector_load %arg10[%parallel_loop3A_328, %parallel_loop3A_329] {strides = array<i32>} : memref<64x512xf32, #tpu.memory_space<vmem>>, vector<16xf32>,
        tpu.vector_store %arg10[%parallel_loop3A_328, %parallel_loop3A_329], %broadcast_in_dim3A_165 {strides = array<i32>} : memref<64x512xf32, #tpu.memory_space<vmem>>, vector<16xf32>,
        %parallel_loop3A_331 = arith.index_cast %parallel_loop3A_195 : i32 to index
        %parallel_loop3A_332 = arith.constant 352 : index
        %parallel_loop3A_333 = tpu.vector_load %arg10[%parallel_loop3A_331, %parallel_loop3A_332] {strides = array<i32>} : memref<64x512xf32, #tpu.memory_space<vmem>>, vector<16xf32>,
        tpu.vector_store %arg10[%parallel_loop3A_331, %parallel_loop3A_332], %broadcast_in_dim3A_165 {strides = array<i32>} : memref<64x512xf32, #tpu.memory_space<vmem>>, vector<16xf32>,
        %parallel_loop3A_334 = arith.index_cast %parallel_loop3A_193 : i32 to index
        %parallel_loop3A_335 = arith.constant 368 : index
        %parallel_loop3A_336 = tpu.vector_load %arg10[%parallel_loop3A_334, %parallel_loop3A_335] {strides = array<i32>} : memref<64x512xf32, #tpu.memory_space<vmem>>, vector<16xf32>,
        tpu.vector_store %arg10[%parallel_loop3A_334, %parallel_loop3A_335], %broadcast_in_dim3A_165 {strides = array<i32>} : memref<64x512xf32, #tpu.memory_space<vmem>>, vector<16xf32>,
        %parallel_loop3A_337 = arith.index_cast %parallel_loop3A_195 : i32 to index
        %parallel_loop3A_338 = arith.constant 368 : index
        %parallel_loop3A_339 = tpu.vector_load %arg10[%parallel_loop3A_337, %parallel_loop3A_338] {strides = array<i32>} : memref<64x512xf32, #tpu.memory_space<vmem>>, vector<16xf32>,
        tpu.vector_store %arg10[%parallel_loop3A_337, %parallel_loop3A_338], %broadcast_in_dim3A_165 {strides = array<i32>} : memref<64x512xf32, #tpu.memory_space<vmem>>, vector<16xf32>,
        %parallel_loop3A_340 = arith.index_cast %parallel_loop3A_193 : i32 to index
        %parallel_loop3A_341 = arith.constant 384 : index
        %parallel_loop3A_342 = tpu.vector_load %arg10[%parallel_loop3A_340, %parallel_loop3A_341] {strides = array<i32>} : memref<64x512xf32, #tpu.memory_space<vmem>>, vector<16xf32>,
        tpu.vector_store %arg10[%parallel_loop3A_340, %parallel_loop3A_341], %broadcast_in_dim3A_165 {strides = array<i32>} : memref<64x512xf32, #tpu.memory_space<vmem>>, vector<16xf32>,
        %parallel_loop3A_343 = arith.index_cast %parallel_loop3A_195 : i32 to index
        %parallel_loop3A_344 = arith.constant 384 : index
        %parallel_loop3A_345 = tpu.vector_load %arg10[%parallel_loop3A_343, %parallel_loop3A_344] {strides = array<i32>} : memref<64x512xf32, #tpu.memory_space<vmem>>, vector<16xf32>,
        tpu.vector_store %arg10[%parallel_loop3A_343, %parallel_loop3A_344], %broadcast_in_dim3A_165 {strides = array<i32>} : memref<64x512xf32, #tpu.memory_space<vmem>>, vector<16xf32>,
        %parallel_loop3A_346 = arith.index_cast %parallel_loop3A_193 : i32 to index
        %parallel_loop3A_347 = arith.constant 400 : index
        %parallel_loop3A_348 = tpu.vector_load %arg10[%parallel_loop3A_346, %parallel_loop3A_347] {strides = array<i32>} : memref<64x512xf32, #tpu.memory_space<vmem>>, vector<16xf32>,
        tpu.vector_store %arg10[%parallel_loop3A_346, %parallel_loop3A_347], %broadcast_in_dim3A_165 {strides = array<i32>} : memref<64x512xf32, #tpu.memory_space<vmem>>, vector<16xf32>,
        %parallel_loop3A_349 = arith.index_cast %parallel_loop3A_195 : i32 to index
        %parallel_loop3A_350 = arith.constant 400 : index
        %parallel_loop3A_351 = tpu.vector_load %arg10[%parallel_loop3A_349, %parallel_loop3A_350] {strides = array<i32>} : memref<64x512xf32, #tpu.memory_space<vmem>>, vector<16xf32>,
        tpu.vector_store %arg10[%parallel_loop3A_349, %parallel_loop3A_350], %broadcast_in_dim3A_165 {strides = array<i32>} : memref<64x512xf32, #tpu.memory_space<vmem>>, vector<16xf32>,
        %parallel_loop3A_352 = arith.index_cast %parallel_loop3A_193 : i32 to index
        %parallel_loop3A_353 = arith.constant 416 : index
        %parallel_loop3A_354 = tpu.vector_load %arg10[%parallel_loop3A_352, %parallel_loop3A_353] {strides = array<i32>} : memref<64x512xf32, #tpu.memory_space<vmem>>, vector<16xf32>,
        tpu.vector_store %arg10[%parallel_loop3A_352, %parallel_loop3A_353], %broadcast_in_dim3A_165 {strides = array<i32>} : memref<64x512xf32, #tpu.memory_space<vmem>>, vector<16xf32>,
        %parallel_loop3A_355 = arith.index_cast %parallel_loop3A_195 : i32 to index
        %parallel_loop3A_356 = arith.constant 416 : index
        %parallel_loop3A_357 = tpu.vector_load %arg10[%parallel_loop3A_355, %parallel_loop3A_356] {strides = array<i32>} : memref<64x512xf32, #tpu.memory_space<vmem>>, vector<16xf32>,
        tpu.vector_store %arg10[%parallel_loop3A_355, %parallel_loop3A_356], %broadcast_in_dim3A_165 {strides = array<i32>} : memref<64x512xf32, #tpu.memory_space<vmem>>, vector<16xf32>,
        %parallel_loop3A_358 = arith.index_cast %parallel_loop3A_193 : i32 to index
        %parallel_loop3A_359 = arith.constant 432 : index
        %parallel_loop3A_360 = tpu.vector_load %arg10[%parallel_loop3A_358, %parallel_loop3A_359] {strides = array<i32>} : memref<64x512xf32, #tpu.memory_space<vmem>>, vector<16xf32>,
        tpu.vector_store %arg10[%parallel_loop3A_358, %parallel_loop3A_359], %broadcast_in_dim3A_165 {strides = array<i32>} : memref<64x512xf32, #tpu.memory_space<vmem>>, vector<16xf32>,
        %parallel_loop3A_361 = arith.index_cast %parallel_loop3A_195 : i32 to index
        %parallel_loop3A_362 = arith.constant 432 : index
        %parallel_loop3A_363 = tpu.vector_load %arg10[%parallel_loop3A_361, %parallel_loop3A_362] {strides = array<i32>} : memref<64x512xf32, #tpu.memory_space<vmem>>, vector<16xf32>,
        tpu.vector_store %arg10[%parallel_loop3A_361, %parallel_loop3A_362], %broadcast_in_dim3A_165 {strides = array<i32>} : memref<64x512xf32, #tpu.memory_space<vmem>>, vector<16xf32>,
        %parallel_loop3A_364 = arith.index_cast %parallel_loop3A_193 : i32 to index
        %parallel_loop3A_365 = arith.constant 448 : index
        %parallel_loop3A_366 = tpu.vector_load %arg10[%parallel_loop3A_364, %parallel_loop3A_365] {strides = array<i32>} : memref<64x512xf32, #tpu.memory_space<vmem>>, vector<16xf32>,
        tpu.vector_store %arg10[%parallel_loop3A_364, %parallel_loop3A_365], %broadcast_in_dim3A_165 {strides = array<i32>} : memref<64x512xf32, #tpu.memory_space<vmem>>, vector<16xf32>,
        %parallel_loop3A_367 = arith.index_cast %parallel_loop3A_195 : i32 to index
        %parallel_loop3A_368 = arith.constant 448 : index
        %parallel_loop3A_369 = tpu.vector_load %arg10[%parallel_loop3A_367, %parallel_loop3A_368] {strides = array<i32>} : memref<64x512xf32, #tpu.memory_space<vmem>>, vector<16xf32>,
        tpu.vector_store %arg10[%parallel_loop3A_367, %parallel_loop3A_368], %broadcast_in_dim3A_165 {strides = array<i32>} : memref<64x512xf32, #tpu.memory_space<vmem>>, vector<16xf32>,
        %parallel_loop3A_370 = arith.index_cast %parallel_loop3A_193 : i32 to index
        %parallel_loop3A_371 = arith.constant 464 : index
        %parallel_loop3A_372 = tpu.vector_load %arg10[%parallel_loop3A_370, %parallel_loop3A_371] {strides = array<i32>} : memref<64x512xf32, #tpu.memory_space<vmem>>, vector<16xf32>,
        tpu.vector_store %arg10[%parallel_loop3A_370, %parallel_loop3A_371], %broadcast_in_dim3A_165 {strides = array<i32>} : memref<64x512xf32, #tpu.memory_space<vmem>>, vector<16xf32>,
        %parallel_loop3A_373 = arith.index_cast %parallel_loop3A_195 : i32 to index
        %parallel_loop3A_374 = arith.constant 464 : index
        %parallel_loop3A_375 = tpu.vector_load %arg10[%parallel_loop3A_373, %parallel_loop3A_374] {strides = array<i32>} : memref<64x512xf32, #tpu.memory_space<vmem>>, vector<16xf32>,
        tpu.vector_store %arg10[%parallel_loop3A_373, %parallel_loop3A_374], %broadcast_in_dim3A_165 {strides = array<i32>} : memref<64x512xf32, #tpu.memory_space<vmem>>, vector<16xf32>,
        %parallel_loop3A_376 = arith.index_cast %parallel_loop3A_193 : i32 to index
        %parallel_loop3A_377 = arith.constant 480 : index
        %parallel_loop3A_378 = tpu.vector_load %arg10[%parallel_loop3A_376, %parallel_loop3A_377] {strides = array<i32>} : memref<64x512xf32, #tpu.memory_space<vmem>>, vector<16xf32>,
        tpu.vector_store %arg10[%parallel_loop3A_376, %parallel_loop3A_377], %broadcast_in_dim3A_165 {strides = array<i32>} : memref<64x512xf32, #tpu.memory_space<vmem>>, vector<16xf32>,
        %parallel_loop3A_379 = arith.index_cast %parallel_loop3A_195 : i32 to index
        %parallel_loop3A_380 = arith.constant 480 : index
        %parallel_loop3A_381 = tpu.vector_load %arg10[%parallel_loop3A_379, %parallel_loop3A_380] {strides = array<i32>} : memref<64x512xf32, #tpu.memory_space<vmem>>, vector<16xf32>,
        tpu.vector_store %arg10[%parallel_loop3A_379, %parallel_loop3A_380], %broadcast_in_dim3A_165 {strides = array<i32>} : memref<64x512xf32, #tpu.memory_space<vmem>>, vector<16xf32>,
        %parallel_loop3A_382 = arith.index_cast %parallel_loop3A_193 : i32 to index
        %parallel_loop3A_383 = arith.constant 496 : index
        %parallel_loop3A_384 = tpu.vector_load %arg10[%parallel_loop3A_382, %parallel_loop3A_383] {strides = array<i32>} : memref<64x512xf32, #tpu.memory_space<vmem>>, vector<16xf32>,
        tpu.vector_store %arg10[%parallel_loop3A_382, %parallel_loop3A_383], %broadcast_in_dim3A_165 {strides = array<i32>} : memref<64x512xf32, #tpu.memory_space<vmem>>, vector<16xf32>,
        %parallel_loop3A_385 = arith.index_cast %parallel_loop3A_195 : i32 to index
        %parallel_loop3A_386 = arith.constant 496 : index
        %parallel_loop3A_387 = tpu.vector_load %arg10[%parallel_loop3A_385, %parallel_loop3A_386] {strides = array<i32>} : memref<64x512xf32, #tpu.memory_space<vmem>>, vector<16xf32>,
        tpu.vector_store %arg10[%parallel_loop3A_385, %parallel_loop3A_386], %broadcast_in_dim3A_165 {strides = array<i32>} : memref<64x512xf32, #tpu.memory_space<vmem>>, vector<16xf32>,
        %parallel_loop3A_388 = arith.index_cast %parallel_loop3A_191 : i32 to index
        %parallel_loop3A_389 = arith.constant 0 : index
        %parallel_loop3A_390 = tpu.vector_load %arg6[%parallel_loop3A_388, %parallel_loop3A_389] {strides = array<i32>} : memref<32x256xf32, #tpu.memory_space<vmem>>, vector<16xf32>,
        %parallel_loop3A_391 = arith.index_cast %parallel_loop3A_191 : i32 to index
        %parallel_loop3A_392 = arith.constant 0 : index
        %parallel_loop3A_393 = tpu.vector_load %arg8[%parallel_loop3A_391, %parallel_loop3A_392] {strides = array<i32>} : memref<32x256xi32, #tpu.memory_space<vmem>>, vector<16xi32>,
        %parallel_loop3A_394 = arith.constant 9 : i32
        %parallel_loop3A_395 = vector.broadcast %parallel_loop3A_394 : i32 to vector<16xi32>
        %parallel_loop3A_396 = arith.shrsi %parallel_loop3A_393, %parallel_loop3A_395 : vector<16xi32>
        %parallel_loop3A_397 = vector.broadcast %mul3A_163 : i32 to vector<16xi32>
        %parallel_loop3A_398 = arith.subi %parallel_loop3A_396, %parallel_loop3A_397 : vector<16xi32>
        %parallel_loop3A_399 = arith.constant 511 : i32
        %parallel_loop3A_400 = vector.broadcast %parallel_loop3A_399 : i32 to vector<16xi32>
        %parallel_loop3A_401 = arith.andi %parallel_loop3A_393, %parallel_loop3A_400 : vector<16xi32>
        tpu.vector_store_idx %arg10[%parallel_loop3A_398, %parallel_loop3A_401], %parallel_loop3A_390 : memref<64x512xf32, #tpu.memory_space<vmem>>[vector<16xi32>, vector<16xi32>], vector<16xf32>,
        %parallel_loop3A_402 = arith.index_cast %parallel_loop3A_191 : i32 to index
        %parallel_loop3A_403 = arith.constant 16 : index
        %parallel_loop3A_404 = tpu.vector_load %arg6[%parallel_loop3A_402, %parallel_loop3A_403] {strides = array<i32>} : memref<32x256xf32, #tpu.memory_space<vmem>>, vector<16xf32>,
        %parallel_loop3A_405 = arith.index_cast %parallel_loop3A_191 : i32 to index
        %parallel_loop3A_406 = arith.constant 16 : index
        %parallel_loop3A_407 = tpu.vector_load %arg8[%parallel_loop3A_405, %parallel_loop3A_406] {strides = array<i32>} : memref<32x256xi32, #tpu.memory_space<vmem>>, vector<16xi32>,
        %parallel_loop3A_408 = arith.constant 9 : i32
        %parallel_loop3A_409 = vector.broadcast %parallel_loop3A_408 : i32 to vector<16xi32>
        %parallel_loop3A_410 = arith.shrsi %parallel_loop3A_407, %parallel_loop3A_409 : vector<16xi32>
        %parallel_loop3A_411 = vector.broadcast %mul3A_163 : i32 to vector<16xi32>
        %parallel_loop3A_412 = arith.subi %parallel_loop3A_410, %parallel_loop3A_411 : vector<16xi32>
        %parallel_loop3A_413 = arith.constant 511 : i32
        %parallel_loop3A_414 = vector.broadcast %parallel_loop3A_413 : i32 to vector<16xi32>
        %parallel_loop3A_415 = arith.andi %parallel_loop3A_407, %parallel_loop3A_414 : vector<16xi32>
        tpu.vector_store_idx %arg10[%parallel_loop3A_412, %parallel_loop3A_415], %parallel_loop3A_404 : memref<64x512xf32, #tpu.memory_space<vmem>>[vector<16xi32>, vector<16xi32>], vector<16xf32>,
        %parallel_loop3A_416 = arith.index_cast %parallel_loop3A_191 : i32 to index
        %parallel_loop3A_417 = arith.constant 32 : index
        %parallel_loop3A_418 = tpu.vector_load %arg6[%parallel_loop3A_416, %parallel_loop3A_417] {strides = array<i32>} : memref<32x256xf32, #tpu.memory_space<vmem>>, vector<16xf32>,
        %parallel_loop3A_419 = arith.index_cast %parallel_loop3A_191 : i32 to index
        %parallel_loop3A_420 = arith.constant 32 : index
        %parallel_loop3A_421 = tpu.vector_load %arg8[%parallel_loop3A_419, %parallel_loop3A_420] {strides = array<i32>} : memref<32x256xi32, #tpu.memory_space<vmem>>, vector<16xi32>,
        %parallel_loop3A_422 = arith.constant 9 : i32
        %parallel_loop3A_423 = vector.broadcast %parallel_loop3A_422 : i32 to vector<16xi32>
        %parallel_loop3A_424 = arith.shrsi %parallel_loop3A_421, %parallel_loop3A_423 : vector<16xi32>
        %parallel_loop3A_425 = vector.broadcast %mul3A_163 : i32 to vector<16xi32>
        %parallel_loop3A_426 = arith.subi %parallel_loop3A_424, %parallel_loop3A_425 : vector<16xi32>
        %parallel_loop3A_427 = arith.constant 511 : i32
        %parallel_loop3A_428 = vector.broadcast %parallel_loop3A_427 : i32 to vector<16xi32>
        %parallel_loop3A_429 = arith.andi %parallel_loop3A_421, %parallel_loop3A_428 : vector<16xi32>
        tpu.vector_store_idx %arg10[%parallel_loop3A_426, %parallel_loop3A_429], %parallel_loop3A_418 : memref<64x512xf32, #tpu.memory_space<vmem>>[vector<16xi32>, vector<16xi32>], vector<16xf32>,
        %parallel_loop3A_430 = arith.index_cast %parallel_loop3A_191 : i32 to index
        %parallel_loop3A_431 = arith.constant 48 : index
        %parallel_loop3A_432 = tpu.vector_load %arg6[%parallel_loop3A_430, %parallel_loop3A_431] {strides = array<i32>} : memref<32x256xf32, #tpu.memory_space<vmem>>, vector<16xf32>,
        %parallel_loop3A_433 = arith.index_cast %parallel_loop3A_191 : i32 to index
        %parallel_loop3A_434 = arith.constant 48 : index
        %parallel_loop3A_435 = tpu.vector_load %arg8[%parallel_loop3A_433, %parallel_loop3A_434] {strides = array<i32>} : memref<32x256xi32, #tpu.memory_space<vmem>>, vector<16xi32>,
        %parallel_loop3A_436 = arith.constant 9 : i32
        %parallel_loop3A_437 = vector.broadcast %parallel_loop3A_436 : i32 to vector<16xi32>
        %parallel_loop3A_438 = arith.shrsi %parallel_loop3A_435, %parallel_loop3A_437 : vector<16xi32>
        %parallel_loop3A_439 = vector.broadcast %mul3A_163 : i32 to vector<16xi32>
        %parallel_loop3A_440 = arith.subi %parallel_loop3A_438, %parallel_loop3A_439 : vector<16xi32>
        %parallel_loop3A_441 = arith.constant 511 : i32
        %parallel_loop3A_442 = vector.broadcast %parallel_loop3A_441 : i32 to vector<16xi32>
        %parallel_loop3A_443 = arith.andi %parallel_loop3A_435, %parallel_loop3A_442 : vector<16xi32>
        tpu.vector_store_idx %arg10[%parallel_loop3A_440, %parallel_loop3A_443], %parallel_loop3A_432 : memref<64x512xf32, #tpu.memory_space<vmem>>[vector<16xi32>, vector<16xi32>], vector<16xf32>,
        %parallel_loop3A_444 = arith.index_cast %parallel_loop3A_191 : i32 to index
        %parallel_loop3A_445 = arith.constant 64 : index
        %parallel_loop3A_446 = tpu.vector_load %arg6[%parallel_loop3A_444, %parallel_loop3A_445] {strides = array<i32>} : memref<32x256xf32, #tpu.memory_space<vmem>>, vector<16xf32>,
        %parallel_loop3A_447 = arith.index_cast %parallel_loop3A_191 : i32 to index
        %parallel_loop3A_448 = arith.constant 64 : index
        %parallel_loop3A_449 = tpu.vector_load %arg8[%parallel_loop3A_447, %parallel_loop3A_448] {strides = array<i32>} : memref<32x256xi32, #tpu.memory_space<vmem>>, vector<16xi32>,
        %parallel_loop3A_450 = arith.constant 9 : i32
        %parallel_loop3A_451 = vector.broadcast %parallel_loop3A_450 : i32 to vector<16xi32>
        %parallel_loop3A_452 = arith.shrsi %parallel_loop3A_449, %parallel_loop3A_451 : vector<16xi32>
        %parallel_loop3A_453 = vector.broadcast %mul3A_163 : i32 to vector<16xi32>
        %parallel_loop3A_454 = arith.subi %parallel_loop3A_452, %parallel_loop3A_453 : vector<16xi32>
        %parallel_loop3A_455 = arith.constant 511 : i32
        %parallel_loop3A_456 = vector.broadcast %parallel_loop3A_455 : i32 to vector<16xi32>
        %parallel_loop3A_457 = arith.andi %parallel_loop3A_449, %parallel_loop3A_456 : vector<16xi32>
        tpu.vector_store_idx %arg10[%parallel_loop3A_454, %parallel_loop3A_457], %parallel_loop3A_446 : memref<64x512xf32, #tpu.memory_space<vmem>>[vector<16xi32>, vector<16xi32>], vector<16xf32>,
        %parallel_loop3A_458 = arith.index_cast %parallel_loop3A_191 : i32 to index
        %parallel_loop3A_459 = arith.constant 80 : index
        %parallel_loop3A_460 = tpu.vector_load %arg6[%parallel_loop3A_458, %parallel_loop3A_459] {strides = array<i32>} : memref<32x256xf32, #tpu.memory_space<vmem>>, vector<16xf32>,
        %parallel_loop3A_461 = arith.index_cast %parallel_loop3A_191 : i32 to index
        %parallel_loop3A_462 = arith.constant 80 : index
        %parallel_loop3A_463 = tpu.vector_load %arg8[%parallel_loop3A_461, %parallel_loop3A_462] {strides = array<i32>} : memref<32x256xi32, #tpu.memory_space<vmem>>, vector<16xi32>,
        %parallel_loop3A_464 = arith.constant 9 : i32
        %parallel_loop3A_465 = vector.broadcast %parallel_loop3A_464 : i32 to vector<16xi32>
        %parallel_loop3A_466 = arith.shrsi %parallel_loop3A_463, %parallel_loop3A_465 : vector<16xi32>
        %parallel_loop3A_467 = vector.broadcast %mul3A_163 : i32 to vector<16xi32>
        %parallel_loop3A_468 = arith.subi %parallel_loop3A_466, %parallel_loop3A_467 : vector<16xi32>
        %parallel_loop3A_469 = arith.constant 511 : i32
        %parallel_loop3A_470 = vector.broadcast %parallel_loop3A_469 : i32 to vector<16xi32>
        %parallel_loop3A_471 = arith.andi %parallel_loop3A_463, %parallel_loop3A_470 : vector<16xi32>
        tpu.vector_store_idx %arg10[%parallel_loop3A_468, %parallel_loop3A_471], %parallel_loop3A_460 : memref<64x512xf32, #tpu.memory_space<vmem>>[vector<16xi32>, vector<16xi32>], vector<16xf32>,
        %parallel_loop3A_472 = arith.index_cast %parallel_loop3A_191 : i32 to index
        %parallel_loop3A_473 = arith.constant 96 : index
        %parallel_loop3A_474 = tpu.vector_load %arg6[%parallel_loop3A_472, %parallel_loop3A_473] {strides = array<i32>} : memref<32x256xf32, #tpu.memory_space<vmem>>, vector<16xf32>,
        %parallel_loop3A_475 = arith.index_cast %parallel_loop3A_191 : i32 to index
        %parallel_loop3A_476 = arith.constant 96 : index
        %parallel_loop3A_477 = tpu.vector_load %arg8[%parallel_loop3A_475, %parallel_loop3A_476] {strides = array<i32>} : memref<32x256xi32, #tpu.memory_space<vmem>>, vector<16xi32>,
        %parallel_loop3A_478 = arith.constant 9 : i32
        %parallel_loop3A_479 = vector.broadcast %parallel_loop3A_478 : i32 to vector<16xi32>
        %parallel_loop3A_480 = arith.shrsi %parallel_loop3A_477, %parallel_loop3A_479 : vector<16xi32>
        %parallel_loop3A_481 = vector.broadcast %mul3A_163 : i32 to vector<16xi32>
        %parallel_loop3A_482 = arith.subi %parallel_loop3A_480, %parallel_loop3A_481 : vector<16xi32>
        %parallel_loop3A_483 = arith.constant 511 : i32
        %parallel_loop3A_484 = vector.broadcast %parallel_loop3A_483 : i32 to vector<16xi32>
        %parallel_loop3A_485 = arith.andi %parallel_loop3A_477, %parallel_loop3A_484 : vector<16xi32>
        tpu.vector_store_idx %arg10[%parallel_loop3A_482, %parallel_loop3A_485], %parallel_loop3A_474 : memref<64x512xf32, #tpu.memory_space<vmem>>[vector<16xi32>, vector<16xi32>], vector<16xf32>,
        %parallel_loop3A_486 = arith.index_cast %parallel_loop3A_191 : i32 to index
        %parallel_loop3A_487 = arith.constant 112 : index
        %parallel_loop3A_488 = tpu.vector_load %arg6[%parallel_loop3A_486, %parallel_loop3A_487] {strides = array<i32>} : memref<32x256xf32, #tpu.memory_space<vmem>>, vector<16xf32>,
        %parallel_loop3A_489 = arith.index_cast %parallel_loop3A_191 : i32 to index
        %parallel_loop3A_490 = arith.constant 112 : index
        %parallel_loop3A_491 = tpu.vector_load %arg8[%parallel_loop3A_489, %parallel_loop3A_490] {strides = array<i32>} : memref<32x256xi32, #tpu.memory_space<vmem>>, vector<16xi32>,
        %parallel_loop3A_492 = arith.constant 9 : i32
        %parallel_loop3A_493 = vector.broadcast %parallel_loop3A_492 : i32 to vector<16xi32>
        %parallel_loop3A_494 = arith.shrsi %parallel_loop3A_491, %parallel_loop3A_493 : vector<16xi32>
        %parallel_loop3A_495 = vector.broadcast %mul3A_163 : i32 to vector<16xi32>
        %parallel_loop3A_496 = arith.subi %parallel_loop3A_494, %parallel_loop3A_495 : vector<16xi32>
        %parallel_loop3A_497 = arith.constant 511 : i32
        %parallel_loop3A_498 = vector.broadcast %parallel_loop3A_497 : i32 to vector<16xi32>
        %parallel_loop3A_499 = arith.andi %parallel_loop3A_491, %parallel_loop3A_498 : vector<16xi32>
        tpu.vector_store_idx %arg10[%parallel_loop3A_496, %parallel_loop3A_499], %parallel_loop3A_488 : memref<64x512xf32, #tpu.memory_space<vmem>>[vector<16xi32>, vector<16xi32>], vector<16xf32>,
        %parallel_loop3A_500 = arith.index_cast %parallel_loop3A_191 : i32 to index
        %parallel_loop3A_501 = arith.constant 128 : index
        %parallel_loop3A_502 = tpu.vector_load %arg6[%parallel_loop3A_500, %parallel_loop3A_501] {strides = array<i32>} : memref<32x256xf32, #tpu.memory_space<vmem>>, vector<16xf32>,
        %parallel_loop3A_503 = arith.index_cast %parallel_loop3A_191 : i32 to index
        %parallel_loop3A_504 = arith.constant 128 : index
        %parallel_loop3A_505 = tpu.vector_load %arg8[%parallel_loop3A_503, %parallel_loop3A_504] {strides = array<i32>} : memref<32x256xi32, #tpu.memory_space<vmem>>, vector<16xi32>,
        %parallel_loop3A_506 = arith.constant 9 : i32
        %parallel_loop3A_507 = vector.broadcast %parallel_loop3A_506 : i32 to vector<16xi32>
        %parallel_loop3A_508 = arith.shrsi %parallel_loop3A_505, %parallel_loop3A_507 : vector<16xi32>
        %parallel_loop3A_509 = vector.broadcast %mul3A_163 : i32 to vector<16xi32>
        %parallel_loop3A_510 = arith.subi %parallel_loop3A_508, %parallel_loop3A_509 : vector<16xi32>
        %parallel_loop3A_511 = arith.constant 511 : i32
        %parallel_loop3A_512 = vector.broadcast %parallel_loop3A_511 : i32 to vector<16xi32>
        %parallel_loop3A_513 = arith.andi %parallel_loop3A_505, %parallel_loop3A_512 : vector<16xi32>
        tpu.vector_store_idx %arg10[%parallel_loop3A_510, %parallel_loop3A_513], %parallel_loop3A_502 : memref<64x512xf32, #tpu.memory_space<vmem>>[vector<16xi32>, vector<16xi32>], vector<16xf32>,
        %parallel_loop3A_514 = arith.index_cast %parallel_loop3A_191 : i32 to index
        %parallel_loop3A_515 = arith.constant 144 : index
        %parallel_loop3A_516 = tpu.vector_load %arg6[%parallel_loop3A_514, %parallel_loop3A_515] {strides = array<i32>} : memref<32x256xf32, #tpu.memory_space<vmem>>, vector<16xf32>,
        %parallel_loop3A_517 = arith.index_cast %parallel_loop3A_191 : i32 to index
        %parallel_loop3A_518 = arith.constant 144 : index
        %parallel_loop3A_519 = tpu.vector_load %arg8[%parallel_loop3A_517, %parallel_loop3A_518] {strides = array<i32>} : memref<32x256xi32, #tpu.memory_space<vmem>>, vector<16xi32>,
        %parallel_loop3A_520 = arith.constant 9 : i32
        %parallel_loop3A_521 = vector.broadcast %parallel_loop3A_520 : i32 to vector<16xi32>
        %parallel_loop3A_522 = arith.shrsi %parallel_loop3A_519, %parallel_loop3A_521 : vector<16xi32>
        %parallel_loop3A_523 = vector.broadcast %mul3A_163 : i32 to vector<16xi32>
        %parallel_loop3A_524 = arith.subi %parallel_loop3A_522, %parallel_loop3A_523 : vector<16xi32>
        %parallel_loop3A_525 = arith.constant 511 : i32
        %parallel_loop3A_526 = vector.broadcast %parallel_loop3A_525 : i32 to vector<16xi32>
        %parallel_loop3A_527 = arith.andi %parallel_loop3A_519, %parallel_loop3A_526 : vector<16xi32>
        tpu.vector_store_idx %arg10[%parallel_loop3A_524, %parallel_loop3A_527], %parallel_loop3A_516 : memref<64x512xf32, #tpu.memory_space<vmem>>[vector<16xi32>, vector<16xi32>], vector<16xf32>,
        %parallel_loop3A_528 = arith.index_cast %parallel_loop3A_191 : i32 to index
        %parallel_loop3A_529 = arith.constant 160 : index
        %parallel_loop3A_530 = tpu.vector_load %arg6[%parallel_loop3A_528, %parallel_loop3A_529] {strides = array<i32>} : memref<32x256xf32, #tpu.memory_space<vmem>>, vector<16xf32>,
        %parallel_loop3A_531 = arith.index_cast %parallel_loop3A_191 : i32 to index
        %parallel_loop3A_532 = arith.constant 160 : index
        %parallel_loop3A_533 = tpu.vector_load %arg8[%parallel_loop3A_531, %parallel_loop3A_532] {strides = array<i32>} : memref<32x256xi32, #tpu.memory_space<vmem>>, vector<16xi32>,
        %parallel_loop3A_534 = arith.constant 9 : i32
        %parallel_loop3A_535 = vector.broadcast %parallel_loop3A_534 : i32 to vector<16xi32>
        %parallel_loop3A_536 = arith.shrsi %parallel_loop3A_533, %parallel_loop3A_535 : vector<16xi32>
        %parallel_loop3A_537 = vector.broadcast %mul3A_163 : i32 to vector<16xi32>
        %parallel_loop3A_538 = arith.subi %parallel_loop3A_536, %parallel_loop3A_537 : vector<16xi32>
        %parallel_loop3A_539 = arith.constant 511 : i32
        %parallel_loop3A_540 = vector.broadcast %parallel_loop3A_539 : i32 to vector<16xi32>
        %parallel_loop3A_541 = arith.andi %parallel_loop3A_533, %parallel_loop3A_540 : vector<16xi32>
        tpu.vector_store_idx %arg10[%parallel_loop3A_538, %parallel_loop3A_541], %parallel_loop3A_530 : memref<64x512xf32, #tpu.memory_space<vmem>>[vector<16xi32>, vector<16xi32>], vector<16xf32>,
        %parallel_loop3A_542 = arith.index_cast %parallel_loop3A_191 : i32 to index
        %parallel_loop3A_543 = arith.constant 176 : index
        %parallel_loop3A_544 = tpu.vector_load %arg6[%parallel_loop3A_542, %parallel_loop3A_543] {strides = array<i32>} : memref<32x256xf32, #tpu.memory_space<vmem>>, vector<16xf32>,
        %parallel_loop3A_545 = arith.index_cast %parallel_loop3A_191 : i32 to index
        %parallel_loop3A_546 = arith.constant 176 : index
        %parallel_loop3A_547 = tpu.vector_load %arg8[%parallel_loop3A_545, %parallel_loop3A_546] {strides = array<i32>} : memref<32x256xi32, #tpu.memory_space<vmem>>, vector<16xi32>,
        %parallel_loop3A_548 = arith.constant 9 : i32
        %parallel_loop3A_549 = vector.broadcast %parallel_loop3A_548 : i32 to vector<16xi32>
        %parallel_loop3A_550 = arith.shrsi %parallel_loop3A_547, %parallel_loop3A_549 : vector<16xi32>
        %parallel_loop3A_551 = vector.broadcast %mul3A_163 : i32 to vector<16xi32>
        %parallel_loop3A_552 = arith.subi %parallel_loop3A_550, %parallel_loop3A_551 : vector<16xi32>
        %parallel_loop3A_553 = arith.constant 511 : i32
        %parallel_loop3A_554 = vector.broadcast %parallel_loop3A_553 : i32 to vector<16xi32>
        %parallel_loop3A_555 = arith.andi %parallel_loop3A_547, %parallel_loop3A_554 : vector<16xi32>
        tpu.vector_store_idx %arg10[%parallel_loop3A_552, %parallel_loop3A_555], %parallel_loop3A_544 : memref<64x512xf32, #tpu.memory_space<vmem>>[vector<16xi32>, vector<16xi32>], vector<16xf32>,
        %parallel_loop3A_556 = arith.index_cast %parallel_loop3A_191 : i32 to index
        %parallel_loop3A_557 = arith.constant 192 : index
        %parallel_loop3A_558 = tpu.vector_load %arg6[%parallel_loop3A_556, %parallel_loop3A_557] {strides = array<i32>} : memref<32x256xf32, #tpu.memory_space<vmem>>, vector<16xf32>,
        %parallel_loop3A_559 = arith.index_cast %parallel_loop3A_191 : i32 to index
        %parallel_loop3A_560 = arith.constant 192 : index
        %parallel_loop3A_561 = tpu.vector_load %arg8[%parallel_loop3A_559, %parallel_loop3A_560] {strides = array<i32>} : memref<32x256xi32, #tpu.memory_space<vmem>>, vector<16xi32>,
        %parallel_loop3A_562 = arith.constant 9 : i32
        %parallel_loop3A_563 = vector.broadcast %parallel_loop3A_562 : i32 to vector<16xi32>
        %parallel_loop3A_564 = arith.shrsi %parallel_loop3A_561, %parallel_loop3A_563 : vector<16xi32>
        %parallel_loop3A_565 = vector.broadcast %mul3A_163 : i32 to vector<16xi32>
        %parallel_loop3A_566 = arith.subi %parallel_loop3A_564, %parallel_loop3A_565 : vector<16xi32>
        %parallel_loop3A_567 = arith.constant 511 : i32
        %parallel_loop3A_568 = vector.broadcast %parallel_loop3A_567 : i32 to vector<16xi32>
        %parallel_loop3A_569 = arith.andi %parallel_loop3A_561, %parallel_loop3A_568 : vector<16xi32>
        tpu.vector_store_idx %arg10[%parallel_loop3A_566, %parallel_loop3A_569], %parallel_loop3A_558 : memref<64x512xf32, #tpu.memory_space<vmem>>[vector<16xi32>, vector<16xi32>], vector<16xf32>,
        %parallel_loop3A_570 = arith.index_cast %parallel_loop3A_191 : i32 to index
        %parallel_loop3A_571 = arith.constant 208 : index
        %parallel_loop3A_572 = tpu.vector_load %arg6[%parallel_loop3A_570, %parallel_loop3A_571] {strides = array<i32>} : memref<32x256xf32, #tpu.memory_space<vmem>>, vector<16xf32>,
        %parallel_loop3A_573 = arith.index_cast %parallel_loop3A_191 : i32 to index
        %parallel_loop3A_574 = arith.constant 208 : index
        %parallel_loop3A_575 = tpu.vector_load %arg8[%parallel_loop3A_573, %parallel_loop3A_574] {strides = array<i32>} : memref<32x256xi32, #tpu.memory_space<vmem>>, vector<16xi32>,
        %parallel_loop3A_576 = arith.constant 9 : i32
        %parallel_loop3A_577 = vector.broadcast %parallel_loop3A_576 : i32 to vector<16xi32>
        %parallel_loop3A_578 = arith.shrsi %parallel_loop3A_575, %parallel_loop3A_577 : vector<16xi32>
        %parallel_loop3A_579 = vector.broadcast %mul3A_163 : i32 to vector<16xi32>
        %parallel_loop3A_580 = arith.subi %parallel_loop3A_578, %parallel_loop3A_579 : vector<16xi32>
        %parallel_loop3A_581 = arith.constant 511 : i32
        %parallel_loop3A_582 = vector.broadcast %parallel_loop3A_581 : i32 to vector<16xi32>
        %parallel_loop3A_583 = arith.andi %parallel_loop3A_575, %parallel_loop3A_582 : vector<16xi32>
        tpu.vector_store_idx %arg10[%parallel_loop3A_580, %parallel_loop3A_583], %parallel_loop3A_572 : memref<64x512xf32, #tpu.memory_space<vmem>>[vector<16xi32>, vector<16xi32>], vector<16xf32>,
        %parallel_loop3A_584 = arith.index_cast %parallel_loop3A_191 : i32 to index
        %parallel_loop3A_585 = arith.constant 224 : index
        %parallel_loop3A_586 = tpu.vector_load %arg6[%parallel_loop3A_584, %parallel_loop3A_585] {strides = array<i32>} : memref<32x256xf32, #tpu.memory_space<vmem>>, vector<16xf32>,
        %parallel_loop3A_587 = arith.index_cast %parallel_loop3A_191 : i32 to index
        %parallel_loop3A_588 = arith.constant 224 : index
        %parallel_loop3A_589 = tpu.vector_load %arg8[%parallel_loop3A_587, %parallel_loop3A_588] {strides = array<i32>} : memref<32x256xi32, #tpu.memory_space<vmem>>, vector<16xi32>,
        %parallel_loop3A_590 = arith.constant 9 : i32
        %parallel_loop3A_591 = vector.broadcast %parallel_loop3A_590 : i32 to vector<16xi32>
        %parallel_loop3A_592 = arith.shrsi %parallel_loop3A_589, %parallel_loop3A_591 : vector<16xi32>
        %parallel_loop3A_593 = vector.broadcast %mul3A_163 : i32 to vector<16xi32>
        %parallel_loop3A_594 = arith.subi %parallel_loop3A_592, %parallel_loop3A_593 : vector<16xi32>
        %parallel_loop3A_595 = arith.constant 511 : i32
        %parallel_loop3A_596 = vector.broadcast %parallel_loop3A_595 : i32 to vector<16xi32>
        %parallel_loop3A_597 = arith.andi %parallel_loop3A_589, %parallel_loop3A_596 : vector<16xi32>
        tpu.vector_store_idx %arg10[%parallel_loop3A_594, %parallel_loop3A_597], %parallel_loop3A_586 : memref<64x512xf32, #tpu.memory_space<vmem>>[vector<16xi32>, vector<16xi32>], vector<16xf32>,
        %parallel_loop3A_598 = arith.index_cast %parallel_loop3A_191 : i32 to index
        %parallel_loop3A_599 = arith.constant 240 : index
        %parallel_loop3A_600 = tpu.vector_load %arg6[%parallel_loop3A_598, %parallel_loop3A_599] {strides = array<i32>} : memref<32x256xf32, #tpu.memory_space<vmem>>, vector<16xf32>,
        %parallel_loop3A_601 = arith.index_cast %parallel_loop3A_191 : i32 to index
        %parallel_loop3A_602 = arith.constant 240 : index
        %parallel_loop3A_603 = tpu.vector_load %arg8[%parallel_loop3A_601, %parallel_loop3A_602] {strides = array<i32>} : memref<32x256xi32, #tpu.memory_space<vmem>>, vector<16xi32>,
        %parallel_loop3A_604 = arith.constant 9 : i32
        %parallel_loop3A_605 = vector.broadcast %parallel_loop3A_604 : i32 to vector<16xi32>
        %parallel_loop3A_606 = arith.shrsi %parallel_loop3A_603, %parallel_loop3A_605 : vector<16xi32>
        %parallel_loop3A_607 = vector.broadcast %mul3A_163 : i32 to vector<16xi32>
        %parallel_loop3A_608 = arith.subi %parallel_loop3A_606, %parallel_loop3A_607 : vector<16xi32>
        %parallel_loop3A_609 = arith.constant 511 : i32
        %parallel_loop3A_610 = vector.broadcast %parallel_loop3A_609 : i32 to vector<16xi32>
        %parallel_loop3A_611 = arith.andi %parallel_loop3A_603, %parallel_loop3A_610 : vector<16xi32>
        tpu.vector_store_idx %arg10[%parallel_loop3A_608, %parallel_loop3A_611], %parallel_loop3A_600 : memref<64x512xf32, #tpu.memory_space<vmem>>[vector<16xi32>, vector<16xi32>], vector<16xf32>,
      } {sc.loop_unroll_factor = 1 : i64, sc.parallel_access}
      %shift_right_arithmetic3A_169 = arith.constant 3 : i32
      %shift_right_arithmetic3A_170 = arith.shrsi %add3A_130, %shift_right_arithmetic3A_169 : i32
      %and3A_171 = arith.constant 7 : i32
      %and3A_172 = arith.andi %add3A_130, %and3A_171 : i32
      %add3A_173 = arith.addi %mul3A_4, %shift_right_arithmetic3A_170 : i32
      %mul3A_174 = arith.constant 2 : i32
      %mul3A_175 = arith.muli %and3A_172, %mul3A_174 : i32
      %mul3A_176 = arith.constant 32 : i32
      %mul3A_177 = arith.muli %mul3A_175, %mul3A_176 : i32
      %dma_start3A_178 = arith.constant 0 : i32
      %dma_start3A_179 = tpu.memref_slice %arg4[%shift_right_arithmetic3A_1, %add3A_173, %mul3A_177, %dma_start3A_178] : memref<2x96x512x512xf32, #tpu.memory_space<hbm>> -> memref<1x1x64x512xf32, #tpu.memory_space<hbm>>
      %dma_start3A_180 = tpu.memref_squeeze %dma_start3A_179 : memref<1x1x64x512xf32, #tpu.memory_space<hbm>> -> memref<64x512xf32, #tpu.memory_space<hbm>>
      %dma_start3A_181 = arith.constant 0 : i32
      %dma_start3A_182 = tpu.memref_slice %arg4[%shift_right_arithmetic3A_1, %add3A_173, %mul3A_177, %dma_start3A_181] : memref<2x96x512x512xf32, #tpu.memory_space<hbm>> -> memref<1x1x64x512xf32, #tpu.memory_space<hbm>>
      %dma_start3A_183 = tpu.memref_squeeze %dma_start3A_182 : memref<1x1x64x512xf32, #tpu.memory_space<hbm>> -> memref<64x512xf32, #tpu.memory_space<hbm>>
      tpu.enqueue_dma source(%arg10 : memref<64x512xf32, #tpu.memory_space<vmem>>) target(%dma_start3A_183 : memref<64x512xf32, #tpu.memory_space<hbm>>) target_semaphore(%arg16 : memref<!tpu.dma_semaphore, #tpu.memory_space<semaphore_mem>>)
      %add3A_184 = arith.constant 2 : i32
      %add3A_185 = arith.addi %add3A_130, %add3A_184 : i32
      %lt3A_186 = arith.constant 48 : i32
      %lt3A_187 = arith.cmpi slt, %add3A_185, %lt3A_186 : i32
      %convert_element_type3A_188 = arith.extui %lt3A_187 : i1 to i32
      %cond3A_189 = arith.constant 0 : i32
      %cond3A_190 = arith.cmpi ne, %convert_element_type3A_188, %cond3A_189 : i32
      scf.if %cond3A_190 {
        %add3A_191 = arith.constant 2 : i32
        %add3A_192 = arith.addi %add3A_130, %add3A_191 : i32
        %shift_right_arithmetic3A_193 = arith.constant 3 : i32
        %shift_right_arithmetic3A_194 = arith.shrsi %add3A_192, %shift_right_arithmetic3A_193 : i32
        %and3A_195 = arith.constant 7 : i32
        %and3A_196 = arith.andi %add3A_192, %and3A_195 : i32
        %add3A_197 = arith.addi %mul3A_4, %shift_right_arithmetic3A_194 : i32
        %mul3A_198 = arith.constant 32 : i32
        %mul3A_199 = arith.muli %and3A_196, %mul3A_198 : i32
        %add3A_200 = arith.addi %mul3A_4, %shift_right_arithmetic3A_194 : i32
        %mul3A_201 = arith.constant 32 : i32
        %mul3A_202 = arith.muli %and3A_196, %mul3A_201 : i32
        %dma_start3A_203 = arith.constant 0 : i32
        %dma_start3A_204 = tpu.memref_slice %arg2[%shift_right_arithmetic3A_1, %add3A_197, %mul3A_199, %dma_start3A_203] : memref<2x96x256x256xf32, #tpu.memory_space<hbm>> -> memref<1x1x32x256xf32, #tpu.memory_space<hbm>>
        %dma_start3A_205 = tpu.memref_squeeze %dma_start3A_204 : memref<1x1x32x256xf32, #tpu.memory_space<hbm>> -> memref<32x256xf32, #tpu.memory_space<hbm>>
        %dma_start3A_206 = arith.constant 0 : i32
        %dma_start3A_207 = tpu.memref_slice %arg2[%shift_right_arithmetic3A_1, %add3A_197, %mul3A_199, %dma_start3A_206] : memref<2x96x256x256xf32, #tpu.memory_space<hbm>> -> memref<1x1x32x256xf32, #tpu.memory_space<hbm>>
        %dma_start3A_208 = tpu.memref_squeeze %dma_start3A_207 : memref<1x1x32x256xf32, #tpu.memory_space<hbm>> -> memref<32x256xf32, #tpu.memory_space<hbm>>
        tpu.enqueue_dma source(%dma_start3A_208 : memref<32x256xf32, #tpu.memory_space<hbm>>) target(%arg6 : memref<32x256xf32, #tpu.memory_space<vmem>>) target_semaphore(%arg12 : memref<!tpu.dma_semaphore, #tpu.memory_space<semaphore_mem>>)
        %dma_start3A_209 = arith.constant 0 : i32
        %dma_start3A_210 = tpu.memref_slice %arg3[%shift_right_arithmetic3A_1, %add3A_200, %mul3A_202, %dma_start3A_209] : memref<2x96x256x256xi32, #tpu.memory_space<hbm>> -> memref<1x1x32x256xi32, #tpu.memory_space<hbm>>
        %dma_start3A_211 = tpu.memref_squeeze %dma_start3A_210 : memref<1x1x32x256xi32, #tpu.memory_space<hbm>> -> memref<32x256xi32, #tpu.memory_space<hbm>>
        %dma_start3A_212 = arith.constant 0 : i32
        %dma_start3A_213 = tpu.memref_slice %arg3[%shift_right_arithmetic3A_1, %add3A_200, %mul3A_202, %dma_start3A_212] : memref<2x96x256x256xi32, #tpu.memory_space<hbm>> -> memref<1x1x32x256xi32, #tpu.memory_space<hbm>>
        %dma_start3A_214 = tpu.memref_squeeze %dma_start3A_213 : memref<1x1x32x256xi32, #tpu.memory_space<hbm>> -> memref<32x256xi32, #tpu.memory_space<hbm>>
        tpu.enqueue_dma source(%dma_start3A_214 : memref<32x256xi32, #tpu.memory_space<hbm>>) target(%arg8 : memref<32x256xi32, #tpu.memory_space<vmem>>) target_semaphore(%arg14 : memref<!tpu.dma_semaphore, #tpu.memory_space<semaphore_mem>>)
      } else {
      }
    }
    %scan3A_48 = arith.constant 24 : i32
    %add3A_49 = arith.constant 5 : i32
    %add3A_50 = arith.addi %mul3A_4, %add3A_49 : i32
    %dma_wait3A = arith.constant 384 : i32
    %dma_wait3A_51 = arith.constant 0 : i32
    %dma_wait3A_52 = tpu.memref_slice %arg4[%shift_right_arithmetic3A_1, %add3A_50, %dma_wait3A, %dma_wait3A_51] : memref<2x96x512x512xf32, #tpu.memory_space<hbm>> -> memref<1x1x64x512xf32, #tpu.memory_space<hbm>>
    %dma_wait3A_53 = tpu.memref_squeeze %dma_wait3A_52 : memref<1x1x64x512xf32, #tpu.memory_space<hbm>> -> memref<64x512xf32, #tpu.memory_space<hbm>>
    %dma_wait3A_54 = arith.constant 384 : i32
    %dma_wait3A_55 = arith.constant 0 : i32
    %dma_wait3A_56 = tpu.memref_slice %arg4[%shift_right_arithmetic3A_1, %add3A_50, %dma_wait3A_54, %dma_wait3A_55] : memref<2x96x512x512xf32, #tpu.memory_space<hbm>> -> memref<1x1x64x512xf32, #tpu.memory_space<hbm>>
    %dma_wait3A_57 = tpu.memref_squeeze %dma_wait3A_56 : memref<1x1x64x512xf32, #tpu.memory_space<hbm>> -> memref<64x512xf32, #tpu.memory_space<hbm>>
    tpu.wait_dma2 semaphore(%arg15 : memref<!tpu.dma_semaphore, #tpu.memory_space<semaphore_mem>>) src(%arg9 : memref<64x512xf32, #tpu.memory_space<vmem>>) dst(%dma_wait3A_57 : memref<64x512xf32, #tpu.memory_space<hbm>>)
    %add3A_58 = arith.constant 5 : i32
    %add3A_59 = arith.addi %mul3A_4, %add3A_58 : i32
    %dma_wait3A_60 = arith.constant 448 : i32
    %dma_wait3A_61 = arith.constant 0 : i32
    %dma_wait3A_62 = tpu.memref_slice %arg4[%shift_right_arithmetic3A_1, %add3A_59, %dma_wait3A_60, %dma_wait3A_61] : memref<2x96x512x512xf32, #tpu.memory_space<hbm>> -> memref<1x1x64x512xf32, #tpu.memory_space<hbm>>
    %dma_wait3A_63 = tpu.memref_squeeze %dma_wait3A_62 : memref<1x1x64x512xf32, #tpu.memory_space<hbm>> -> memref<64x512xf32, #tpu.memory_space<hbm>>
    %dma_wait3A_64 = arith.constant 448 : i32
    %dma_wait3A_65 = arith.constant 0 : i32
    %dma_wait3A_66 = tpu.memref_slice %arg4[%shift_right_arithmetic3A_1, %add3A_59, %dma_wait3A_64, %dma_wait3A_65] : memref<2x96x512x512xf32, #tpu.memory_space<hbm>> -> memref<1x1x64x512xf32, #tpu.memory_space<hbm>>
    %dma_wait3A_67 = tpu.memref_squeeze %dma_wait3A_66 : memref<1x1x64x512xf32, #tpu.memory_space<hbm>> -> memref<64x512xf32, #tpu.memory_space<hbm>>
    tpu.wait_dma2 semaphore(%arg16 : memref<!tpu.dma_semaphore, #tpu.memory_space<semaphore_mem>>) src(%arg10 : memref<64x512xf32, #tpu.memory_space<vmem>>) dst(%dma_wait3A_67 : memref<64x512xf32, #tpu.memory_space<hbm>>)
    return
  }
}

</mosaic_0001>

<sc_bundles>
// kernel: kernel.3.cloned.1.call-start
scs
__scs_entry_jumppad:
0x0: {  	(pc) =	sbr.rel $0x88, $3  }
0x1: {  	(tag) =	ssettag $0x0;
	lr =	simm.s32 $0x1  }
0x2: {  	[smem:$0x3F9F] =	sst lr;
	_ =	strace $0xD0000000  }
0x3: {  	_ = 	snop  }
0x4: {  	_ = 	snop  }
0x5: {  	_ = 	snop  }
0x6: {  	_ = 	snop  }
0x7: {  	_ = 	snop  }
__scs_overlays_trampoline_lowered:
0x8: {  	[smem:$0x3FAE] =	sst s0  }
0x9: {  	[smem:$0x3FAF] =	sst s1  }
0xa: {  	[smem:$0x3FB0] =	sst s2  }
0xb: {  	[smem:$0x3FB1] =	sst s3  }
0xc: {  	[smem:$0x3FB2] =	sst s4  }
0xd: {  	[smem:$0x3FB3] =	sst s5  }
0xe: {  	[smem:$0x3FB4] =	sst s6  }
0xf: {  	[smem:$0x3FB5] =	sst s7  }
0x10: {  	[smem:$0x3FB6] =	sst s8  }
0x11: {  	[smem:$0x3FB7] =	sst s9;
	s0 =	simm.s32 @!p0 $0x0  }
0x12: {  	s1 =	sld [smem:$0x3F9D];
	s0 =	simm.s32 @p0 $0x1  }
0x13: {  	[smem:$0x3FB8] =	sst s0;
	s0 =	simm.s32 @!p1 $0x0  }
0x14: {  	s2 =	sld [smem:$0x3F9C];
	s0 =	simm.s32 @p1 $0x1  }
0x15: {  	[smem:$0x3FB9] =	sst s0;
	s0 =	simm.s32 @!p2 $0x0  }
0x16: {  	s3 =	sld [smem:$0x3FDB];
	s0 =	simm.s32 @p2 $0x1  }
0x17: {  	s4 =	simm.s32 $0x1BF5;
	[smem:$0x3FBB] =	sst s0  }
0x18: {  	s0 =	sld [smem:$0x3F9E];
	_ =	swait.ge [sflag:s4], $0x0  }
0x19: {  	s7 =	sld [smem:$0x3F9F]  }
0x1a: {  	s8 =	sadd.s32 $0xFFFFE003, lr  }
0x1b: {  	s9 =	sadd.s32 $0xFFFFFEF7, lr;
	s5 =	simm.s32 $0xFFFFFFFF;
	p2 =	slt.u32 s8, $0xFFFFF086  }
0x1c: {  	p1 =	slt.u32 s9, $0xF7A;
	s5 =	simm.s32 @!p2 $0x0  }
0x1d: {  	s5 =	simm.s32 @p1 $0x1;
	p0 =	seq.s32 s7, s2  }
0x1e: {  	s7 =	smul.u32 @!p0 $0xF7A, s2;
	p2 =	seq.s32 @!p0 s5, $0x0  }
0x1f: {  	s9 =	smul.u32 $0xF7A, s1;
	s8 =	simm.s32 @!p0 $0x1BF5;
	p2 =	por !p2, p0  }
0x20: {  	[sflag:s8] =	ssyncset.s32 @!p0 $0xFFFFF086;
	s6 =	sadd.s32 @!p0 s3, s7;
	s7 =	simm.s32 @!p0 $0x108  }
0x21: {  	s3 =	sadd.s32 s3, s9;
	s6 =	sadd.s32 @!p0 $0x88, s6;
	s7 =	simm.s32 @p2 $0x1082  }
0x22: {  	[simem:s7], [sflag:s8] =	dma.local @!p0 [hbm:s6], $0xF7A  }
0x23: {  	s9 =	sor.u32 $0xD0000000, s2;
	s6 =	simm.s32 $0x108;
	_ =	swait.ge @!p0 [sflag:s8], $0x0  }
0x24: {  	s3 =	sadd.s32 $0x88, s3;
	s6 =	simm.s32 @!p1 $0x1082;
	[sflag:s4] =	ssyncset.s32 $0xFFFFF086  }
0x25: {  	[simem:s6], [sflag:s4] =	dma.local [hbm:s3], $0xF7A  }
0x26: {  	[smem:$0x3F9F] =	sst s1;
	(tag) =	ssettag s2;
	_ =	strace s9  }
0x27: {  	s1 =	sld [smem:$0x3FAF]  }
0x28: {  	s2 =	sld [smem:$0x3FB0]  }
0x29: {  	s4 =	sld [smem:$0x3FB2]  }
0x2a: {  	p0 =	seq.s32 s5, $0x0;
	s5 =	sld [smem:$0x3FB3]  }
0x2b: {  	s6 =	sld [smem:$0x3FB4]  }
0x2c: {  	s7 =	sld [smem:$0x3FB5]  }
0x2d: {  	s3 =	simm.s32 $0x108;
	s8 =	sld [smem:$0x3FB6]  }
0x2e: {  	s3 =	simm.s32 @!p0 $0x1082;
	s9 =	sld [smem:$0x3FB7]  }
0x2f: {  	lr =	sadd.s32 s0, s3;
	s0 =	sld [smem:$0x3FAE]  }
0x30: {  	s3 =	sld [smem:$0x3FB1]  }
0x31: {  	[smem:$0x3FBA] =	sst s10  }
0x32: {  	s10 =	sld [smem:$0x3FB8];
	_ =	sdelay $0x3  }
0x33: {  	p0 =	seq.s32 s10, $0x1;
	s10 =	sld [smem:$0x3FBA];
	_ =	sdelay $0x3  }
0x34: {  	[smem:$0x3FBA] =	sst s10  }
0x35: {  	s10 =	sld [smem:$0x3FB9];
	_ =	sdelay $0x3  }
0x36: {  	p1 =	seq.s32 s10, $0x1;
	s10 =	sld [smem:$0x3FBA];
	_ =	sdelay $0x3  }
0x37: {  	[smem:$0x3FBA] =	sst s10  }
0x38: {  	s10 =	sld [smem:$0x3FBB]  }
0x39: {  	_ = 	snop;
	(pc) =	sbr.ind lr, $3  }
0x3a: {  	_ = 	snop  }
0x3b: {  	_ = 	snop  }
0x3c: {  	p2 =	seq.s32 s10, $0x1;
	s10 =	sld [smem:$0x3FBA]  }
0x3d: {  	_ =	shalt  }
0x3e: {  	_ =	shalt  }
0x3f: {  	_ =	shalt  }
0x40: {  	_ =	shalt  }
0x41: {  	_ =	shalt  }
0x42: {  	_ =	shalt  }
0x43: {  	_ =	shalt  }
0x44: {  	_ =	shalt  }
0x45: {  	_ =	shalt  }
0x46: {  	_ =	shalt  }
0x47: {  	_ =	shalt  }
0x48: {  	_ =	shalt  }
0x49: {  	_ =	shalt  }
0x4a: {  	_ =	shalt  }
0x4b: {  	_ =	shalt  }
0x4c: {  	_ =	shalt  }
0x4d: {  	_ =	shalt  }
0x4e: {  	_ =	shalt  }
0x4f: {  	_ =	shalt  }
0x50: {  	_ =	shalt  }
0x51: {  	_ =	shalt  }
0x52: {  	_ =	shalt  }
0x53: {  	_ =	shalt  }
0x54: {  	_ =	shalt  }
0x55: {  	_ =	shalt  }
0x56: {  	_ =	shalt  }
0x57: {  	_ =	shalt  }
0x58: {  	_ =	shalt  }
0x59: {  	_ =	shalt  }
0x5a: {  	_ =	shalt  }
0x5b: {  	_ =	shalt  }
0x5c: {  	_ =	shalt  }
0x5d: {  	_ =	shalt  }
0x5e: {  	_ =	shalt  }
0x5f: {  	_ =	shalt  }
0x60: {  	_ =	shalt  }
0x61: {  	_ =	shalt  }
0x62: {  	_ =	shalt  }
0x63: {  	_ =	shalt  }
0x64: {  	_ =	shalt  }
0x65: {  	_ =	shalt  }
0x66: {  	_ =	shalt  }
0x67: {  	_ =	shalt  }
0x68: {  	_ =	shalt  }
0x69: {  	_ =	shalt  }
0x6a: {  	_ =	shalt  }
0x6b: {  	_ =	shalt  }
0x6c: {  	_ =	shalt  }
0x6d: {  	_ =	shalt  }
0x6e: {  	_ =	shalt  }
0x6f: {  	_ =	shalt  }
0x70: {  	_ =	shalt  }
0x71: {  	_ =	shalt  }
0x72: {  	_ =	shalt  }
0x73: {  	_ =	shalt  }
0x74: {  	_ =	shalt  }
0x75: {  	_ =	shalt  }
0x76: {  	_ =	shalt  }
0x77: {  	_ =	shalt  }
0x78: {  	_ =	shalt  }
0x79: {  	_ =	shalt  }
0x7a: {  	_ =	shalt  }
0x7b: {  	_ =	shalt  }
0x7c: {  	_ =	shalt  }
0x7d: {  	_ =	shalt  }
0x7e: {  	_ =	shalt  }
0x7f: {  	_ =	shalt  }
0x80: {  	_ =	shalt  }
0x81: {  	_ =	shalt  }
0x82: {  	_ =	shalt  }
0x83: {  	_ =	shalt  }
0x84: {  	_ =	shalt  }
0x85: {  	_ =	shalt  }
0x86: {  	_ =	shalt  }
0x87: {  	_ =	shalt  }
.Lfunc_end0:
.L_simem_size_0:
called_computation_lowered:
.L_overlay_start_0:
0x88: {  	s2 =	sld [smem:$0x3FD9]  }
0x89: {  	s3 =	sld [smem:$0x3FFE];
	_ =	sdelay $0x1  }
0x8a: {  	s1 =	srdreg.scid  }
0x8b: {  	s0 =	sand.u32 $0x1, s1  }
0x8c: {  	s18 =	sshll.u32 s0, $0xA;
	s2 =	sadd.s32 s3, s2  }
0x8d: {  	s2 =	sadd.s32 s2, s18  }
0x8e: {  	[smem:$0x3FC6] =	sst s2  }
0x8f: {  	_ = 	snop  }
0x90: {  	s2 =	sld [smem:$0x3FC9]  }
0x91: {  	s19 =	sld [smem:$0x3FC8]  }
0x92: {  	s4 =	sld [smem:$0x3FD0];
	(tm) =	ssettm $0x1  }
0x93: {  	s5 =	sld [smem:$0x3FFB];
	_ =	sdelay $0x3  }
0x94: {  	_ =	strace s5  }
0x95: {  	s5 =	sld [smem:$0x3FFC];
	_ =	sdelay $0x3  }
0x96: {  	_ =	strace s5  }
0x97: {  	s5 =	sld [smem:$0x3FFD];
	_ =	sdelay $0x3  }
0x98: {  	_ =	strace s5  }
0x99: {  	_ =	strace $0x8FFFFFFF  }
0x9a: {  	s20 =	sld [smem:$0x3FDB];
	_ =	sdelay $0x1  }
0x9b: {  	s6 =	simm.s32 $_scs_section_size  }
0x9c: {  	s7 =	simm.s32 $_size__tile_overlayer_lowered;
	s8 =	simm.s32 $_tile_overlayer_lowered  }
0x9d: {  	s23 =	simm.s32 $0x1BFF;
	s22 =	sshll.u32 s8, $0x1;
	s5 =	sadd.s32 s6, s20  }
0x9e: {  	s9 =	simm.s32 $0x0;
	s21 =	sshll.u32 s7, $0x1;
	s7 =	sadd.s32 s22, s5  }
0x9f: {  	[timem:s9], [sflag:s23] =	dma.local [hbm:s7], s21  }
0xa0: {  	_ =	swait.ge [sflag:s23], s21  }
0xa1: {  	s6 =	ssub.s32 $0x0, s21;
	[sflag:s23] =	ssyncset.done $0x0  }
0xa2: {  	[sflag:s23] =	ssyncadd.s32 s6;
	_ =	sdelay $0x1  }
0xa3: {  	s24 =	simm.s32 $0x1B8B  }
0xa4: {  	_ =	swait.ge [sflag:s24], $0x1  }
0xa5: {  	[sflag:s24] =	ssyncset.done $0x0  }
0xa6: {  	s25 =	simm.s32 $0x1B8E;
	[sflag:s24] =	ssyncadd.s32 $0xFFFFFFFF  }
0xa7: {  	s26 =	simm.s32 $execute0_lowered;
	[smem:$0x3FD2] =	sst s25  }
0xa8: {  	s6 =	sshll.u32 s26, $0x1;
	_ =	strace $0x80000046;
	[dreg:$0x1] =	wrdreg $0xFFFFFFFF  }
0xa9: {  	s28 =	simm.s32 $_size_execute0_lowered;
	s5 =	sadd.s32 s5, s6;
	[dreg:$0x0] =	wrdreg $0x0  }
0xaa: {  	s6 =	sshll.u32 s28, $0x1;
	[dreg:$0x2] =	wrdreg s5  }
0xab: {  	[dreg:$0x3] =	wrdreg s6  }
0xac: {  	[dreg:$0x4] =	wrdreg $0xC0  }
0xad: {  	_ =	task [dreg:s9], $0x5FFFF  }
0xae: {  	[dreg:$0x1] =	wrdreg $0xFFFFFFFF  }
0xaf: {  	[dreg:$0x0] =	wrdreg $0x60  }
0xb0: {  	[dreg:$0x2] =	wrdreg s2  }
0xb1: {  	[dreg:$0x3] =	wrdreg s19  }
0xb2: {  	[dreg:$0x4] =	wrdreg s4  }
0xb3: {  	[dreg:$0x5] =	wrdreg $0x9  }
0xb4: {  	_ =	task.clear_ibuf [dreg:s9], $0x6FFFF;
	_ =	strace $0x90000046  }
0xb5: {  	s29 =	simm.s32 $0x9;
	_ =	strace $0x80000048  }
0xb6: {  	_ =	swait.ge [sflag:s29], $0x1  }
0xb7: {  	[sflag:s29] =	ssyncadd.s32 $0xFFFFFFFF  }
0xb8: {  	_ =	strace $0x90000048  }
0xb9: {  	_ =	sfence  }
0xba: {  	s30 =	sld [smem:$0x0];
	_ =	sdelay $0x2  }
0xbb: {  	s31 =	sshll.u32 s1, $0xD;
	s1 =	sshrl.u32 s1, $0x2  }
0xbc: {  	s3 =	sand.u32 $0x4000, s31;
	s1 =	sadd.s32 s1, s30  }
0xbd: {  	s0 =	sor.u32 s3, s0;
	s1 =	sshll.u32 s1, $0x11  }
0xbe: {  	s0 =	sor.u32 s1, s0  }
0xbf: {  	s0 =	sadd.s32 $0x8F2B, s0  }
0xc0: {  	[sflag:s0] =	ssyncadd.remote.s32 $0x1  }
0xc1: {  	_ =	sfence.sel $0xFFFF  }
0xc2: {  	[dreg:$0x0] =	wrdreg $0xFFFFFFFF;
	(pc) =	sbr.abs _section_cstart, $3  }
0xc3: {  	[dreg:$0x1] =	wrdreg $0xFFFFFFFF  }
0xc4: {  	_ =	task.clear_ibuf [dreg:s9], $0x2FFFF;
	_ =	strace $0x9FFFFFFF  }
0xc5: {  	(tm) =	ssettm $0x7FFFFFFF  }
tec
execute0_lowered:
.L_overlay_start_1:
0x0: {  	(tag) =	ssettag $0x1  }
0x1: {  	s3 =	stileid.u32;
	s1 =	rddreg [dreg:$0x0]  }
0x2: {  	s0 =	srdreg.scid;
	s5 =	rddreg [dreg:$0x2]  }
0x3: {  	s6 =	simm.s32 $0x0;
	s15 =	simm.s32 $0x2000;
	s16 =	simm.s32 $0x6000  }
0x4: {  	s17 =	simm.s32 $0x1;
	s18 =	simm.s32 $0x3;
	s2 =	sshll.u32 s3, $0x1  }
0x5: {  	s0 =	sand.u32 $0x1, s0;
	s8 =	sshrl.u32 s3, $0x3;
	s2 =	sand.u32 $0xE, s2  }
0x6: {  	s19 =	simm.s32 $0x8000;
	s4 =	smul.u32 $0x600000, s8;
	s2 =	sor.u32 s0, s2  }
0x7: {  	s20 =	simm.s32 $0x2;
	s0 =	ssub.s32 $0x2, s0;
	s7 =	smul.u32 $0x60000, s2  }
0x8: {  	s21 =	simm.s32 $0x4;
	s3 =	rddreg [dreg:$0x1];
	s9 =	sshrl.u32 s0, $0x1  }
0x9: {  	[smem:$0x7FF] =	sst s6;
	s0 =	ssub.s32 s0, s9;
	s7 =	sadd.s32 s4, s7  }
0xa: {  	_ =	strace $0x80000047;
	s0 =	smax.u32 s0, $0x1;
	s10 =	sshrl.u32 s7, $0x3  }
.Ltmp0:
0xb: {  	[dreg:$0x8] =	wrdreg s0;
	s29 =	sadd.s32 s1, s10;
	(pc) =	sbr.rel .LBB2_1-.Ltmp0, $4  }
0xc: {  	s28 =	sor.u32 $0x400, s10;
	s30 =	sadd.s32 s3, s10;
	[dreg:$0x4] =	wrdreg s29  }
0xd: {  	s22 =	simm.s32 $0x10000;
	[dreg:$0x5] =	wrdreg s30;
	s31 =	sadd.s32 s1, s28  }
0xe: {  	s7 =	smul.u32 $0x6, s2;
	s2 =	sadd.s32 s3, s28;
	[dreg:$0x6] =	wrdreg s31  }
0xf: {  	v0 =	vimm.f32 $0.0e+00;
	s25 =	simm.s32 $0x0;
	s12 =	smul.u32 $0x1800000, s8;
	[dreg:$0x7] =	wrdreg s2  }
.LBB2_8:
0x10: {  	s0 =	simm.s32 $0x5  }
0x11: {  	_ =	swait.ge [sflag:s0], $0x8000  }
0x12: {  	[sflag:s0] =	ssyncset.done $0x0  }
0x13: {  	s2 =	simm.s32 $0x6;
	[sflag:s0] =	ssyncadd.s32 $0xFFFF8000  }
0x14: {  	_ =	swait.ge [sflag:s2], $0x8000  }
0x15: {  	s25 =	sadd.s32 $0x1, s25;
	s31 =	rddreg [dreg:$0x8]  }
0x16: {  	p0 =	sne.s32 s25, s31  }
.Ltmp1:
0x17: {  	_ = 	snop;
	(pc) =	sbr.rel @!p0 .LBB2_9-.Ltmp1, $3  }
0x18: {  	_ =	sdelay $0x1  }
0x19: {  	[sflag:s2] =	ssyncset.done $0x0  }
0x1a: {  	[sflag:s2] =	ssyncadd.s32 $0xFFFF8000  }
.LBB2_1:
0x1b: {  	s0 =	rddreg [dreg:$0x4]  }
0x1c: {  	[tilespmem:s6], [sflag:$0x1] =	stream.linear.gather [hbm4b:s0+s6], $0x2000, $0x38;
	[tilespmem:$0x18000] =	vst v63  }
0x1d: {  	s29 =	rddreg [dreg:$0x5];
	s2 =	simm.s32 $0x4000  }
0x1e: {  	[tilespmem:s2], [sflag:$0x3] =	stream.linear.gather [hbm4b:s29+s6], $0x2000, $0x38;
	[tilespmem:$0x18000] =	vst v63  }
0x1f: {  	s30 =	rddreg [dreg:$0x6]  }
0x20: {  	[tilespmem:s15], [sflag:$0x2] =	stream.linear.gather [hbm4b:s30+s6], $0x2000, $0x38;
	[tilespmem:$0x18000] =	vst v63  }
0x21: {  	s31 =	rddreg [dreg:$0x7];
	s26 =	simm.s32 $0x0  }
0x22: {  	[tilespmem:s16], [sflag:$0x4] =	stream.linear.gather [hbm4b:s31+s6], $0x2000, $0x38;
	[tilespmem:$0x18000] =	vst v63  }
.LBB2_2:
0x23: {  	_ =	swait.ge [sflag:s17], $0x2000  }
0x24: {  	[sflag:s17] =	ssyncset.done $0x0  }
0x25: {  	[sflag:s17] =	ssyncadd.s32 $0xFFFFE000  }
0x26: {  	_ =	swait.ge [sflag:s18], $0x2000  }
0x27: {  	p0 =	seq.s32 s26, $0x0;
	[sflag:s18] =	ssyncset.done $0x0  }
0x28: {  	s2 =	simm.s32 @!p0 $0x5;
	[sflag:s18] =	ssyncadd.s32 $0xFFFFE000  }
0x29: {  	s0 =	simm.s32 $0x0;
	_ =	swait.ge @!p0 [sflag:s2], $0x8000  }
0x2a: {  	s8 =	sand.u32 $0x7000, s0;
	s9 =	sand.u32 $0x300, s0;
	[sflag:s2] =	ssyncset.done @!p0 $0x0  }
0x2b: {  	s13 =	sor.u32 s9, s8;
	[sflag:s2] =	ssyncadd.s32 @!p0 $0xFFFF8000  }
0x2c: {  	[tilespmem:s13+$0x8000] =	vst v0  }
0x2d: {  	[tilespmem:s13+$0x8080] =	vst v0  }
0x2e: {  	[tilespmem:s13+$0x8010] =	vst v0  }
0x2f: {  	[tilespmem:s13+$0x8090] =	vst v0  }
0x30: {  	[tilespmem:s13+$0x8020] =	vst v0  }
0x31: {  	[tilespmem:s13+$0x80A0] =	vst v0  }
0x32: {  	[tilespmem:s13+$0x8030] =	vst v0  }
0x33: {  	[tilespmem:s13+$0x80B0] =	vst v0  }
0x34: {  	[tilespmem:s13+$0x8040] =	vst v0  }
0x35: {  	[tilespmem:s13+$0x80C0] =	vst v0  }
0x36: {  	[tilespmem:s13+$0x8050] =	vst v0  }
0x37: {  	[tilespmem:s13+$0x80D0] =	vst v0  }
0x38: {  	[tilespmem:s13+$0x8060] =	vst v0  }
0x39: {  	[tilespmem:s13+$0x80E0] =	vst v0  }
0x3a: {  	[tilespmem:s13+$0x8070] =	vst v0  }
0x3b: {  	[tilespmem:s13+$0x80F0] =	vst v0  }
0x3c: {  	[tilespmem:s13+$0x8400] =	vst v0  }
0x3d: {  	[tilespmem:s13+$0x8480] =	vst v0  }
0x3e: {  	[tilespmem:s13+$0x8410] =	vst v0  }
0x3f: {  	[tilespmem:s13+$0x8490] =	vst v0  }
0x40: {  	[tilespmem:s13+$0x8420] =	vst v0  }
0x41: {  	[tilespmem:s13+$0x84A0] =	vst v0  }
0x42: {  	[tilespmem:s13+$0x8430] =	vst v0  }
0x43: {  	[tilespmem:s13+$0x84B0] =	vst v0  }
0x44: {  	[tilespmem:s13+$0x8440] =	vst v0  }
0x45: {  	[tilespmem:s13+$0x84C0] =	vst v0  }
0x46: {  	[tilespmem:s13+$0x8450] =	vst v0  }
0x47: {  	[tilespmem:s13+$0x84D0] =	vst v0  }
0x48: {  	[tilespmem:s13+$0x8460] =	vst v0  }
0x49: {  	[tilespmem:s13+$0x84E0] =	vst v0  }
0x4a: {  	[tilespmem:s13+$0x8470] =	vst v0  }
0x4b: {  	[tilespmem:s13+$0x84F0] =	vst v0  }
0x4c: {  	[tilespmem:s13+$0x8800] =	vst v0  }
0x4d: {  	[tilespmem:s13+$0x8880] =	vst v0  }
0x4e: {  	[tilespmem:s13+$0x8810] =	vst v0  }
0x4f: {  	[tilespmem:s13+$0x8890] =	vst v0  }
0x50: {  	[tilespmem:s13+$0x8820] =	vst v0  }
0x51: {  	[tilespmem:s13+$0x88A0] =	vst v0  }
0x52: {  	[tilespmem:s13+$0x8830] =	vst v0  }
0x53: {  	[tilespmem:s13+$0x88B0] =	vst v0  }
0x54: {  	[tilespmem:s13+$0x8840] =	vst v0  }
0x55: {  	[tilespmem:s13+$0x88C0] =	vst v0  }
0x56: {  	[tilespmem:s13+$0x8850] =	vst v0  }
0x57: {  	[tilespmem:s13+$0x88D0] =	vst v0  }
0x58: {  	s14 =	sand.u32 $0x3, s0;
	[tilespmem:s13+$0x8860] =	vst v0  }
0x59: {  	s8 =	sshll.u32 s14, $0x8;
	[tilespmem:s13+$0x88E0] =	vst v0  }
0x5a: {  	s8 =	sadd.s32 $0x0, s8;
	[tilespmem:s13+$0x8870] =	vst v0  }
0x5b: {  	s23 =	sor.u32 $0xC00, s8;
	s9 =	sadd.s32 $0x80, s8;
	[tilespmem:s13+$0x88F0] =	vst v0  }
0x5c: {  	s24 =	sor.u32 $0xC00, s9;
	[tilespmem:s23+$0x8000] =	vst v0  }
0x5d: {  	s10 =	sor.u32 $0xC10, s8;
	[tilespmem:s24+$0x8000] =	vst v0  }
0x5e: {  	s11 =	sor.u32 $0xC10, s9;
	[tilespmem:s10+$0x8000] =	vst v0  }
0x5f: {  	s13 =	sor.u32 $0xC20, s8;
	[tilespmem:s11+$0x8000] =	vst v0  }
0x60: {  	s14 =	sor.u32 $0xC20, s9;
	[tilespmem:s13+$0x8000] =	vst v0  }
0x61: {  	s23 =	sor.u32 $0xC30, s8;
	[tilespmem:s14+$0x8000] =	vst v0  }
0x62: {  	s24 =	sor.u32 $0xC30, s9;
	[tilespmem:s23+$0x8000] =	vst v0  }
0x63: {  	s10 =	sor.u32 $0xC40, s8;
	[tilespmem:s24+$0x8000] =	vst v0  }
0x64: {  	s11 =	sor.u32 $0xC40, s9;
	[tilespmem:s10+$0x8000] =	vst v0  }
0x65: {  	s13 =	sor.u32 $0xC50, s8;
	[tilespmem:s11+$0x8000] =	vst v0  }
0x66: {  	s14 =	sor.u32 $0xC50, s9;
	[tilespmem:s13+$0x8000] =	vst v0  }
0x67: {  	s23 =	sor.u32 $0xC60, s8;
	[tilespmem:s14+$0x8000] =	vst v0  }
0x68: {  	s24 =	sor.u32 $0xC60, s9;
	[tilespmem:s23+$0x8000] =	vst v0  }
0x69: {  	s8 =	sor.u32 $0xC70, s8;
	[tilespmem:s24+$0x8000] =	vst v0  }
0x6a: {  	s9 =	sor.u32 $0xC70, s9;
	s10 =	sand.u32 $0x1800, s0;
	s0 =	sand.u32 $0x380, s0;
	[tilespmem:s8+$0x8000] =	vst v0  }
0x6b: {  	[tilespmem:s9+$0x8000] =	vst v0;
	s9 =	sor.u32 s0, s10  }
0x6c: {  	v2 =	vld [tilespmem:s9+$0x4000];
	_ =	sdelay $0x1  }
0x6d: {  	s11 =	sshll.u32 s26, $0x7  }
0x6e: {  	s29 =	sand.u32 $0x180, s11  }
0x6f: {  	v1 =	vmov s29  }
0x70: {  	v3 =	vshra.s32 v2, $0x9;
	v4 =	vand.u32 $0x7F, v2;
	v2 =	vshll.u32 v2, $0x3  }
0x71: {  	v5 =	vsub.s32 v3, v1;
	v2 =	vand.u32 $0xC00, v2;
	v3 =	vshll.u32 v3, $0x7  }
0x72: {  	v5 =	vshll.u32 v5, $0x9;
	v3 =	vand.u32 $0x380, v3;
	v2 =	vor.u32 v4, v2  }
0x73: {  	s13 =	simm.s32 $0x400;
	s0 =	simm.s32 $0x100;
	v4 =	vand.u32 $0xFFFFF000, v5;
	v2 =	vor.u32 v3, v2  }
0x74: {  	s2 =	sand.u32 $0x7000, s13;
	s14 =	sand.u32 $0x300, s0;
	v3 =	vld [tilespmem:s9+$0x0];
	v2 =	vor.u32 v4, v2  }
0x75: {  	s2 =	sor.u32 s14, s2  }
0x76: {  	[tilespmem:s2+$0x8000] =	vst v0  }
0x77: {  	[tilespmem:s2+$0x8080] =	vst v0  }
0x78: {  	[tilespmem:s2+$0x8010] =	vst v0  }
0x79: {  	[tilespmem:v2+s19+$0x0] =	vst.idx.msk $0xffff, v3  }
0x7a: {  	[tilespmem:s2+$0x8090] =	vst v0;
	v2 =	vld [tilespmem:s9+$0x4010]  }
0x7b: {  	[tilespmem:s2+$0x8020] =	vst v0  }
0x7c: {  	[tilespmem:s2+$0x80A0] =	vst v0  }
0x7d: {  	[tilespmem:s2+$0x8030] =	vst v0  }
0x7e: {  	[tilespmem:s2+$0x80B0] =	vst v0  }
0x7f: {  	[tilespmem:s2+$0x8040] =	vst v0;
	v3 =	vshra.s32 v2, $0x9;
	v4 =	vand.u32 $0x7F, v2;
	v2 =	vshll.u32 v2, $0x3  }
0x80: {  	[tilespmem:s2+$0x80C0] =	vst v0;
	v5 =	vsub.s32 v3, v1;
	v2 =	vand.u32 $0xC00, v2;
	v3 =	vshll.u32 v3, $0x7  }
0x81: {  	[tilespmem:s2+$0x8050] =	vst v0;
	v5 =	vshll.u32 v5, $0x9;
	v3 =	vand.u32 $0x380, v3;
	v2 =	vor.u32 v4, v2  }
0x82: {  	[tilespmem:s2+$0x80D0] =	vst v0;
	v4 =	vand.u32 $0xFFFFF000, v5;
	v2 =	vor.u32 v3, v2  }
0x83: {  	[tilespmem:s2+$0x8060] =	vst v0;
	v3 =	vld [tilespmem:s9+$0x10];
	v2 =	vor.u32 v4, v2  }
0x84: {  	[tilespmem:s2+$0x80E0] =	vst v0  }
0x85: {  	[tilespmem:s2+$0x8070] =	vst v0  }
0x86: {  	[tilespmem:s2+$0x80F0] =	vst v0  }
0x87: {  	[tilespmem:s2+$0x8400] =	vst v0  }
0x88: {  	[tilespmem:v2+s19+$0x0] =	vst.idx.msk $0xffff, v3  }
0x89: {  	[tilespmem:s2+$0x8480] =	vst v0;
	v2 =	vld [tilespmem:s9+$0x4020]  }
0x8a: {  	[tilespmem:s2+$0x8410] =	vst v0  }
0x8b: {  	[tilespmem:s2+$0x8490] =	vst v0  }
0x8c: {  	[tilespmem:s2+$0x8420] =	vst v0  }
0x8d: {  	[tilespmem:s2+$0x84A0] =	vst v0  }
0x8e: {  	[tilespmem:s2+$0x8430] =	vst v0;
	v3 =	vshra.s32 v2, $0x9;
	v4 =	vand.u32 $0x7F, v2;
	v2 =	vshll.u32 v2, $0x3  }
0x8f: {  	[tilespmem:s2+$0x84B0] =	vst v0;
	v5 =	vsub.s32 v3, v1;
	v2 =	vand.u32 $0xC00, v2;
	v3 =	vshll.u32 v3, $0x7  }
0x90: {  	[tilespmem:s2+$0x8440] =	vst v0;
	v5 =	vshll.u32 v5, $0x9;
	v3 =	vand.u32 $0x380, v3;
	v2 =	vor.u32 v4, v2  }
0x91: {  	[tilespmem:s2+$0x84C0] =	vst v0;
	v4 =	vand.u32 $0xFFFFF000, v5;
	v2 =	vor.u32 v3, v2  }
0x92: {  	[tilespmem:s2+$0x8450] =	vst v0;
	v3 =	vld [tilespmem:s9+$0x20];
	v2 =	vor.u32 v4, v2  }
0x93: {  	[tilespmem:s2+$0x84D0] =	vst v0  }
0x94: {  	[tilespmem:s2+$0x8460] =	vst v0  }
0x95: {  	[tilespmem:s2+$0x84E0] =	vst v0  }
0x96: {  	[tilespmem:s2+$0x8470] =	vst v0  }
0x97: {  	[tilespmem:v2+s19+$0x0] =	vst.idx.msk $0xffff, v3  }
0x98: {  	[tilespmem:s2+$0x84F0] =	vst v0;
	v2 =	vld [tilespmem:s9+$0x4030]  }
0x99: {  	[tilespmem:s2+$0x8800] =	vst v0  }
0x9a: {  	[tilespmem:s2+$0x8880] =	vst v0  }
0x9b: {  	[tilespmem:s2+$0x8810] =	vst v0  }
0x9c: {  	[tilespmem:s2+$0x8890] =	vst v0  }
0x9d: {  	[tilespmem:s2+$0x8820] =	vst v0;
	v3 =	vshra.s32 v2, $0x9;
	v4 =	vand.u32 $0x7F, v2;
	v2 =	vshll.u32 v2, $0x3  }
0x9e: {  	[tilespmem:s2+$0x88A0] =	vst v0;
	v5 =	vsub.s32 v3, v1;
	v2 =	vand.u32 $0xC00, v2;
	v3 =	vshll.u32 v3, $0x7  }
0x9f: {  	[tilespmem:s2+$0x8830] =	vst v0;
	v5 =	vshll.u32 v5, $0x9;
	v3 =	vand.u32 $0x380, v3;
	v2 =	vor.u32 v4, v2  }
0xa0: {  	[tilespmem:s2+$0x88B0] =	vst v0;
	v4 =	vand.u32 $0xFFFFF000, v5;
	v2 =	vor.u32 v3, v2  }
0xa1: {  	[tilespmem:s2+$0x8840] =	vst v0;
	v3 =	vld [tilespmem:s9+$0x30];
	v2 =	vor.u32 v4, v2  }
0xa2: {  	[tilespmem:s2+$0x88C0] =	vst v0  }
0xa3: {  	[tilespmem:s2+$0x8850] =	vst v0  }
0xa4: {  	[tilespmem:s2+$0x88D0] =	vst v0  }
0xa5: {  	s23 =	simm.s32 $0x1;
	[tilespmem:s2+$0x8860] =	vst v0  }
0xa6: {  	s8 =	sand.u32 $0x3, s23;
	[tilespmem:v2+s19+$0x0] =	vst.idx.msk $0xffff, v3  }
0xa7: {  	s8 =	sshll.u32 s8, $0x8;
	[tilespmem:s2+$0x88E0] =	vst v0;
	v2 =	vld [tilespmem:s9+$0x4040]  }
0xa8: {  	s8 =	sadd.s32 $0x400, s8;
	[tilespmem:s2+$0x8870] =	vst v0  }
0xa9: {  	s24 =	sor.u32 $0xC00, s8;
	s10 =	sadd.s32 $0x80, s8;
	[tilespmem:s2+$0x88F0] =	vst v0  }
0xaa: {  	s11 =	sor.u32 $0xC00, s10;
	[tilespmem:s24+$0x8000] =	vst v0  }
0xab: {  	s13 =	sor.u32 $0xC10, s8;
	[tilespmem:s11+$0x8000] =	vst v0  }
0xac: {  	s14 =	sor.u32 $0xC10, s10;
	[tilespmem:s13+$0x8000] =	vst v0;
	v3 =	vshra.s32 v2, $0x9;
	v4 =	vand.u32 $0x7F, v2;
	v2 =	vshll.u32 v2, $0x3  }
0xad: {  	s23 =	sor.u32 $0xC20, s8;
	[tilespmem:s14+$0x8000] =	vst v0;
	v5 =	vsub.s32 v3, v1;
	v2 =	vand.u32 $0xC00, v2;
	v3 =	vshll.u32 v3, $0x7  }
0xae: {  	s24 =	sor.u32 $0xC20, s10;
	[tilespmem:s23+$0x8000] =	vst v0;
	v5 =	vshll.u32 v5, $0x9;
	v3 =	vand.u32 $0x380, v3;
	v2 =	vor.u32 v4, v2  }
0xaf: {  	s11 =	sor.u32 $0xC30, s8;
	[tilespmem:s24+$0x8000] =	vst v0;
	v4 =	vand.u32 $0xFFFFF000, v5;
	v2 =	vor.u32 v3, v2  }
0xb0: {  	s13 =	sor.u32 $0xC30, s10;
	[tilespmem:s11+$0x8000] =	vst v0;
	v3 =	vld [tilespmem:s9+$0x40];
	v2 =	vor.u32 v4, v2  }
0xb1: {  	s14 =	sor.u32 $0xC40, s8;
	[tilespmem:s13+$0x8000] =	vst v0  }
0xb2: {  	s23 =	sor.u32 $0xC40, s10;
	[tilespmem:s14+$0x8000] =	vst v0  }
0xb3: {  	s24 =	sor.u32 $0xC50, s8;
	[tilespmem:s23+$0x8000] =	vst v0  }
0xb4: {  	[tilespmem:s24+$0x8000] =	vst v0  }
0xb5: {  	s11 =	sor.u32 $0xC50, s10;
	[tilespmem:v2+s19+$0x0] =	vst.idx.msk $0xffff, v3  }
0xb6: {  	s13 =	sor.u32 $0xC60, s8;
	[tilespmem:s11+$0x8000] =	vst v0;
	v2 =	vld [tilespmem:s9+$0x4050]  }
0xb7: {  	s14 =	sor.u32 $0xC60, s10;
	[tilespmem:s13+$0x8000] =	vst v0  }
0xb8: {  	s23 =	sor.u32 $0xC70, s8;
	s24 =	simm.s32 $0x80;
	[tilespmem:s14+$0x8000] =	vst v0  }
0xb9: {  	s0 =	sand.u32 $0x1800, s0;
	s10 =	sor.u32 $0xC70, s10;
	s8 =	sand.u32 $0x380, s24;
	[tilespmem:s23+$0x8000] =	vst v0  }
0xba: {  	s30 =	sor.u32 s8, s0;
	[tilespmem:s10+$0x8000] =	vst v0  }
0xbb: {  	v3 =	vld [tilespmem:s30+$0x4000];
	v4 =	vshra.s32 v2, $0x9;
	v5 =	vand.u32 $0x7F, v2;
	v2 =	vshll.u32 v2, $0x3  }
0xbc: {  	v6 =	vsub.s32 v4, v1;
	v2 =	vand.u32 $0xC00, v2;
	v4 =	vshll.u32 v4, $0x7  }
0xbd: {  	v6 =	vshll.u32 v6, $0x9;
	v4 =	vand.u32 $0x380, v4;
	v2 =	vor.u32 v5, v2  }
0xbe: {  	s2 =	simm.s32 $0x200;
	s11 =	simm.s32 $0x800;
	v5 =	vand.u32 $0xFFFFF000, v6;
	v2 =	vor.u32 v4, v2  }
0xbf: {  	s0 =	sand.u32 $0x7000, s11;
	s13 =	sand.u32 $0x300, s2;
	v4 =	vld [tilespmem:s9+$0x50];
	v2 =	vor.u32 v5, v2  }
0xc0: {  	s0 =	sor.u32 s13, s0;
	v6 =	vand.u32 $0x7F, v3;
	v5 =	vshra.s32 v3, $0x9;
	v3 =	vshll.u32 v3, $0x3  }
0xc1: {  	[tilespmem:s0+$0x8000] =	vst v0;
	v7 =	vsub.s32 v5, v1;
	v3 =	vand.u32 $0xC00, v3;
	v5 =	vshll.u32 v5, $0x7  }
0xc2: {  	[tilespmem:s0+$0x8080] =	vst v0;
	v7 =	vshll.u32 v7, $0x9;
	v5 =	vand.u32 $0x380, v5;
	v3 =	vor.u32 v6, v3  }
0xc3: {  	[tilespmem:s0+$0x8010] =	vst v0;
	v6 =	vand.u32 $0xFFFFF000, v7;
	v3 =	vor.u32 v5, v3  }
0xc4: {  	v5 =	vld [tilespmem:s30+$0x0];
	v3 =	vor.u32 v6, v3;
	[tilespmem:v2+s19+$0x0] =	vst.idx.msk $0xffff, v4  }
0xc5: {  	[tilespmem:s0+$0x8090] =	vst v0;
	v2 =	vld [tilespmem:s9+$0x4060]  }
0xc6: {  	[tilespmem:s0+$0x8020] =	vst v0  }
0xc7: {  	[tilespmem:s0+$0x80A0] =	vst v0  }
0xc8: {  	[tilespmem:s0+$0x8030] =	vst v0  }
0xc9: {  	[tilespmem:v3+s19+$0x0] =	vst.idx.msk $0xffff, v5  }
0xca: {  	[tilespmem:s0+$0x80B0] =	vst v0;
	v3 =	vld [tilespmem:s30+$0x4010];
	v4 =	vshra.s32 v2, $0x9;
	v5 =	vand.u32 $0x7F, v2;
	v2 =	vshll.u32 v2, $0x3  }
0xcb: {  	[tilespmem:s0+$0x8040] =	vst v0;
	v6 =	vsub.s32 v4, v1;
	v2 =	vand.u32 $0xC00, v2;
	v4 =	vshll.u32 v4, $0x7  }
0xcc: {  	[tilespmem:s0+$0x80C0] =	vst v0;
	v6 =	vshll.u32 v6, $0x9;
	v4 =	vand.u32 $0x380, v4;
	v2 =	vor.u32 v5, v2  }
0xcd: {  	[tilespmem:s0+$0x8050] =	vst v0;
	v5 =	vand.u32 $0xFFFFF000, v6;
	v2 =	vor.u32 v4, v2  }
0xce: {  	[tilespmem:s0+$0x80D0] =	vst v0;
	v4 =	vld [tilespmem:s9+$0x60];
	v2 =	vor.u32 v5, v2  }
0xcf: {  	[tilespmem:s0+$0x8060] =	vst v0;
	v5 =	vshra.s32 v3, $0x9;
	v6 =	vand.u32 $0x7F, v3;
	v3 =	vshll.u32 v3, $0x3  }
0xd0: {  	[tilespmem:s0+$0x80E0] =	vst v0;
	v7 =	vsub.s32 v5, v1;
	v3 =	vand.u32 $0xC00, v3;
	v5 =	vshll.u32 v5, $0x7  }
0xd1: {  	[tilespmem:s0+$0x8070] =	vst v0;
	v7 =	vshll.u32 v7, $0x9;
	v5 =	vand.u32 $0x380, v5;
	v3 =	vor.u32 v6, v3  }
0xd2: {  	[tilespmem:s0+$0x80F0] =	vst v0;
	v6 =	vand.u32 $0xFFFFF000, v7;
	v3 =	vor.u32 v5, v3  }
0xd3: {  	v5 =	vld [tilespmem:s30+$0x10];
	v3 =	vor.u32 v6, v3;
	[tilespmem:v2+s19+$0x0] =	vst.idx.msk $0xffff, v4  }
0xd4: {  	[tilespmem:s0+$0x8400] =	vst v0;
	v2 =	vld [tilespmem:s9+$0x4070]  }
0xd5: {  	[tilespmem:s0+$0x8480] =	vst v0  }
0xd6: {  	[tilespmem:s0+$0x8410] =	vst v0  }
0xd7: {  	[tilespmem:s0+$0x8490] =	vst v0  }
0xd8: {  	[tilespmem:v3+s19+$0x0] =	vst.idx.msk $0xffff, v5  }
0xd9: {  	[tilespmem:s0+$0x8420] =	vst v0;
	v3 =	vld [tilespmem:s30+$0x4020];
	v4 =	vshra.s32 v2, $0x9;
	v5 =	vand.u32 $0x7F, v2;
	v2 =	vshll.u32 v2, $0x3  }
0xda: {  	[tilespmem:s0+$0x84A0] =	vst v0;
	v6 =	vsub.s32 v4, v1;
	v2 =	vand.u32 $0xC00, v2;
	v4 =	vshll.u32 v4, $0x7  }
0xdb: {  	[tilespmem:s0+$0x8430] =	vst v0;
	v6 =	vshll.u32 v6, $0x9;
	v4 =	vand.u32 $0x380, v4;
	v2 =	vor.u32 v5, v2  }
0xdc: {  	[tilespmem:s0+$0x84B0] =	vst v0;
	v5 =	vand.u32 $0xFFFFF000, v6;
	v2 =	vor.u32 v4, v2  }
0xdd: {  	[tilespmem:s0+$0x8440] =	vst v0;
	v4 =	vld [tilespmem:s9+$0x70];
	v2 =	vor.u32 v5, v2  }
0xde: {  	[tilespmem:s0+$0x84C0] =	vst v0;
	v5 =	vshra.s32 v3, $0x9;
	v6 =	vand.u32 $0x7F, v3;
	v3 =	vshll.u32 v3, $0x3  }
0xdf: {  	[tilespmem:s0+$0x8450] =	vst v0;
	v7 =	vsub.s32 v5, v1;
	v3 =	vand.u32 $0xC00, v3;
	v5 =	vshll.u32 v5, $0x7  }
0xe0: {  	[tilespmem:s0+$0x84D0] =	vst v0;
	v7 =	vshll.u32 v7, $0x9;
	v5 =	vand.u32 $0x380, v5;
	v3 =	vor.u32 v6, v3  }
0xe1: {  	[tilespmem:s0+$0x8460] =	vst v0;
	v6 =	vand.u32 $0xFFFFF000, v7;
	v3 =	vor.u32 v5, v3  }
0xe2: {  	v5 =	vld [tilespmem:s30+$0x20];
	v3 =	vor.u32 v6, v3;
	[tilespmem:v2+s19+$0x0] =	vst.idx.msk $0xffff, v4  }
0xe3: {  	[tilespmem:s0+$0x84E0] =	vst v0;
	v2 =	vld [tilespmem:s9+$0x4400]  }
0xe4: {  	[tilespmem:s0+$0x8470] =	vst v0  }
0xe5: {  	[tilespmem:s0+$0x84F0] =	vst v0  }
0xe6: {  	[tilespmem:s0+$0x8800] =	vst v0  }
0xe7: {  	[tilespmem:v3+s19+$0x0] =	vst.idx.msk $0xffff, v5  }
0xe8: {  	[tilespmem:s0+$0x8880] =	vst v0;
	v3 =	vld [tilespmem:s30+$0x4030];
	v4 =	vshra.s32 v2, $0x9;
	v5 =	vand.u32 $0x7F, v2;
	v2 =	vshll.u32 v2, $0x3  }
0xe9: {  	[tilespmem:s0+$0x8810] =	vst v0;
	v6 =	vsub.s32 v4, v1;
	v2 =	vand.u32 $0xC00, v2;
	v4 =	vshll.u32 v4, $0x7  }
0xea: {  	[tilespmem:s0+$0x8890] =	vst v0;
	v6 =	vshll.u32 v6, $0x9;
	v4 =	vand.u32 $0x380, v4;
	v2 =	vor.u32 v5, v2  }
0xeb: {  	[tilespmem:s0+$0x8820] =	vst v0;
	v5 =	vand.u32 $0xFFFFF000, v6;
	v2 =	vor.u32 v4, v2  }
0xec: {  	[tilespmem:s0+$0x88A0] =	vst v0;
	v4 =	vld [tilespmem:s9+$0x400];
	v2 =	vor.u32 v5, v2  }
0xed: {  	[tilespmem:s0+$0x8830] =	vst v0;
	v5 =	vshra.s32 v3, $0x9;
	v6 =	vand.u32 $0x7F, v3;
	v3 =	vshll.u32 v3, $0x3  }
0xee: {  	[tilespmem:s0+$0x88B0] =	vst v0;
	v7 =	vsub.s32 v5, v1;
	v3 =	vand.u32 $0xC00, v3;
	v5 =	vshll.u32 v5, $0x7  }
0xef: {  	[tilespmem:s0+$0x8840] =	vst v0;
	v7 =	vshll.u32 v7, $0x9;
	v5 =	vand.u32 $0x380, v5;
	v3 =	vor.u32 v6, v3  }
0xf0: {  	[tilespmem:s0+$0x88C0] =	vst v0;
	v6 =	vand.u32 $0xFFFFF000, v7;
	v3 =	vor.u32 v5, v3  }
0xf1: {  	v5 =	vld [tilespmem:s30+$0x30];
	v3 =	vor.u32 v6, v3;
	[tilespmem:v2+s19+$0x0] =	vst.idx.msk $0xffff, v4  }
0xf2: {  	[tilespmem:s0+$0x8850] =	vst v0;
	v2 =	vld [tilespmem:s9+$0x4410]  }
0xf3: {  	[tilespmem:s0+$0x88D0] =	vst v0  }
0xf4: {  	s14 =	simm.s32 $0x2;
	[tilespmem:s0+$0x8860] =	vst v0  }
0xf5: {  	s8 =	sand.u32 $0x3, s14;
	[tilespmem:s0+$0x88E0] =	vst v0  }
0xf6: {  	s8 =	sshll.u32 s8, $0x8;
	[tilespmem:v3+s19+$0x0] =	vst.idx.msk $0xffff, v5  }
0xf7: {  	[tilespmem:s0+$0x8870] =	vst v0;
	s8 =	sadd.s32 $0x800, s8;
	v3 =	vld [tilespmem:s30+$0x4040];
	v4 =	vshra.s32 v2, $0x9;
	v5 =	vand.u32 $0x7F, v2;
	v2 =	vshll.u32 v2, $0x3  }
0xf8: {  	[tilespmem:s0+$0x88F0] =	vst v0;
	s23 =	sor.u32 $0xC00, s8;
	s10 =	sadd.s32 $0x80, s8;
	v6 =	vsub.s32 v4, v1;
	v2 =	vand.u32 $0xC00, v2;
	v4 =	vshll.u32 v4, $0x7  }
0xf9: {  	[tilespmem:s23+$0x8000] =	vst v0;
	s24 =	sor.u32 $0xC00, s10;
	v6 =	vshll.u32 v6, $0x9;
	v4 =	vand.u32 $0x380, v4;
	v2 =	vor.u32 v5, v2  }
0xfa: {  	s11 =	sor.u32 $0xC10, s8;
	[tilespmem:s24+$0x8000] =	vst v0;
	v5 =	vand.u32 $0xFFFFF000, v6;
	v2 =	vor.u32 v4, v2  }
0xfb: {  	s13 =	sor.u32 $0xC10, s10;
	[tilespmem:s11+$0x8000] =	vst v0;
	v4 =	vld [tilespmem:s9+$0x410];
	v2 =	vor.u32 v5, v2  }
0xfc: {  	s14 =	sor.u32 $0xC20, s8;
	[tilespmem:s13+$0x8000] =	vst v0;
	v5 =	vshra.s32 v3, $0x9;
	v6 =	vand.u32 $0x7F, v3;
	v3 =	vshll.u32 v3, $0x3  }
0xfd: {  	s23 =	sor.u32 $0xC20, s10;
	[tilespmem:s14+$0x8000] =	vst v0;
	v7 =	vsub.s32 v5, v1;
	v3 =	vand.u32 $0xC00, v3;
	v5 =	vshll.u32 v5, $0x7  }
0xfe: {  	s24 =	sor.u32 $0xC30, s8;
	[tilespmem:s23+$0x8000] =	vst v0;
	v7 =	vshll.u32 v7, $0x9;
	v5 =	vand.u32 $0x380, v5;
	v3 =	vor.u32 v6, v3  }
0xff: {  	[tilespmem:s24+$0x8000] =	vst v0;
	v6 =	vand.u32 $0xFFFFF000, v7;
	v3 =	vor.u32 v5, v3  }
0x100: {  	s11 =	sor.u32 $0xC30, s10;
	v5 =	vld [tilespmem:s30+$0x40];
	v3 =	vor.u32 v6, v3;
	[tilespmem:v2+s19+$0x0] =	vst.idx.msk $0xffff, v4  }
0x101: {  	s13 =	sor.u32 $0xC40, s8;
	[tilespmem:s11+$0x8000] =	vst v0;
	v2 =	vld [tilespmem:s9+$0x4420]  }
0x102: {  	s14 =	sor.u32 $0xC40, s10;
	[tilespmem:s13+$0x8000] =	vst v0  }
0x103: {  	s23 =	sor.u32 $0xC50, s8;
	[tilespmem:s14+$0x8000] =	vst v0  }
0x104: {  	[tilespmem:s23+$0x8000] =	vst v0  }
0x105: {  	s24 =	sor.u32 $0xC50, s10;
	[tilespmem:v3+s19+$0x0] =	vst.idx.msk $0xffff, v5  }
0x106: {  	s11 =	sor.u32 $0xC60, s8;
	[tilespmem:s24+$0x8000] =	vst v0;
	v3 =	vld [tilespmem:s30+$0x4050];
	v4 =	vshra.s32 v2, $0x9;
	v5 =	vand.u32 $0x7F, v2;
	v2 =	vshll.u32 v2, $0x3  }
0x107: {  	[tilespmem:s11+$0x8000] =	vst v0;
	s11 =	sor.u32 $0xC60, s10;
	v6 =	vsub.s32 v4, v1;
	v2 =	vand.u32 $0xC00, v2;
	v4 =	vshll.u32 v4, $0x7  }
0x108: {  	s0 =	simm.s32 $0x100;
	s13 =	sor.u32 $0xC70, s8;
	[tilespmem:s11+$0x8000] =	vst v0;
	v6 =	vshll.u32 v6, $0x9;
	v4 =	vand.u32 $0x380, v4;
	v2 =	vor.u32 v5, v2  }
0x109: {  	s23 =	sand.u32 $0x380, s0;
	s10 =	sor.u32 $0xC70, s10;
	s11 =	sand.u32 $0x1800, s2;
	[tilespmem:s13+$0x8000] =	vst v0;
	v5 =	vand.u32 $0xFFFFF000, v6;
	v2 =	vor.u32 v4, v2  }
0x10a: {  	s8 =	simm.s32 $0xC00;
	s14 =	simm.s32 $0x300;
	s31 =	sor.u32 s23, s11;
	[tilespmem:s10+$0x8000] =	vst v0;
	v4 =	vld [tilespmem:s9+$0x420];
	v2 =	vor.u32 v5, v2  }
0x10b: {  	s24 =	sand.u32 $0x300, s14;
	s13 =	sand.u32 $0x7000, s8;
	v5 =	vld [tilespmem:s31+$0x4000];
	v6 =	vshra.s32 v3, $0x9;
	v7 =	vand.u32 $0x7F, v3;
	v3 =	vshll.u32 v3, $0x3  }
0x10c: {  	s2 =	sor.u32 s24, s13;
	v8 =	vsub.s32 v6, v1;
	v3 =	vand.u32 $0xC00, v3;
	v6 =	vshll.u32 v6, $0x7  }
0x10d: {  	[tilespmem:s2+$0x8000] =	vst v0;
	v8 =	vshll.u32 v8, $0x9;
	v6 =	vand.u32 $0x380, v6;
	v3 =	vor.u32 v7, v3  }
0x10e: {  	[tilespmem:s2+$0x8080] =	vst v0;
	v7 =	vand.u32 $0xFFFFF000, v8;
	v3 =	vor.u32 v6, v3  }
0x10f: {  	v6 =	vld [tilespmem:s30+$0x50];
	v3 =	vor.u32 v7, v3;
	[tilespmem:v2+s19+$0x0] =	vst.idx.msk $0xffff, v4  }
0x110: {  	[tilespmem:s2+$0x8010] =	vst v0;
	v2 =	vshra.s32 v5, $0x9;
	v4 =	vand.u32 $0x7F, v5;
	v5 =	vshll.u32 v5, $0x3;
	v7 =	vld [tilespmem:s9+$0x4430]  }
0x111: {  	[tilespmem:s2+$0x8090] =	vst v0;
	v50 =	vsub.s32 v2, v1;
	v5 =	vand.u32 $0xC00, v5;
	v2 =	vshll.u32 v2, $0x7  }
0x112: {  	[tilespmem:s2+$0x8020] =	vst v0;
	v8 =	vshll.u32 v50, $0x9;
	v2 =	vand.u32 $0x380, v2;
	v4 =	vor.u32 v4, v5  }
0x113: {  	[tilespmem:s2+$0x80A0] =	vst v0;
	v5 =	vand.u32 $0xFFFFF000, v8;
	v2 =	vor.u32 v2, v4  }
0x114: {  	v4 =	vld [tilespmem:s31+$0x0];
	v2 =	vor.u32 v5, v2;
	[tilespmem:v3+s19+$0x0] =	vst.idx.msk $0xffff, v6  }
0x115: {  	[tilespmem:s2+$0x8030] =	vst v0;
	v3 =	vld [tilespmem:s30+$0x4060];
	v5 =	vshra.s32 v7, $0x9;
	v6 =	vand.u32 $0x7F, v7;
	v7 =	vshll.u32 v7, $0x3  }
0x116: {  	[tilespmem:s2+$0x80B0] =	vst v0;
	v51 =	vsub.s32 v5, v1;
	v7 =	vand.u32 $0xC00, v7;
	v5 =	vshll.u32 v5, $0x7  }
0x117: {  	[tilespmem:s2+$0x8040] =	vst v0;
	v8 =	vshll.u32 v51, $0x9;
	v5 =	vand.u32 $0x380, v5;
	v6 =	vor.u32 v6, v7  }
0x118: {  	[tilespmem:s2+$0x80C0] =	vst v0;
	v7 =	vand.u32 $0xFFFFF000, v8;
	v5 =	vor.u32 v5, v6  }
0x119: {  	[tilespmem:v2+s19+$0x0] =	vst.idx.msk $0xffff, v4;
	v2 =	vld [tilespmem:s9+$0x430];
	v4 =	vor.u32 v7, v5  }
0x11a: {  	[tilespmem:s2+$0x8050] =	vst v0;
	v5 =	vld [tilespmem:s31+$0x4010];
	v6 =	vshra.s32 v3, $0x9;
	v7 =	vand.u32 $0x7F, v3;
	v3 =	vshll.u32 v3, $0x3  }
0x11b: {  	[tilespmem:s2+$0x80D0] =	vst v0;
	v52 =	vsub.s32 v6, v1;
	v3 =	vand.u32 $0xC00, v3;
	v6 =	vshll.u32 v6, $0x7  }
0x11c: {  	[tilespmem:s2+$0x8060] =	vst v0;
	v8 =	vshll.u32 v52, $0x9;
	v6 =	vand.u32 $0x380, v6;
	v3 =	vor.u32 v7, v3  }
0x11d: {  	[tilespmem:s2+$0x80E0] =	vst v0;
	v7 =	vand.u32 $0xFFFFF000, v8;
	v3 =	vor.u32 v6, v3  }
0x11e: {  	v6 =	vld [tilespmem:s30+$0x60];
	v3 =	vor.u32 v7, v3;
	[tilespmem:v4+s19+$0x0] =	vst.idx.msk $0xffff, v2  }
0x11f: {  	[tilespmem:s2+$0x8070] =	vst v0;
	v2 =	vshra.s32 v5, $0x9;
	v4 =	vand.u32 $0x7F, v5;
	v5 =	vshll.u32 v5, $0x3;
	v7 =	vld [tilespmem:s9+$0x4440]  }
0x120: {  	[tilespmem:s2+$0x80F0] =	vst v0;
	v53 =	vsub.s32 v2, v1;
	v5 =	vand.u32 $0xC00, v5;
	v2 =	vshll.u32 v2, $0x7  }
0x121: {  	[tilespmem:s2+$0x8400] =	vst v0;
	v8 =	vshll.u32 v53, $0x9;
	v2 =	vand.u32 $0x380, v2;
	v4 =	vor.u32 v4, v5  }
0x122: {  	[tilespmem:s2+$0x8480] =	vst v0;
	v5 =	vand.u32 $0xFFFFF000, v8;
	v2 =	vor.u32 v2, v4  }
0x123: {  	v4 =	vld [tilespmem:s31+$0x10];
	v2 =	vor.u32 v5, v2;
	[tilespmem:v3+s19+$0x0] =	vst.idx.msk $0xffff, v6  }
0x124: {  	[tilespmem:s2+$0x8410] =	vst v0;
	v3 =	vld [tilespmem:s30+$0x4070];
	v5 =	vshra.s32 v7, $0x9;
	v6 =	vand.u32 $0x7F, v7;
	v7 =	vshll.u32 v7, $0x3  }
0x125: {  	[tilespmem:s2+$0x8490] =	vst v0;
	v54 =	vsub.s32 v5, v1;
	v7 =	vand.u32 $0xC00, v7;
	v5 =	vshll.u32 v5, $0x7  }
0x126: {  	[tilespmem:s2+$0x8420] =	vst v0;
	v8 =	vshll.u32 v54, $0x9;
	v5 =	vand.u32 $0x380, v5;
	v6 =	vor.u32 v6, v7  }
0x127: {  	[tilespmem:s2+$0x84A0] =	vst v0;
	v7 =	vand.u32 $0xFFFFF000, v8;
	v5 =	vor.u32 v5, v6  }
0x128: {  	[tilespmem:v2+s19+$0x0] =	vst.idx.msk $0xffff, v4;
	v2 =	vld [tilespmem:s9+$0x440];
	v4 =	vor.u32 v7, v5  }
0x129: {  	[tilespmem:s2+$0x8430] =	vst v0;
	v5 =	vld [tilespmem:s31+$0x4020];
	v6 =	vshra.s32 v3, $0x9;
	v7 =	vand.u32 $0x7F, v3;
	v3 =	vshll.u32 v3, $0x3  }
0x12a: {  	[tilespmem:s2+$0x84B0] =	vst v0;
	v55 =	vsub.s32 v6, v1;
	v3 =	vand.u32 $0xC00, v3;
	v6 =	vshll.u32 v6, $0x7  }
0x12b: {  	[tilespmem:s2+$0x8440] =	vst v0;
	v8 =	vshll.u32 v55, $0x9;
	v6 =	vand.u32 $0x380, v6;
	v3 =	vor.u32 v7, v3  }
0x12c: {  	[tilespmem:s2+$0x84C0] =	vst v0;
	v7 =	vand.u32 $0xFFFFF000, v8;
	v3 =	vor.u32 v6, v3  }
0x12d: {  	v6 =	vld [tilespmem:s30+$0x70];
	v3 =	vor.u32 v7, v3;
	[tilespmem:v4+s19+$0x0] =	vst.idx.msk $0xffff, v2  }
0x12e: {  	[tilespmem:s2+$0x8450] =	vst v0;
	v2 =	vshra.s32 v5, $0x9;
	v4 =	vand.u32 $0x7F, v5;
	v5 =	vshll.u32 v5, $0x3;
	v7 =	vld [tilespmem:s9+$0x4450]  }
0x12f: {  	[tilespmem:s2+$0x84D0] =	vst v0;
	v56 =	vsub.s32 v2, v1;
	v5 =	vand.u32 $0xC00, v5;
	v2 =	vshll.u32 v2, $0x7  }
0x130: {  	[tilespmem:s2+$0x8460] =	vst v0;
	v8 =	vshll.u32 v56, $0x9;
	v2 =	vand.u32 $0x380, v2;
	v4 =	vor.u32 v4, v5  }
0x131: {  	[tilespmem:s2+$0x84E0] =	vst v0;
	v5 =	vand.u32 $0xFFFFF000, v8;
	v2 =	vor.u32 v2, v4  }
0x132: {  	v4 =	vld [tilespmem:s31+$0x20];
	v2 =	vor.u32 v5, v2;
	[tilespmem:v3+s19+$0x0] =	vst.idx.msk $0xffff, v6  }
0x133: {  	[tilespmem:s2+$0x8470] =	vst v0;
	v3 =	vld [tilespmem:s30+$0x4400];
	v5 =	vshra.s32 v7, $0x9;
	v6 =	vand.u32 $0x7F, v7;
	v7 =	vshll.u32 v7, $0x3  }
0x134: {  	[tilespmem:s2+$0x84F0] =	vst v0;
	v57 =	vsub.s32 v5, v1;
	v7 =	vand.u32 $0xC00, v7;
	v5 =	vshll.u32 v5, $0x7  }
0x135: {  	[tilespmem:s2+$0x8800] =	vst v0;
	v8 =	vshll.u32 v57, $0x9;
	v5 =	vand.u32 $0x380, v5;
	v6 =	vor.u32 v6, v7  }
0x136: {  	[tilespmem:s2+$0x8880] =	vst v0;
	v7 =	vand.u32 $0xFFFFF000, v8;
	v5 =	vor.u32 v5, v6  }
0x137: {  	[tilespmem:v2+s19+$0x0] =	vst.idx.msk $0xffff, v4;
	v2 =	vld [tilespmem:s9+$0x450];
	v4 =	vor.u32 v7, v5  }
0x138: {  	[tilespmem:s2+$0x8810] =	vst v0;
	v5 =	vld [tilespmem:s31+$0x4030];
	v6 =	vshra.s32 v3, $0x9;
	v7 =	vand.u32 $0x7F, v3;
	v3 =	vshll.u32 v3, $0x3  }
0x139: {  	[tilespmem:s2+$0x8890] =	vst v0;
	v58 =	vsub.s32 v6, v1;
	v3 =	vand.u32 $0xC00, v3;
	v6 =	vshll.u32 v6, $0x7  }
0x13a: {  	[tilespmem:s2+$0x8820] =	vst v0;
	v8 =	vshll.u32 v58, $0x9;
	v6 =	vand.u32 $0x380, v6;
	v3 =	vor.u32 v7, v3  }
0x13b: {  	[tilespmem:s2+$0x88A0] =	vst v0;
	v7 =	vand.u32 $0xFFFFF000, v8;
	v3 =	vor.u32 v6, v3  }
0x13c: {  	v6 =	vld [tilespmem:s30+$0x400];
	v3 =	vor.u32 v7, v3;
	[tilespmem:v4+s19+$0x0] =	vst.idx.msk $0xffff, v2  }
0x13d: {  	[tilespmem:s2+$0x8830] =	vst v0;
	v2 =	vshra.s32 v5, $0x9;
	v4 =	vand.u32 $0x7F, v5;
	v5 =	vshll.u32 v5, $0x3;
	v7 =	vld [tilespmem:s9+$0x4460]  }
0x13e: {  	[tilespmem:s2+$0x88B0] =	vst v0;
	v59 =	vsub.s32 v2, v1;
	v5 =	vand.u32 $0xC00, v5;
	v2 =	vshll.u32 v2, $0x7  }
0x13f: {  	[tilespmem:s2+$0x8840] =	vst v0;
	v8 =	vshll.u32 v59, $0x9;
	v2 =	vand.u32 $0x380, v2;
	v4 =	vor.u32 v4, v5  }
0x140: {  	[tilespmem:s2+$0x88C0] =	vst v0;
	v5 =	vand.u32 $0xFFFFF000, v8;
	v2 =	vor.u32 v2, v4  }
0x141: {  	[tilespmem:s2+$0x8850] =	vst v0;
	v4 =	vld [tilespmem:s31+$0x30];
	v2 =	vor.u32 v5, v2  }
0x142: {  	[tilespmem:v3+s19+$0x0] =	vst.idx.msk $0xffff, v6;
	v5 =	vshra.s32 v7, $0x9;
	v6 =	vand.u32 $0x7F, v7;
	v7 =	vshll.u32 v7, $0x3  }
0x143: {  	[tilespmem:s2+$0x88D0] =	vst v0;
	v3 =	vld [tilespmem:s30+$0x4410];
	v60 =	vsub.s32 v5, v1;
	v7 =	vand.u32 $0xC00, v7;
	v5 =	vshll.u32 v5, $0x7  }
0x144: {  	s10 =	simm.s32 $0x3;
	[tilespmem:s2+$0x8860] =	vst v0;
	v8 =	vshll.u32 v60, $0x9;
	v5 =	vand.u32 $0x380, v5;
	v6 =	vor.u32 v6, v7  }
0x145: {  	s23 =	sand.u32 $0x3, s10;
	[tilespmem:s2+$0x88E0] =	vst v0;
	v7 =	vand.u32 $0xFFFFF000, v8;
	v5 =	vor.u32 v5, v6  }
0x146: {  	s11 =	sshll.u32 s23, $0x8;
	[tilespmem:v2+s19+$0x0] =	vst.idx.msk $0xffff, v4;
	v2 =	vld [tilespmem:s9+$0x460];
	v4 =	vor.u32 v7, v5  }
0x147: {  	[tilespmem:s2+$0x8870] =	vst v0;
	s23 =	sadd.s32 $0xC00, s11  }
0x148: {  	[tilespmem:s2+$0x88F0] =	vst v0;
	s24 =	sor.u32 $0xC00, s23;
	s13 =	sadd.s32 $0x80, s23;
	v5 =	vld [tilespmem:s31+$0x4040];
	v6 =	vshra.s32 v3, $0x9;
	v7 =	vand.u32 $0x7F, v3;
	v3 =	vshll.u32 v3, $0x3  }
0x149: {  	[tilespmem:s24+$0x8000] =	vst v0;
	s11 =	sor.u32 $0xC00, s13;
	v61 =	vsub.s32 v6, v1;
	v3 =	vand.u32 $0xC00, v3;
	v6 =	vshll.u32 v6, $0x7  }
0x14a: {  	[tilespmem:s11+$0x8000] =	vst v0;
	v8 =	vshll.u32 v61, $0x9;
	v6 =	vand.u32 $0x380, v6;
	v3 =	vor.u32 v7, v3  }
0x14b: {  	s24 =	sor.u32 $0xC10, s23;
	v7 =	vand.u32 $0xFFFFF000, v8;
	v3 =	vor.u32 v6, v3;
	[tilespmem:v4+s19+$0x0] =	vst.idx.msk $0xffff, v2  }
0x14c: {  	s11 =	sor.u32 $0xC10, s13;
	[tilespmem:s24+$0x8000] =	vst v0;
	v3 =	vor.u32 v7, v3;
	v7 =	vld [tilespmem:s9+$0x4470]  }
0x14d: {  	s24 =	sor.u32 $0xC20, s23;
	[tilespmem:s11+$0x8000] =	vst v0;
	v6 =	vld [tilespmem:s30+$0x410];
	v2 =	vshra.s32 v5, $0x9;
	v4 =	vand.u32 $0x7F, v5;
	v5 =	vshll.u32 v5, $0x3  }
0x14e: {  	s11 =	sor.u32 $0xC20, s13;
	[tilespmem:s24+$0x8000] =	vst v0;
	v62 =	vsub.s32 v2, v1;
	v5 =	vand.u32 $0xC00, v5;
	v2 =	vshll.u32 v2, $0x7  }
0x14f: {  	s24 =	sor.u32 $0xC30, s23;
	[tilespmem:s11+$0x8000] =	vst v0;
	v8 =	vshll.u32 v62, $0x9;
	v2 =	vand.u32 $0x380, v2;
	v4 =	vor.u32 v4, v5  }
0x150: {  	s11 =	sor.u32 $0xC30, s13;
	[tilespmem:s24+$0x8000] =	vst v0;
	v5 =	vand.u32 $0xFFFFF000, v8;
	v2 =	vor.u32 v2, v4  }
0x151: {  	[tilespmem:s11+$0x8000] =	vst v0;
	v2 =	vor.u32 v5, v2;
	v5 =	vshll.u32 v7, $0x3  }
0x152: {  	s24 =	sor.u32 $0xC40, s23;
	v63 =	vld [tilespmem:s31+$0x40];
	[tilespmem:v3+s19+$0x0] =	vst.idx.msk $0xffff, v6;
	v4 =	vand.u32 $0x7F, v7;
	v5 =	vand.u32 $0xC00, v5  }
0x153: {  	s11 =	sor.u32 $0xC40, s13;
	[tilespmem:s24+$0x8000] =	vst v0;
	v3 =	vshra.s32 v7, $0x9;
	v5 =	vor.u32 v4, v5;
	v4 =	vld [tilespmem:s30+$0x4420]  }
0x154: {  	s24 =	sor.u32 $0xC50, s23;
	[tilespmem:s11+$0x8000] =	vst v0;
	v6 =	vsub.s32 v3, v1;
	v3 =	vshll.u32 v3, $0x7  }
0x155: {  	s11 =	sor.u32 $0xC50, s13;
	[tilespmem:s24+$0x8000] =	vst v0;
	v6 =	vshll.u32 v6, $0x9;
	v3 =	vand.u32 $0x380, v3  }
0x156: {  	s28 =	sshll.u32 s26, $0x1;
	s24 =	sshrl.u32 s26, $0x2;
	[tilespmem:s11+$0x8000] =	vst v0;
	v6 =	vand.u32 $0xFFFFF000, v6;
	v3 =	vor.u32 v3, v5  }
0x157: {  	s2 =	sadd.s32 s7, s24;
	s24 =	sor.u32 $0xC60, s23;
	s11 =	simm.s32 $0x400;
	[tilespmem:v2+s19+$0x0] =	vst.idx.msk $0xffff, v63;
	v2 =	vld [tilespmem:s9+$0x470];
	v3 =	vor.u32 v6, v3  }
.LBB2_3:
0x158: {  	p1 =	sne.s32 s11, $0x1F00;
	[tilespmem:s24+$0x8000] =	vst v0;
	s24 =	sor.u32 $0xC60, s13;
	v5 =	vld [tilespmem:s31+$0x4050];
	v6 =	vshra.s32 v4, $0x9;
	v7 =	vand.u32 $0x7F, v4;
	v4 =	vshll.u32 v4, $0x3;
	s9 =	smov.u32 s31  }
0x159: {  	s23 =	sor.u32 $0xC70, s23;
	s0 =	sadd.s32 $0x80, s0;
	[tilespmem:s24+$0x8000] =	vst v0;
	v8 =	vsub.s32 v6, v1;
	v4 =	vand.u32 $0xC00, v4;
	v6 =	vshll.u32 v6, $0x7  }
0x15a: {  	s13 =	sor.u32 $0xC70, s13;
	s14 =	sand.u32 $0x1800, s14;
	s8 =	sadd.s32 $0x400, s8;
	[tilespmem:s23+$0x8000] =	vst v0;
	v8 =	vshll.u32 v8, $0x9;
	v6 =	vand.u32 $0x380, v6;
	v4 =	vor.u32 v7, v4  }
0x15b: {  	s24 =	sand.u32 $0x300, s11;
	s31 =	sand.u32 $0x380, s0;
	s23 =	sand.u32 $0x7000, s8;
	[tilespmem:s13+$0x8000] =	vst v0;
	v7 =	vand.u32 $0xFFFFF000, v8;
	v4 =	vor.u32 v6, v4  }
0x15c: {  	s31 =	sor.u32 s31, s14;
	s14 =	smov.u32 s11;
	s13 =	sor.u32 s24, s23;
	v6 =	vld [tilespmem:s30+$0x420];
	v4 =	vor.u32 v7, v4;
	[tilespmem:v3+s19+$0x0] =	vst.idx.msk $0xffff, v2  }
0x15d: {  	[tilespmem:s13+$0x8000] =	vst v0;
	v2 =	vld [tilespmem:s31+$0x4000];
	v3 =	vshra.s32 v5, $0x9;
	v7 =	vand.u32 $0x7F, v5;
	v5 =	vshll.u32 v5, $0x3  }
0x15e: {  	[tilespmem:s13+$0x8080] =	vst v0;
	v8 =	vsub.s32 v3, v1;
	v5 =	vand.u32 $0xC00, v5;
	v3 =	vshll.u32 v3, $0x7  }
0x15f: {  	[tilespmem:s13+$0x8010] =	vst v0;
	v8 =	vshll.u32 v8, $0x9;
	v3 =	vand.u32 $0x380, v3;
	v5 =	vor.u32 v7, v5  }
0x160: {  	[tilespmem:s13+$0x8090] =	vst v0;
	v7 =	vand.u32 $0xFFFFF000, v8;
	v3 =	vor.u32 v3, v5  }
0x161: {  	v5 =	vld [tilespmem:s9+$0x50];
	v3 =	vor.u32 v7, v3;
	[tilespmem:v4+s19+$0x0] =	vst.idx.msk $0xffff, v6  }
0x162: {  	[tilespmem:s13+$0x8020] =	vst v0;
	v4 =	vshra.s32 v2, $0x9;
	v6 =	vand.u32 $0x7F, v2;
	v2 =	vshll.u32 v2, $0x3;
	v7 =	vld [tilespmem:s30+$0x4430]  }
0x163: {  	[tilespmem:s13+$0x80A0] =	vst v0;
	v8 =	vsub.s32 v4, v1;
	v2 =	vand.u32 $0xC00, v2;
	v4 =	vshll.u32 v4, $0x7  }
0x164: {  	[tilespmem:s13+$0x8030] =	vst v0;
	v8 =	vshll.u32 v8, $0x9;
	v4 =	vand.u32 $0x380, v4;
	v2 =	vor.u32 v6, v2  }
0x165: {  	[tilespmem:s13+$0x80B0] =	vst v0;
	v6 =	vand.u32 $0xFFFFF000, v8;
	v2 =	vor.u32 v4, v2  }
0x166: {  	v4 =	vld [tilespmem:s31+$0x0];
	v2 =	vor.u32 v6, v2;
	[tilespmem:v3+s19+$0x0] =	vst.idx.msk $0xffff, v5  }
0x167: {  	[tilespmem:s13+$0x8040] =	vst v0;
	v3 =	vld [tilespmem:s9+$0x4060];
	v5 =	vshra.s32 v7, $0x9;
	v6 =	vand.u32 $0x7F, v7;
	v7 =	vshll.u32 v7, $0x3  }
0x168: {  	[tilespmem:s13+$0x80C0] =	vst v0;
	v8 =	vsub.s32 v5, v1;
	v7 =	vand.u32 $0xC00, v7;
	v5 =	vshll.u32 v5, $0x7  }
0x169: {  	[tilespmem:s13+$0x8050] =	vst v0;
	v8 =	vshll.u32 v8, $0x9;
	v5 =	vand.u32 $0x380, v5;
	v6 =	vor.u32 v6, v7  }
0x16a: {  	[tilespmem:s13+$0x80D0] =	vst v0;
	v7 =	vand.u32 $0xFFFFF000, v8;
	v5 =	vor.u32 v5, v6  }
0x16b: {  	[tilespmem:v2+s19+$0x0] =	vst.idx.msk $0xffff, v4;
	v2 =	vld [tilespmem:s30+$0x430];
	v4 =	vor.u32 v7, v5  }
0x16c: {  	[tilespmem:s13+$0x8060] =	vst v0;
	v5 =	vld [tilespmem:s31+$0x4010];
	v6 =	vshra.s32 v3, $0x9;
	v7 =	vand.u32 $0x7F, v3;
	v3 =	vshll.u32 v3, $0x3  }
0x16d: {  	[tilespmem:s13+$0x80E0] =	vst v0;
	v8 =	vsub.s32 v6, v1;
	v3 =	vand.u32 $0xC00, v3;
	v6 =	vshll.u32 v6, $0x7  }
0x16e: {  	[tilespmem:s13+$0x8070] =	vst v0;
	v8 =	vshll.u32 v8, $0x9;
	v6 =	vand.u32 $0x380, v6;
	v3 =	vor.u32 v7, v3  }
0x16f: {  	[tilespmem:s13+$0x80F0] =	vst v0;
	v7 =	vand.u32 $0xFFFFF000, v8;
	v3 =	vor.u32 v6, v3  }
0x170: {  	v6 =	vld [tilespmem:s9+$0x60];
	v3 =	vor.u32 v7, v3;
	[tilespmem:v4+s19+$0x0] =	vst.idx.msk $0xffff, v2  }
0x171: {  	[tilespmem:s13+$0x8400] =	vst v0;
	v2 =	vshra.s32 v5, $0x9;
	v4 =	vand.u32 $0x7F, v5;
	v5 =	vshll.u32 v5, $0x3;
	v7 =	vld [tilespmem:s30+$0x4440]  }
0x172: {  	[tilespmem:s13+$0x8480] =	vst v0;
	v8 =	vsub.s32 v2, v1;
	v5 =	vand.u32 $0xC00, v5;
	v2 =	vshll.u32 v2, $0x7  }
0x173: {  	[tilespmem:s13+$0x8410] =	vst v0;
	v8 =	vshll.u32 v8, $0x9;
	v2 =	vand.u32 $0x380, v2;
	v4 =	vor.u32 v4, v5  }
0x174: {  	[tilespmem:s13+$0x8490] =	vst v0;
	v5 =	vand.u32 $0xFFFFF000, v8;
	v2 =	vor.u32 v2, v4  }
0x175: {  	v4 =	vld [tilespmem:s31+$0x10];
	v2 =	vor.u32 v5, v2;
	[tilespmem:v3+s19+$0x0] =	vst.idx.msk $0xffff, v6  }
0x176: {  	[tilespmem:s13+$0x8420] =	vst v0;
	v3 =	vld [tilespmem:s9+$0x4070];
	v5 =	vshra.s32 v7, $0x9;
	v6 =	vand.u32 $0x7F, v7;
	v7 =	vshll.u32 v7, $0x3  }
0x177: {  	[tilespmem:s13+$0x84A0] =	vst v0;
	v8 =	vsub.s32 v5, v1;
	v7 =	vand.u32 $0xC00, v7;
	v5 =	vshll.u32 v5, $0x7  }
0x178: {  	[tilespmem:s13+$0x8430] =	vst v0;
	v8 =	vshll.u32 v8, $0x9;
	v5 =	vand.u32 $0x380, v5;
	v6 =	vor.u32 v6, v7  }
0x179: {  	[tilespmem:s13+$0x84B0] =	vst v0;
	v7 =	vand.u32 $0xFFFFF000, v8;
	v5 =	vor.u32 v5, v6  }
0x17a: {  	[tilespmem:v2+s19+$0x0] =	vst.idx.msk $0xffff, v4;
	v2 =	vld [tilespmem:s30+$0x440];
	v4 =	vor.u32 v7, v5  }
0x17b: {  	[tilespmem:s13+$0x8440] =	vst v0;
	v5 =	vld [tilespmem:s31+$0x4020];
	v6 =	vshra.s32 v3, $0x9;
	v7 =	vand.u32 $0x7F, v3;
	v3 =	vshll.u32 v3, $0x3  }
0x17c: {  	[tilespmem:s13+$0x84C0] =	vst v0;
	v8 =	vsub.s32 v6, v1;
	v3 =	vand.u32 $0xC00, v3;
	v6 =	vshll.u32 v6, $0x7  }
0x17d: {  	[tilespmem:s13+$0x8450] =	vst v0;
	v8 =	vshll.u32 v8, $0x9;
	v6 =	vand.u32 $0x380, v6;
	v3 =	vor.u32 v7, v3  }
0x17e: {  	[tilespmem:s13+$0x84D0] =	vst v0;
	v7 =	vand.u32 $0xFFFFF000, v8;
	v3 =	vor.u32 v6, v3  }
0x17f: {  	v6 =	vld [tilespmem:s9+$0x70];
	v3 =	vor.u32 v7, v3;
	[tilespmem:v4+s19+$0x0] =	vst.idx.msk $0xffff, v2  }
0x180: {  	[tilespmem:s13+$0x8460] =	vst v0;
	v2 =	vshra.s32 v5, $0x9;
	v4 =	vand.u32 $0x7F, v5;
	v5 =	vshll.u32 v5, $0x3;
	v7 =	vld [tilespmem:s30+$0x4450]  }
0x181: {  	[tilespmem:s13+$0x84E0] =	vst v0;
	v8 =	vsub.s32 v2, v1;
	v5 =	vand.u32 $0xC00, v5;
	v2 =	vshll.u32 v2, $0x7  }
0x182: {  	[tilespmem:s13+$0x8470] =	vst v0;
	v8 =	vshll.u32 v8, $0x9;
	v2 =	vand.u32 $0x380, v2;
	v4 =	vor.u32 v4, v5  }
0x183: {  	[tilespmem:s13+$0x84F0] =	vst v0;
	v5 =	vand.u32 $0xFFFFF000, v8;
	v2 =	vor.u32 v2, v4  }
0x184: {  	v4 =	vld [tilespmem:s31+$0x20];
	v2 =	vor.u32 v5, v2;
	[tilespmem:v3+s19+$0x0] =	vst.idx.msk $0xffff, v6  }
0x185: {  	[tilespmem:s13+$0x8800] =	vst v0;
	v3 =	vld [tilespmem:s9+$0x4400];
	v5 =	vshra.s32 v7, $0x9;
	v6 =	vand.u32 $0x7F, v7;
	v7 =	vshll.u32 v7, $0x3  }
0x186: {  	[tilespmem:s13+$0x8880] =	vst v0;
	v8 =	vsub.s32 v5, v1;
	v7 =	vand.u32 $0xC00, v7;
	v5 =	vshll.u32 v5, $0x7  }
0x187: {  	[tilespmem:s13+$0x8810] =	vst v0;
	v8 =	vshll.u32 v8, $0x9;
	v5 =	vand.u32 $0x380, v5;
	v6 =	vor.u32 v6, v7  }
0x188: {  	[tilespmem:s13+$0x8890] =	vst v0;
	v7 =	vand.u32 $0xFFFFF000, v8;
	v5 =	vor.u32 v5, v6  }
0x189: {  	[tilespmem:v2+s19+$0x0] =	vst.idx.msk $0xffff, v4;
	v2 =	vld [tilespmem:s30+$0x450];
	v4 =	vor.u32 v7, v5  }
0x18a: {  	[tilespmem:s13+$0x8820] =	vst v0;
	v5 =	vld [tilespmem:s31+$0x4030];
	v6 =	vshra.s32 v3, $0x9;
	v7 =	vand.u32 $0x7F, v3;
	v3 =	vshll.u32 v3, $0x3  }
0x18b: {  	[tilespmem:s13+$0x88A0] =	vst v0;
	v8 =	vsub.s32 v6, v1;
	v3 =	vand.u32 $0xC00, v3;
	v6 =	vshll.u32 v6, $0x7  }
0x18c: {  	[tilespmem:s13+$0x8830] =	vst v0;
	v8 =	vshll.u32 v8, $0x9;
	v6 =	vand.u32 $0x380, v6;
	v3 =	vor.u32 v7, v3  }
0x18d: {  	[tilespmem:s13+$0x88B0] =	vst v0;
	v7 =	vand.u32 $0xFFFFF000, v8;
	v3 =	vor.u32 v6, v3  }
0x18e: {  	v6 =	vld [tilespmem:s9+$0x400];
	v3 =	vor.u32 v7, v3;
	[tilespmem:v4+s19+$0x0] =	vst.idx.msk $0xffff, v2  }
0x18f: {  	[tilespmem:s13+$0x8840] =	vst v0;
	v2 =	vshra.s32 v5, $0x9;
	v4 =	vand.u32 $0x7F, v5;
	v5 =	vshll.u32 v5, $0x3;
	v7 =	vld [tilespmem:s30+$0x4460]  }
0x190: {  	[tilespmem:s13+$0x88C0] =	vst v0;
	v8 =	vsub.s32 v2, v1;
	v5 =	vand.u32 $0xC00, v5;
	v2 =	vshll.u32 v2, $0x7  }
0x191: {  	[tilespmem:s13+$0x8850] =	vst v0;
	v8 =	vshll.u32 v8, $0x9;
	v2 =	vand.u32 $0x380, v2;
	v4 =	vor.u32 v4, v5  }
0x192: {  	[tilespmem:s13+$0x88D0] =	vst v0;
	v5 =	vand.u32 $0xFFFFF000, v8;
	v2 =	vor.u32 v2, v4  }
0x193: {  	v4 =	vld [tilespmem:s31+$0x30];
	v2 =	vor.u32 v5, v2;
	[tilespmem:v3+s19+$0x0] =	vst.idx.msk $0xffff, v6  }
0x194: {  	s10 =	sadd.s32 $0x1, s10;
	[tilespmem:s13+$0x8860] =	vst v0;
	v3 =	vld [tilespmem:s9+$0x4410];
	v5 =	vshra.s32 v7, $0x9;
	v6 =	vand.u32 $0x7F, v7;
	v7 =	vshll.u32 v7, $0x3  }
0x195: {  	s23 =	sand.u32 $0x3, s10;
	[tilespmem:s13+$0x88E0] =	vst v0;
	v8 =	vsub.s32 v5, v1;
	v7 =	vand.u32 $0xC00, v7;
	v5 =	vshll.u32 v5, $0x7  }
0x196: {  	s23 =	sshll.u32 s23, $0x8;
	[tilespmem:s13+$0x8870] =	vst v0;
	v8 =	vshll.u32 v8, $0x9;
	v5 =	vand.u32 $0x380, v5;
	v6 =	vor.u32 v6, v7  }
0x197: {  	s23 =	sadd.s32 s23, s8;
	[tilespmem:s13+$0x88F0] =	vst v0;
	v7 =	vand.u32 $0xFFFFF000, v8;
	v5 =	vor.u32 v5, v6  }
0x198: {  	s24 =	sor.u32 $0xC00, s23;
	s13 =	sadd.s32 $0x80, s23;
	[tilespmem:v2+s19+$0x0] =	vst.idx.msk $0xffff, v4;
	v2 =	vld [tilespmem:s30+$0x460];
	v4 =	vor.u32 v7, v5  }
0x199: {  	[tilespmem:s24+$0x8000] =	vst v0;
	s24 =	sor.u32 $0xC00, s13;
	v5 =	vld [tilespmem:s31+$0x4040];
	v6 =	vshra.s32 v3, $0x9;
	v7 =	vand.u32 $0x7F, v3;
	v3 =	vshll.u32 v3, $0x3  }
0x19a: {  	[tilespmem:s24+$0x8000] =	vst v0;
	s24 =	sor.u32 $0xC10, s23;
	v8 =	vsub.s32 v6, v1;
	v3 =	vand.u32 $0xC00, v3;
	v6 =	vshll.u32 v6, $0x7  }
0x19b: {  	[tilespmem:s24+$0x8000] =	vst v0;
	s24 =	sor.u32 $0xC10, s13;
	v8 =	vshll.u32 v8, $0x9;
	v6 =	vand.u32 $0x380, v6;
	v3 =	vor.u32 v7, v3  }
0x19c: {  	[tilespmem:s24+$0x8000] =	vst v0;
	v7 =	vand.u32 $0xFFFFF000, v8;
	v3 =	vor.u32 v6, v3  }
0x19d: {  	s24 =	sor.u32 $0xC20, s23;
	v6 =	vld [tilespmem:s9+$0x410];
	v3 =	vor.u32 v7, v3;
	[tilespmem:v4+s19+$0x0] =	vst.idx.msk $0xffff, v2  }
0x19e: {  	[tilespmem:s24+$0x8000] =	vst v0;
	s24 =	sor.u32 $0xC20, s13;
	v2 =	vshra.s32 v5, $0x9;
	v4 =	vand.u32 $0x7F, v5;
	v5 =	vshll.u32 v5, $0x3;
	v7 =	vld [tilespmem:s30+$0x4470]  }
0x19f: {  	[tilespmem:s24+$0x8000] =	vst v0;
	s24 =	sor.u32 $0xC30, s23;
	v8 =	vsub.s32 v2, v1;
	v5 =	vand.u32 $0xC00, v5;
	v2 =	vshll.u32 v2, $0x7  }
0x1a0: {  	[tilespmem:s24+$0x8000] =	vst v0;
	s24 =	sor.u32 $0xC30, s13;
	v8 =	vshll.u32 v8, $0x9;
	v2 =	vand.u32 $0x380, v2;
	v4 =	vor.u32 v4, v5  }
0x1a1: {  	[tilespmem:s24+$0x8000] =	vst v0;
	v5 =	vand.u32 $0xFFFFF000, v8;
	v2 =	vor.u32 v2, v4  }
0x1a2: {  	s24 =	sor.u32 $0xC40, s23;
	v8 =	vld [tilespmem:s31+$0x40];
	v2 =	vor.u32 v5, v2;
	[tilespmem:v3+s19+$0x0] =	vst.idx.msk $0xffff, v6  }
.Ltmp2:
0x1a3: {  	[tilespmem:s24+$0x8000] =	vst v0;
	s24 =	sor.u32 $0xC40, s13;
	v4 =	vld [tilespmem:s9+$0x4420];
	v3 =	vshra.s32 v7, $0x9;
	v5 =	vand.u32 $0x7F, v7;
	v6 =	vshll.u32 v7, $0x3;
	(pc) =	sbr.rel @p1 .LBB2_3-.Ltmp2, $4  }
0x1a4: {  	[tilespmem:s24+$0x8000] =	vst v0;
	s24 =	sor.u32 $0xC50, s23;
	v7 =	vsub.s32 v3, v1;
	v6 =	vand.u32 $0xC00, v6;
	v3 =	vshll.u32 v3, $0x7  }
0x1a5: {  	[tilespmem:s24+$0x8000] =	vst v0;
	s24 =	sor.u32 $0xC50, s13;
	v7 =	vshll.u32 v7, $0x9;
	v3 =	vand.u32 $0x380, v3;
	v5 =	vor.u32 v5, v6  }
0x1a6: {  	[tilespmem:s24+$0x8000] =	vst v0;
	v6 =	vand.u32 $0xFFFFF000, v7;
	v3 =	vor.u32 v3, v5  }
0x1a7: {  	s11 =	sadd.s32 $0x100, s11;
	s24 =	sor.u32 $0xC60, s23;
	[tilespmem:v2+s19+$0x0] =	vst.idx.msk $0xffff, v8;
	v2 =	vld [tilespmem:s30+$0x470];
	v3 =	vor.u32 v6, v3;
	s30 =	smov.u32 s9  }
0x1a8: {  	[tilespmem:s24+$0x8000] =	vst v0;
	s8 =	sor.u32 $0xC60, s13  }
0x1a9: {  	s23 =	sor.u32 $0xC70, s23;
	s0 =	sadd.s32 $0x80, s0;
	[tilespmem:s8+$0x8000] =	vst v0  }
0x1aa: {  	s24 =	sor.u32 $0xC70, s13;
	s9 =	sand.u32 $0x1800, s14;
	s0 =	sand.u32 $0x380, s0;
	[tilespmem:s23+$0x8000] =	vst v0  }
0x1ab: {  	s0 =	sor.u32 s0, s9;
	[tilespmem:s24+$0x8000] =	vst v0  }
0x1ac: {  	v5 =	vld [tilespmem:s0+$0x4000];
	_ =	sdelay $0x4  }
0x1ad: {  	v6 =	vshra.s32 v5, $0x9;
	v7 =	vand.u32 $0x7F, v5;
	v5 =	vshll.u32 v5, $0x3  }
0x1ae: {  	v8 =	vsub.s32 v6, v1;
	v5 =	vand.u32 $0xC00, v5;
	v6 =	vshll.u32 v6, $0x7  }
0x1af: {  	v8 =	vshll.u32 v8, $0x9;
	v6 =	vand.u32 $0x380, v6;
	v5 =	vor.u32 v7, v5  }
0x1b0: {  	v7 =	vand.u32 $0xFFFFF000, v8;
	v5 =	vor.u32 v6, v5  }
0x1b1: {  	v6 =	vld [tilespmem:s0+$0x0];
	v5 =	vor.u32 v7, v5;
	_ =	sdelay $0x4  }
0x1b2: {  	[tilespmem:v5+s19+$0x0] =	vst.idx.msk $0xffff, v6  }
0x1b3: {  	v5 =	vld [tilespmem:s0+$0x4010];
	_ =	sdelay $0x4  }
0x1b4: {  	v6 =	vshra.s32 v5, $0x9;
	v7 =	vand.u32 $0x7F, v5;
	v5 =	vshll.u32 v5, $0x3  }
0x1b5: {  	v16 =	vsub.s32 v6, v1;
	v5 =	vand.u32 $0xC00, v5;
	v6 =	vshll.u32 v6, $0x7  }
0x1b6: {  	v8 =	vshll.u32 v16, $0x9;
	v6 =	vand.u32 $0x380, v6;
	v5 =	vor.u32 v7, v5  }
0x1b7: {  	v7 =	vand.u32 $0xFFFFF000, v8;
	v5 =	vor.u32 v6, v5  }
0x1b8: {  	v6 =	vld [tilespmem:s0+$0x10];
	v5 =	vor.u32 v7, v5;
	_ =	sdelay $0x4  }
0x1b9: {  	[tilespmem:v5+s19+$0x0] =	vst.idx.msk $0xffff, v6  }
0x1ba: {  	v5 =	vld [tilespmem:s0+$0x4020];
	_ =	sdelay $0x4  }
0x1bb: {  	v6 =	vshra.s32 v5, $0x9;
	v7 =	vand.u32 $0x7F, v5;
	v5 =	vshll.u32 v5, $0x3  }
0x1bc: {  	v17 =	vsub.s32 v6, v1;
	v5 =	vand.u32 $0xC00, v5;
	v6 =	vshll.u32 v6, $0x7  }
0x1bd: {  	v8 =	vshll.u32 v17, $0x9;
	v6 =	vand.u32 $0x380, v6;
	v5 =	vor.u32 v7, v5  }
0x1be: {  	v7 =	vand.u32 $0xFFFFF000, v8;
	v5 =	vor.u32 v6, v5  }
0x1bf: {  	v6 =	vld [tilespmem:s0+$0x20];
	v5 =	vor.u32 v7, v5;
	_ =	sdelay $0x4  }
0x1c0: {  	[tilespmem:v5+s19+$0x0] =	vst.idx.msk $0xffff, v6  }
0x1c1: {  	v5 =	vld [tilespmem:s0+$0x4030];
	_ =	sdelay $0x4  }
0x1c2: {  	v6 =	vshra.s32 v5, $0x9;
	v7 =	vand.u32 $0x7F, v5;
	v5 =	vshll.u32 v5, $0x3  }
0x1c3: {  	v18 =	vsub.s32 v6, v1;
	v5 =	vand.u32 $0xC00, v5;
	v6 =	vshll.u32 v6, $0x7  }
0x1c4: {  	v8 =	vshll.u32 v18, $0x9;
	v6 =	vand.u32 $0x380, v6;
	v5 =	vor.u32 v7, v5  }
0x1c5: {  	v7 =	vand.u32 $0xFFFFF000, v8;
	v5 =	vor.u32 v6, v5  }
0x1c6: {  	v6 =	vld [tilespmem:s0+$0x30];
	v5 =	vor.u32 v7, v5;
	_ =	sdelay $0x4  }
0x1c7: {  	[tilespmem:v5+s19+$0x0] =	vst.idx.msk $0xffff, v6  }
0x1c8: {  	v5 =	vld [tilespmem:s0+$0x4040];
	_ =	sdelay $0x4  }
0x1c9: {  	v6 =	vshra.s32 v5, $0x9;
	v7 =	vand.u32 $0x7F, v5;
	v5 =	vshll.u32 v5, $0x3  }
0x1ca: {  	v19 =	vsub.s32 v6, v1;
	v5 =	vand.u32 $0xC00, v5;
	v6 =	vshll.u32 v6, $0x7  }
0x1cb: {  	v8 =	vshll.u32 v19, $0x9;
	v6 =	vand.u32 $0x380, v6;
	v5 =	vor.u32 v7, v5  }
0x1cc: {  	v7 =	vand.u32 $0xFFFFF000, v8;
	v5 =	vor.u32 v6, v5  }
0x1cd: {  	v6 =	vld [tilespmem:s0+$0x40];
	v5 =	vor.u32 v7, v5  }
0x1ce: {  	v7 =	vld [tilespmem:s31+$0x4050];
	_ =	sdelay $0x3  }
0x1cf: {  	[tilespmem:v5+s19+$0x0] =	vst.idx.msk $0xffff, v6  }
0x1d0: {  	v5 =	vshra.s32 v7, $0x9;
	v6 =	vand.u32 $0x7F, v7;
	v7 =	vshll.u32 v7, $0x3;
	v20 =	vld [tilespmem:s0+$0x4050]  }
0x1d1: {  	v9 =	vsub.s32 v5, v1;
	v7 =	vand.u32 $0xC00, v7;
	v5 =	vshll.u32 v5, $0x7  }
0x1d2: {  	v9 =	vshll.u32 v9, $0x9;
	v5 =	vand.u32 $0x380, v5;
	v6 =	vor.u32 v6, v7  }
0x1d3: {  	v7 =	vand.u32 $0xFFFFF000, v9;
	v5 =	vor.u32 v5, v6  }
0x1d4: {  	v6 =	vld [tilespmem:s31+$0x50];
	v5 =	vor.u32 v7, v5  }
0x1d5: {  	v7 =	vshra.s32 v20, $0x9;
	v21 =	vand.u32 $0x7F, v20;
	v8 =	vshll.u32 v20, $0x3  }
0x1d6: {  	v10 =	vsub.s32 v7, v1;
	v8 =	vand.u32 $0xC00, v8;
	v7 =	vshll.u32 v7, $0x7  }
0x1d7: {  	v10 =	vshll.u32 v10, $0x9;
	v7 =	vand.u32 $0x380, v7;
	v8 =	vor.u32 v21, v8  }
0x1d8: {  	v22 =	vand.u32 $0xFFFFF000, v10;
	v7 =	vor.u32 v7, v8  }
0x1d9: {  	[tilespmem:v5+s19+$0x0] =	vst.idx.msk $0xffff, v6;
	v5 =	vld [tilespmem:s0+$0x50];
	v6 =	vor.u32 v22, v7  }
0x1da: {  	v7 =	vld [tilespmem:s31+$0x4060];
	_ =	sdelay $0x3  }
0x1db: {  	[tilespmem:v6+s19+$0x0] =	vst.idx.msk $0xffff, v5  }
0x1dc: {  	v5 =	vshra.s32 v7, $0x9;
	v6 =	vand.u32 $0x7F, v7;
	v7 =	vshll.u32 v7, $0x3;
	v23 =	vld [tilespmem:s0+$0x4060]  }
0x1dd: {  	v24 =	vsub.s32 v5, v1;
	v7 =	vand.u32 $0xC00, v7;
	v5 =	vshll.u32 v5, $0x7  }
0x1de: {  	v9 =	vshll.u32 v24, $0x9;
	v5 =	vand.u32 $0x380, v5;
	v6 =	vor.u32 v6, v7  }
0x1df: {  	v7 =	vand.u32 $0xFFFFF000, v9;
	v5 =	vor.u32 v5, v6  }
0x1e0: {  	v6 =	vld [tilespmem:s31+$0x60];
	v5 =	vor.u32 v7, v5  }
0x1e1: {  	v7 =	vshra.s32 v23, $0x9;
	v25 =	vand.u32 $0x7F, v23;
	v8 =	vshll.u32 v23, $0x3  }
0x1e2: {  	v26 =	vsub.s32 v7, v1;
	v8 =	vand.u32 $0xC00, v8;
	v7 =	vshll.u32 v7, $0x7  }
0x1e3: {  	v10 =	vshll.u32 v26, $0x9;
	v7 =	vand.u32 $0x380, v7;
	v8 =	vor.u32 v25, v8  }
0x1e4: {  	v27 =	vand.u32 $0xFFFFF000, v10;
	v7 =	vor.u32 v7, v8  }
0x1e5: {  	[tilespmem:v5+s19+$0x0] =	vst.idx.msk $0xffff, v6;
	v5 =	vld [tilespmem:s0+$0x60];
	v6 =	vor.u32 v27, v7  }
0x1e6: {  	v7 =	vld [tilespmem:s31+$0x4070];
	_ =	sdelay $0x3  }
0x1e7: {  	[tilespmem:v6+s19+$0x0] =	vst.idx.msk $0xffff, v5  }
0x1e8: {  	v5 =	vshra.s32 v7, $0x9;
	v6 =	vand.u32 $0x7F, v7;
	v7 =	vshll.u32 v7, $0x3;
	v28 =	vld [tilespmem:s0+$0x4070]  }
0x1e9: {  	v29 =	vsub.s32 v5, v1;
	v7 =	vand.u32 $0xC00, v7;
	v5 =	vshll.u32 v5, $0x7  }
0x1ea: {  	v9 =	vshll.u32 v29, $0x9;
	v5 =	vand.u32 $0x380, v5;
	v6 =	vor.u32 v6, v7  }
0x1eb: {  	v7 =	vand.u32 $0xFFFFF000, v9;
	v5 =	vor.u32 v5, v6  }
0x1ec: {  	v6 =	vld [tilespmem:s31+$0x70];
	v5 =	vor.u32 v7, v5  }
0x1ed: {  	v7 =	vshra.s32 v28, $0x9;
	v30 =	vand.u32 $0x7F, v28;
	v8 =	vshll.u32 v28, $0x3  }
0x1ee: {  	v31 =	vsub.s32 v7, v1;
	v8 =	vand.u32 $0xC00, v8;
	v7 =	vshll.u32 v7, $0x7  }
0x1ef: {  	v10 =	vshll.u32 v31, $0x9;
	v7 =	vand.u32 $0x380, v7;
	v8 =	vor.u32 v30, v8  }
0x1f0: {  	v32 =	vand.u32 $0xFFFFF000, v10;
	v7 =	vor.u32 v7, v8  }
0x1f1: {  	[tilespmem:v5+s19+$0x0] =	vst.idx.msk $0xffff, v6;
	v5 =	vld [tilespmem:s0+$0x70];
	v6 =	vor.u32 v32, v7  }
0x1f2: {  	v7 =	vld [tilespmem:s31+$0x4400];
	_ =	sdelay $0x3  }
0x1f3: {  	[tilespmem:v6+s19+$0x0] =	vst.idx.msk $0xffff, v5  }
0x1f4: {  	v5 =	vshra.s32 v7, $0x9;
	v6 =	vand.u32 $0x7F, v7;
	v7 =	vshll.u32 v7, $0x3;
	v33 =	vld [tilespmem:s0+$0x4400]  }
0x1f5: {  	v34 =	vsub.s32 v5, v1;
	v7 =	vand.u32 $0xC00, v7;
	v5 =	vshll.u32 v5, $0x7  }
0x1f6: {  	v9 =	vshll.u32 v34, $0x9;
	v5 =	vand.u32 $0x380, v5;
	v6 =	vor.u32 v6, v7  }
0x1f7: {  	v7 =	vand.u32 $0xFFFFF000, v9;
	v5 =	vor.u32 v5, v6  }
0x1f8: {  	v6 =	vld [tilespmem:s31+$0x400];
	v5 =	vor.u32 v7, v5  }
0x1f9: {  	v7 =	vshra.s32 v33, $0x9;
	v35 =	vand.u32 $0x7F, v33;
	v8 =	vshll.u32 v33, $0x3  }
0x1fa: {  	v36 =	vsub.s32 v7, v1;
	v8 =	vand.u32 $0xC00, v8;
	v7 =	vshll.u32 v7, $0x7  }
0x1fb: {  	v10 =	vshll.u32 v36, $0x9;
	v7 =	vand.u32 $0x380, v7;
	v8 =	vor.u32 v35, v8  }
0x1fc: {  	v37 =	vand.u32 $0xFFFFF000, v10;
	v7 =	vor.u32 v7, v8  }
0x1fd: {  	[tilespmem:v5+s19+$0x0] =	vst.idx.msk $0xffff, v6;
	v5 =	vld [tilespmem:s0+$0x400];
	v6 =	vor.u32 v37, v7  }
0x1fe: {  	v7 =	vld [tilespmem:s31+$0x4410];
	_ =	sdelay $0x3  }
0x1ff: {  	[tilespmem:v6+s19+$0x0] =	vst.idx.msk $0xffff, v5  }
0x200: {  	v5 =	vshra.s32 v7, $0x9;
	v6 =	vand.u32 $0x7F, v7;
	v7 =	vshll.u32 v7, $0x3;
	v38 =	vld [tilespmem:s0+$0x4410]  }
0x201: {  	v39 =	vsub.s32 v5, v1;
	v7 =	vand.u32 $0xC00, v7;
	v5 =	vshll.u32 v5, $0x7  }
0x202: {  	v9 =	vshll.u32 v39, $0x9;
	v5 =	vand.u32 $0x380, v5;
	v6 =	vor.u32 v6, v7  }
0x203: {  	v7 =	vand.u32 $0xFFFFF000, v9;
	v5 =	vor.u32 v5, v6  }
0x204: {  	v6 =	vld [tilespmem:s31+$0x410];
	v5 =	vor.u32 v7, v5  }
0x205: {  	v7 =	vshra.s32 v38, $0x9;
	v40 =	vand.u32 $0x7F, v38;
	v8 =	vshll.u32 v38, $0x3  }
0x206: {  	v41 =	vsub.s32 v7, v1;
	v8 =	vand.u32 $0xC00, v8;
	v7 =	vshll.u32 v7, $0x7  }
0x207: {  	v10 =	vshll.u32 v41, $0x9;
	v7 =	vand.u32 $0x380, v7;
	v8 =	vor.u32 v40, v8  }
0x208: {  	v42 =	vand.u32 $0xFFFFF000, v10;
	v7 =	vor.u32 v7, v8  }
0x209: {  	[tilespmem:v5+s19+$0x0] =	vst.idx.msk $0xffff, v6;
	v5 =	vld [tilespmem:s0+$0x410];
	v6 =	vor.u32 v42, v7  }
0x20a: {  	v43 =	vand.u32 $0x7F, v4;
	v7 =	vshra.s32 v4, $0x9;
	v4 =	vshll.u32 v4, $0x3;
	v44 =	vld [tilespmem:s31+$0x4420]  }
0x20b: {  	v45 =	vsub.s32 v7, v1;
	v4 =	vand.u32 $0xC00, v4;
	v7 =	vshll.u32 v7, $0x7  }
0x20c: {  	v10 =	vshll.u32 v45, $0x9;
	v7 =	vand.u32 $0x380, v7;
	v4 =	vor.u32 v43, v4  }
0x20d: {  	v46 =	vand.u32 $0xFFFFF000, v10;
	v4 =	vor.u32 v7, v4  }
0x20e: {  	v7 =	vld [tilespmem:s30+$0x420];
	v4 =	vor.u32 v46, v4;
	[tilespmem:v6+s19+$0x0] =	vst.idx.msk $0xffff, v5  }
0x20f: {  	v5 =	vshra.s32 v44, $0x9;
	v6 =	vand.u32 $0x7F, v44;
	v47 =	vshll.u32 v44, $0x3;
	v48 =	vld [tilespmem:s0+$0x4420]  }
0x210: {  	v49 =	vsub.s32 v5, v1;
	v8 =	vand.u32 $0xC00, v47;
	v5 =	vshll.u32 v5, $0x7  }
0x211: {  	v10 =	vshll.u32 v49, $0x9;
	v5 =	vand.u32 $0x380, v5;
	v6 =	vor.u32 v6, v8  }
0x212: {  	v50 =	vand.u32 $0xFFFFF000, v10;
	v5 =	vor.u32 v5, v6  }
0x213: {  	[tilespmem:v4+s19+$0x0] =	vst.idx.msk $0xffff, v7;
	v4 =	vld [tilespmem:s31+$0x420];
	v5 =	vor.u32 v50, v5  }
0x214: {  	v6 =	vld [tilespmem:s30+$0x4430];
	v7 =	vshra.s32 v48, $0x9;
	v51 =	vand.u32 $0x7F, v48;
	v9 =	vshll.u32 v48, $0x3  }
0x215: {  	v52 =	vsub.s32 v7, v1;
	v9 =	vand.u32 $0xC00, v9;
	v7 =	vshll.u32 v7, $0x7  }
0x216: {  	v10 =	vshll.u32 v52, $0x9;
	v7 =	vand.u32 $0x380, v7;
	v8 =	vor.u32 v51, v9  }
0x217: {  	v53 =	vand.u32 $0xFFFFF000, v10;
	v7 =	vor.u32 v7, v8  }
0x218: {  	[tilespmem:v5+s19+$0x0] =	vst.idx.msk $0xffff, v4;
	v4 =	vld [tilespmem:s0+$0x420];
	v5 =	vor.u32 v53, v7  }
0x219: {  	v7 =	vshra.s32 v6, $0x9;
	v54 =	vand.u32 $0x7F, v6;
	v6 =	vshll.u32 v6, $0x3;
	v55 =	vld [tilespmem:s31+$0x4430]  }
0x21a: {  	v56 =	vsub.s32 v7, v1;
	v6 =	vand.u32 $0xC00, v6;
	v7 =	vshll.u32 v7, $0x7  }
0x21b: {  	v10 =	vshll.u32 v56, $0x9;
	v7 =	vand.u32 $0x380, v7;
	v6 =	vor.u32 v54, v6  }
0x21c: {  	v57 =	vand.u32 $0xFFFFF000, v10;
	v6 =	vor.u32 v7, v6  }
0x21d: {  	v7 =	vld [tilespmem:s30+$0x430];
	v6 =	vor.u32 v57, v6;
	[tilespmem:v5+s19+$0x0] =	vst.idx.msk $0xffff, v4  }
0x21e: {  	v4 =	vshra.s32 v55, $0x9;
	v5 =	vand.u32 $0x7F, v55;
	v58 =	vshll.u32 v55, $0x3;
	v59 =	vld [tilespmem:s0+$0x4430]  }
0x21f: {  	v60 =	vsub.s32 v4, v1;
	v8 =	vand.u32 $0xC00, v58;
	v4 =	vshll.u32 v4, $0x7  }
0x220: {  	v10 =	vshll.u32 v60, $0x9;
	v4 =	vand.u32 $0x380, v4;
	v5 =	vor.u32 v5, v8  }
0x221: {  	v61 =	vand.u32 $0xFFFFF000, v10;
	v4 =	vor.u32 v4, v5  }
0x222: {  	v5 =	vld [tilespmem:s31+$0x430];
	[tilespmem:v6+s19+$0x0] =	vst.idx.msk $0xffff, v7;
	v4 =	vor.u32 v61, v4  }
0x223: {  	v6 =	vld [tilespmem:s30+$0x4440];
	v7 =	vshra.s32 v59, $0x9;
	v62 =	vand.u32 $0x7F, v59;
	v9 =	vshll.u32 v59, $0x3  }
0x224: {  	v63 =	vsub.s32 v7, v1;
	v9 =	vand.u32 $0xC00, v9;
	v7 =	vshll.u32 v7, $0x7  }
0x225: {  	v10 =	vshll.u32 v63, $0x9;
	v7 =	vand.u32 $0x380, v7;
	v8 =	vor.u32 v62, v9  }
0x226: {  	v12 =	vand.u32 $0xFFFFF000, v10;
	v7 =	vor.u32 v7, v8  }
0x227: {  	[tilespmem:v4+s19+$0x0] =	vst.idx.msk $0xffff, v5;
	v4 =	vld [tilespmem:s0+$0x430];
	v5 =	vor.u32 v12, v7  }
0x228: {  	v7 =	vshra.s32 v6, $0x9;
	v13 =	vand.u32 $0x7F, v6;
	v6 =	vshll.u32 v6, $0x3;
	v14 =	vld [tilespmem:s31+$0x4440]  }
0x229: {  	v15 =	vsub.s32 v7, v1;
	v6 =	vand.u32 $0xC00, v6;
	v7 =	vshll.u32 v7, $0x7  }
0x22a: {  	v10 =	vshll.u32 v15, $0x9;
	v7 =	vand.u32 $0x380, v7;
	v6 =	vor.u32 v13, v6  }
0x22b: {  	v16 =	vand.u32 $0xFFFFF000, v10;
	v6 =	vor.u32 v7, v6  }
0x22c: {  	v7 =	vld [tilespmem:s30+$0x440];
	v6 =	vor.u32 v16, v6;
	[tilespmem:v5+s19+$0x0] =	vst.idx.msk $0xffff, v4  }
0x22d: {  	v4 =	vshra.s32 v14, $0x9;
	v5 =	vand.u32 $0x7F, v14;
	v17 =	vshll.u32 v14, $0x3;
	v18 =	vld [tilespmem:s0+$0x4440]  }
0x22e: {  	v19 =	vsub.s32 v4, v1;
	v8 =	vand.u32 $0xC00, v17;
	v4 =	vshll.u32 v4, $0x7  }
0x22f: {  	v10 =	vshll.u32 v19, $0x9;
	v4 =	vand.u32 $0x380, v4;
	v5 =	vor.u32 v5, v8  }
0x230: {  	v20 =	vand.u32 $0xFFFFF000, v10;
	v4 =	vor.u32 v4, v5  }
0x231: {  	v5 =	vld [tilespmem:s31+$0x440];
	[tilespmem:v6+s19+$0x0] =	vst.idx.msk $0xffff, v7;
	v4 =	vor.u32 v20, v4  }
0x232: {  	v6 =	vld [tilespmem:s30+$0x4450];
	v7 =	vshra.s32 v18, $0x9;
	v21 =	vand.u32 $0x7F, v18;
	v9 =	vshll.u32 v18, $0x3  }
0x233: {  	v22 =	vsub.s32 v7, v1;
	v9 =	vand.u32 $0xC00, v9;
	v7 =	vshll.u32 v7, $0x7  }
0x234: {  	v10 =	vshll.u32 v22, $0x9;
	v7 =	vand.u32 $0x380, v7;
	v8 =	vor.u32 v21, v9  }
0x235: {  	v23 =	vand.u32 $0xFFFFF000, v10;
	v7 =	vor.u32 v7, v8  }
0x236: {  	[tilespmem:v4+s19+$0x0] =	vst.idx.msk $0xffff, v5;
	v4 =	vld [tilespmem:s0+$0x440];
	v5 =	vor.u32 v23, v7  }
0x237: {  	v7 =	vshra.s32 v6, $0x9;
	v24 =	vand.u32 $0x7F, v6;
	v6 =	vshll.u32 v6, $0x3;
	v25 =	vld [tilespmem:s31+$0x4450]  }
0x238: {  	v26 =	vsub.s32 v7, v1;
	v6 =	vand.u32 $0xC00, v6;
	v7 =	vshll.u32 v7, $0x7  }
0x239: {  	v10 =	vshll.u32 v26, $0x9;
	v7 =	vand.u32 $0x380, v7;
	v6 =	vor.u32 v24, v6  }
0x23a: {  	v27 =	vand.u32 $0xFFFFF000, v10;
	v6 =	vor.u32 v7, v6  }
0x23b: {  	v7 =	vld [tilespmem:s30+$0x450];
	v6 =	vor.u32 v27, v6;
	[tilespmem:v5+s19+$0x0] =	vst.idx.msk $0xffff, v4  }
0x23c: {  	v4 =	vshra.s32 v25, $0x9;
	v5 =	vand.u32 $0x7F, v25;
	v28 =	vshll.u32 v25, $0x3;
	v29 =	vld [tilespmem:s0+$0x4450]  }
0x23d: {  	v30 =	vsub.s32 v4, v1;
	v8 =	vand.u32 $0xC00, v28;
	v4 =	vshll.u32 v4, $0x7  }
0x23e: {  	v10 =	vshll.u32 v30, $0x9;
	v4 =	vand.u32 $0x380, v4;
	v5 =	vor.u32 v5, v8  }
0x23f: {  	v31 =	vand.u32 $0xFFFFF000, v10;
	v4 =	vor.u32 v4, v5  }
0x240: {  	v5 =	vld [tilespmem:s31+$0x450];
	[tilespmem:v6+s19+$0x0] =	vst.idx.msk $0xffff, v7;
	v4 =	vor.u32 v31, v4  }
0x241: {  	v6 =	vld [tilespmem:s30+$0x4460];
	v7 =	vshra.s32 v29, $0x9;
	v32 =	vand.u32 $0x7F, v29;
	v9 =	vshll.u32 v29, $0x3  }
0x242: {  	v33 =	vsub.s32 v7, v1;
	v9 =	vand.u32 $0xC00, v9;
	v7 =	vshll.u32 v7, $0x7  }
0x243: {  	v10 =	vshll.u32 v33, $0x9;
	v7 =	vand.u32 $0x380, v7;
	v8 =	vor.u32 v32, v9  }
0x244: {  	v34 =	vand.u32 $0xFFFFF000, v10;
	v7 =	vor.u32 v7, v8  }
0x245: {  	[tilespmem:v4+s19+$0x0] =	vst.idx.msk $0xffff, v5;
	v4 =	vld [tilespmem:s0+$0x450];
	v5 =	vor.u32 v34, v7  }
0x246: {  	v7 =	vshra.s32 v6, $0x9;
	v35 =	vand.u32 $0x7F, v6;
	v6 =	vshll.u32 v6, $0x3;
	v36 =	vld [tilespmem:s31+$0x4460]  }
0x247: {  	v37 =	vsub.s32 v7, v1;
	v6 =	vand.u32 $0xC00, v6;
	v7 =	vshll.u32 v7, $0x7  }
0x248: {  	v10 =	vshll.u32 v37, $0x9;
	v7 =	vand.u32 $0x380, v7;
	v6 =	vor.u32 v35, v6  }
0x249: {  	v38 =	vand.u32 $0xFFFFF000, v10;
	v6 =	vor.u32 v7, v6  }
0x24a: {  	v6 =	vor.u32 v38, v6;
	[tilespmem:v5+s19+$0x0] =	vst.idx.msk $0xffff, v4  }
0x24b: {  	v4 =	vshra.s32 v36, $0x9;
	v5 =	vand.u32 $0x7F, v36;
	v7 =	vshll.u32 v36, $0x3;
	v39 =	vld [tilespmem:s0+$0x4460]  }
0x24c: {  	v40 =	vsub.s32 v4, v1;
	v7 =	vand.u32 $0xC00, v7;
	v4 =	vshll.u32 v4, $0x7  }
0x24d: {  	v41 =	vld [tilespmem:s30+$0x460];
	v9 =	vshll.u32 v40, $0x9;
	v4 =	vand.u32 $0x380, v4;
	v5 =	vor.u32 v5, v7  }
0x24e: {  	v7 =	vand.u32 $0xFFFFF000, v9;
	v4 =	vor.u32 v4, v5  }
0x24f: {  	v4 =	vor.u32 v7, v4  }
0x250: {  	v5 =	vshra.s32 v39, $0x9;
	v7 =	vand.u32 $0x7F, v39;
	v8 =	vshll.u32 v39, $0x3  }
0x251: {  	v42 =	vld [tilespmem:s31+$0x460];
	v11 =	vsub.s32 v5, v1;
	v8 =	vand.u32 $0xC00, v8;
	v5 =	vshll.u32 v5, $0x7  }
0x252: {  	[tilespmem:v6+s19+$0x0] =	vst.idx.msk $0xffff, v41;
	v6 =	vshll.u32 v11, $0x9;
	v5 =	vand.u32 $0x380, v5;
	v7 =	vor.u32 v7, v8  }
0x253: {  	v43 =	vld [tilespmem:s30+$0x4470];
	v6 =	vand.u32 $0xFFFFF000, v6;
	v5 =	vor.u32 v5, v7  }
0x254: {  	v7 =	vld [tilespmem:s0+$0x460];
	v5 =	vor.u32 v6, v5;
	_ =	sdelay $0x1  }
0x255: {  	[tilespmem:v4+s19+$0x0] =	vst.idx.msk $0xffff, v42  }
0x256: {  	v4 =	vld [tilespmem:s31+$0x4470]  }
0x257: {  	v6 =	vshra.s32 v43, $0x9;
	v44 =	vand.u32 $0x7F, v43;
	v8 =	vshll.u32 v43, $0x3  }
0x258: {  	[tilespmem:v5+s19+$0x0] =	vst.idx.msk $0xffff, v7;
	v5 =	vsub.s32 v6, v1;
	v7 =	vand.u32 $0xC00, v8;
	v6 =	vshll.u32 v6, $0x7  }
0x259: {  	v5 =	vshll.u32 v5, $0x9;
	v6 =	vand.u32 $0x380, v6;
	v7 =	vor.u32 v44, v7;
	v45 =	vld [tilespmem:s0+$0x4470]  }
0x25a: {  	v5 =	vand.u32 $0xFFFFF000, v5;
	v6 =	vor.u32 v6, v7  }
0x25b: {  	v7 =	vshll.u32 v4, $0x3;
	v5 =	vor.u32 v5, v6;
	v6 =	vshra.s32 v4, $0x9  }
0x25c: {  	v4 =	vand.u32 $0x7F, v4;
	v7 =	vand.u32 $0xC00, v7;
	v46 =	vshll.u32 v6, $0x7  }
0x25d: {  	v6 =	vsub.s32 v6, v1;
	v4 =	vor.u32 v4, v7;
	v9 =	vand.u32 $0x380, v46  }
0x25e: {  	v6 =	vshll.u32 v6, $0x9;
	v4 =	vor.u32 v9, v4;
	v7 =	vshll.u32 v45, $0x3  }
0x25f: {  	v47 =	vshra.s32 v45, $0x9;
	v8 =	vand.u32 $0x7F, v45;
	v6 =	vand.u32 $0xFFFFF000, v6  }
0x260: {  	v7 =	vand.u32 $0xC00, v7;
	v1 =	vsub.s32 v47, v1;
	v9 =	vshll.u32 v47, $0x7  }
0x261: {  	v48 =	vld [tilespmem:s30+$0x470];
	v7 =	vor.u32 v8, v7;
	v1 =	vshll.u32 v1, $0x9;
	v9 =	vand.u32 $0x380, v9  }
0x262: {  	v4 =	vor.u32 v6, v4;
	v6 =	vor.u32 v9, v7;
	v7 =	vld [tilespmem:s31+$0x470];
	v1 =	vand.u32 $0xFFFFF000, v1  }
0x263: {  	v1 =	vor.u32 v1, v6;
	v6 =	vld [tilespmem:s0+$0x470]  }
0x264: {  	s8 =	sshll.u32 s2, $0x12  }
0x265: {  	s9 =	sshll.u32 s29, $0x9;
	[tilespmem:v3+s19+$0x0] =	vst.idx.msk $0xffff, v2;
	s30 =	sadd.s32 s12, s8  }
0x266: {  	[tilespmem:v5+s19+$0x0] =	vst.idx.msk $0xffff, v48;
	s0 =	sor.u32 s9, s30  }
0x267: {  	s0 =	sshrl.u32 s0, $0x3;
	[tilespmem:v4+s19+$0x0] =	vst.idx.msk $0xffff, v7  }
0x268: {  	p1 =	seq.s32 s26, $0x17;
	s0 =	sadd.s32 s5, s0;
	[tilespmem:v1+s19+$0x0] =	vst.idx.msk $0xffff, v6  }
0x269: {  	[hbm4b:s0+s6] =	stream.linear.scatter [tilespmem:s19], [sflag:$0x5], $0x8000, $0x38;
	[tilespmem:$0x18000] =	vst v63  }
0x26a: {  	s0 =	sadd.s32 @!p1 $0x2, s28  }
0x26b: {  	s2 =	sshrl.u32 @!p1 s0, $0x3  }
0x26c: {  	s2 =	sadd.s32 @!p1 s7, s2  }
0x26d: {  	s0 =	sshll.u32 @!p1 s0, $0xD;
	s2 =	sshll.u32 @!p1 s2, $0x10  }
0x26e: {  	s0 =	sand.u32 @!p1 $0xC000, s0;
	s2 =	sadd.s32 @!p1 s4, s2  }
0x26f: {  	s0 =	sor.u32 @!p1 s0, s2  }
0x270: {  	s0 =	sshrl.u32 @!p1 s0, $0x3  }
0x271: {  	s8 =	simm.s32 @!p1 $0x0;
	s2 =	sadd.s32 @!p1 s1, s0  }
0x272: {  	[tilespmem:s8], [sflag:$0x1] =	stream.linear.gather @!p1 [hbm4b:s2+s8], $0x2000, $0x38;
	[tilespmem:$0x18000] =	vst v63  }
0x273: {  	s0 =	sadd.s32 @!p1 s3, s0;
	s2 =	simm.s32 @!p1 $0x4000  }
0x274: {  	[tilespmem:s2], [sflag:$0x3] =	stream.linear.gather @!p1 [hbm4b:s0+s8], $0x2000, $0x38;
	[tilespmem:$0x18000] =	vst v63  }
0x275: {  	_ =	swait.ge [sflag:s20], $0x2000  }
0x276: {  	[sflag:s20] =	ssyncset.done $0x0  }
0x277: {  	[sflag:s20] =	ssyncadd.s32 $0xFFFFE000  }
0x278: {  	_ =	swait.ge [sflag:s21], $0x2000  }
0x279: {  	[sflag:s21] =	ssyncset.done $0x0  }
0x27a: {  	s2 =	simm.s32 @!p0 $0x6;
	[sflag:s21] =	ssyncadd.s32 $0xFFFFE000  }
0x27b: {  	s0 =	simm.s32 $0x0;
	_ =	swait.ge @!p0 [sflag:s2], $0x8000  }
0x27c: {  	s10 =	sand.u32 $0x7000, s0;
	s11 =	sand.u32 $0x300, s0;
	[sflag:s2] =	ssyncset.done @!p0 $0x0  }
0x27d: {  	s13 =	sor.u32 s11, s10;
	[sflag:s2] =	ssyncadd.s32 @!p0 $0xFFFF8000  }
0x27e: {  	[tilespmem:s13+$0x10000] =	vst v0  }
0x27f: {  	[tilespmem:s13+$0x10080] =	vst v0  }
0x280: {  	[tilespmem:s13+$0x10010] =	vst v0  }
0x281: {  	[tilespmem:s13+$0x10090] =	vst v0  }
0x282: {  	[tilespmem:s13+$0x10020] =	vst v0  }
0x283: {  	[tilespmem:s13+$0x100A0] =	vst v0  }
0x284: {  	[tilespmem:s13+$0x10030] =	vst v0  }
0x285: {  	[tilespmem:s13+$0x100B0] =	vst v0  }
0x286: {  	[tilespmem:s13+$0x10040] =	vst v0  }
0x287: {  	[tilespmem:s13+$0x100C0] =	vst v0  }
0x288: {  	[tilespmem:s13+$0x10050] =	vst v0  }
0x289: {  	[tilespmem:s13+$0x100D0] =	vst v0  }
0x28a: {  	[tilespmem:s13+$0x10060] =	vst v0  }
0x28b: {  	[tilespmem:s13+$0x100E0] =	vst v0  }
0x28c: {  	[tilespmem:s13+$0x10070] =	vst v0  }
0x28d: {  	[tilespmem:s13+$0x100F0] =	vst v0  }
0x28e: {  	[tilespmem:s13+$0x10400] =	vst v0  }
0x28f: {  	[tilespmem:s13+$0x10480] =	vst v0  }
0x290: {  	[tilespmem:s13+$0x10410] =	vst v0  }
0x291: {  	[tilespmem:s13+$0x10490] =	vst v0  }
0x292: {  	[tilespmem:s13+$0x10420] =	vst v0  }
0x293: {  	[tilespmem:s13+$0x104A0] =	vst v0  }
0x294: {  	[tilespmem:s13+$0x10430] =	vst v0  }
0x295: {  	[tilespmem:s13+$0x104B0] =	vst v0  }
0x296: {  	[tilespmem:s13+$0x10440] =	vst v0  }
0x297: {  	[tilespmem:s13+$0x104C0] =	vst v0  }
0x298: {  	[tilespmem:s13+$0x10450] =	vst v0  }
0x299: {  	[tilespmem:s13+$0x104D0] =	vst v0  }
0x29a: {  	[tilespmem:s13+$0x10460] =	vst v0  }
0x29b: {  	[tilespmem:s13+$0x104E0] =	vst v0  }
0x29c: {  	[tilespmem:s13+$0x10470] =	vst v0  }
0x29d: {  	[tilespmem:s13+$0x104F0] =	vst v0  }
0x29e: {  	[tilespmem:s13+$0x10800] =	vst v0  }
0x29f: {  	[tilespmem:s13+$0x10880] =	vst v0  }
0x2a0: {  	[tilespmem:s13+$0x10810] =	vst v0  }
0x2a1: {  	[tilespmem:s13+$0x10890] =	vst v0  }
0x2a2: {  	[tilespmem:s13+$0x10820] =	vst v0  }
0x2a3: {  	[tilespmem:s13+$0x108A0] =	vst v0  }
0x2a4: {  	[tilespmem:s13+$0x10830] =	vst v0  }
0x2a5: {  	[tilespmem:s13+$0x108B0] =	vst v0  }
0x2a6: {  	[tilespmem:s13+$0x10840] =	vst v0  }
0x2a7: {  	[tilespmem:s13+$0x108C0] =	vst v0  }
0x2a8: {  	[tilespmem:s13+$0x10850] =	vst v0  }
0x2a9: {  	[tilespmem:s13+$0x108D0] =	vst v0  }
0x2aa: {  	s14 =	sand.u32 $0x3, s0;
	[tilespmem:s13+$0x10860] =	vst v0  }
0x2ab: {  	s8 =	sshll.u32 s14, $0x8;
	[tilespmem:s13+$0x108E0] =	vst v0  }
0x2ac: {  	s8 =	sadd.s32 $0x0, s8;
	[tilespmem:s13+$0x10870] =	vst v0  }
0x2ad: {  	s23 =	sor.u32 $0xC00, s8;
	s9 =	sadd.s32 $0x80, s8;
	[tilespmem:s13+$0x108F0] =	vst v0  }
0x2ae: {  	s24 =	sor.u32 $0xC00, s9;
	[tilespmem:s23+$0x10000] =	vst v0  }
0x2af: {  	s10 =	sor.u32 $0xC10, s8;
	[tilespmem:s24+$0x10000] =	vst v0  }
0x2b0: {  	s11 =	sor.u32 $0xC10, s9;
	[tilespmem:s10+$0x10000] =	vst v0  }
0x2b1: {  	s13 =	sor.u32 $0xC20, s8;
	[tilespmem:s11+$0x10000] =	vst v0  }
0x2b2: {  	s14 =	sor.u32 $0xC20, s9;
	[tilespmem:s13+$0x10000] =	vst v0  }
0x2b3: {  	s23 =	sor.u32 $0xC30, s8;
	[tilespmem:s14+$0x10000] =	vst v0  }
0x2b4: {  	s24 =	sor.u32 $0xC30, s9;
	[tilespmem:s23+$0x10000] =	vst v0  }
0x2b5: {  	s10 =	sor.u32 $0xC40, s8;
	[tilespmem:s24+$0x10000] =	vst v0  }
0x2b6: {  	s11 =	sor.u32 $0xC40, s9;
	[tilespmem:s10+$0x10000] =	vst v0  }
0x2b7: {  	s13 =	sor.u32 $0xC50, s8;
	[tilespmem:s11+$0x10000] =	vst v0  }
0x2b8: {  	s14 =	sor.u32 $0xC50, s9;
	[tilespmem:s13+$0x10000] =	vst v0  }
0x2b9: {  	s23 =	sor.u32 $0xC60, s8;
	[tilespmem:s14+$0x10000] =	vst v0  }
0x2ba: {  	s24 =	sor.u32 $0xC60, s9;
	[tilespmem:s23+$0x10000] =	vst v0  }
0x2bb: {  	s8 =	sor.u32 $0xC70, s8;
	[tilespmem:s24+$0x10000] =	vst v0  }
0x2bc: {  	s9 =	sor.u32 $0xC70, s9;
	s10 =	sand.u32 $0x1800, s0;
	s0 =	sand.u32 $0x380, s0;
	[tilespmem:s8+$0x10000] =	vst v0  }
0x2bd: {  	[tilespmem:s9+$0x10000] =	vst v0;
	s9 =	sor.u32 s0, s10  }
0x2be: {  	v2 =	vld [tilespmem:s9+$0x6000];
	_ =	sdelay $0x2  }
0x2bf: {  	s29 =	sor.u32 $0x40, s29  }
0x2c0: {  	v1 =	vmov s29  }
0x2c1: {  	v3 =	vshra.s32 v2, $0x9;
	v4 =	vand.u32 $0x7F, v2;
	v2 =	vshll.u32 v2, $0x3  }
0x2c2: {  	v5 =	vsub.s32 v3, v1;
	v2 =	vand.u32 $0xC00, v2;
	v3 =	vshll.u32 v3, $0x7  }
0x2c3: {  	v5 =	vshll.u32 v5, $0x9;
	v3 =	vand.u32 $0x380, v3;
	v2 =	vor.u32 v4, v2  }
0x2c4: {  	s11 =	simm.s32 $0x400;
	s0 =	simm.s32 $0x100;
	v4 =	vand.u32 $0xFFFFF000, v5;
	v2 =	vor.u32 v3, v2  }
0x2c5: {  	s2 =	sand.u32 $0x7000, s11;
	s13 =	sand.u32 $0x300, s0;
	v3 =	vld [tilespmem:s9+$0x2000];
	v2 =	vor.u32 v4, v2  }
0x2c6: {  	s2 =	sor.u32 s13, s2  }
0x2c7: {  	[tilespmem:s2+$0x10000] =	vst v0  }
0x2c8: {  	[tilespmem:s2+$0x10080] =	vst v0  }
0x2c9: {  	[tilespmem:s2+$0x10010] =	vst v0  }
0x2ca: {  	[tilespmem:v2+s22+$0x0] =	vst.idx.msk $0xffff, v3  }
0x2cb: {  	[tilespmem:s2+$0x10090] =	vst v0;
	v2 =	vld [tilespmem:s9+$0x6010]  }
0x2cc: {  	[tilespmem:s2+$0x10020] =	vst v0  }
0x2cd: {  	[tilespmem:s2+$0x100A0] =	vst v0  }
0x2ce: {  	[tilespmem:s2+$0x10030] =	vst v0  }
0x2cf: {  	[tilespmem:s2+$0x100B0] =	vst v0  }
0x2d0: {  	[tilespmem:s2+$0x10040] =	vst v0;
	v3 =	vshra.s32 v2, $0x9;
	v4 =	vand.u32 $0x7F, v2;
	v2 =	vshll.u32 v2, $0x3  }
0x2d1: {  	[tilespmem:s2+$0x100C0] =	vst v0;
	v5 =	vsub.s32 v3, v1;
	v2 =	vand.u32 $0xC00, v2;
	v3 =	vshll.u32 v3, $0x7  }
0x2d2: {  	[tilespmem:s2+$0x10050] =	vst v0;
	v5 =	vshll.u32 v5, $0x9;
	v3 =	vand.u32 $0x380, v3;
	v2 =	vor.u32 v4, v2  }
0x2d3: {  	[tilespmem:s2+$0x100D0] =	vst v0;
	v4 =	vand.u32 $0xFFFFF000, v5;
	v2 =	vor.u32 v3, v2  }
0x2d4: {  	[tilespmem:s2+$0x10060] =	vst v0;
	v3 =	vld [tilespmem:s9+$0x2010];
	v2 =	vor.u32 v4, v2  }
0x2d5: {  	[tilespmem:s2+$0x100E0] =	vst v0  }
0x2d6: {  	[tilespmem:s2+$0x10070] =	vst v0  }
0x2d7: {  	[tilespmem:s2+$0x100F0] =	vst v0  }
0x2d8: {  	[tilespmem:s2+$0x10400] =	vst v0  }
0x2d9: {  	[tilespmem:v2+s22+$0x0] =	vst.idx.msk $0xffff, v3  }
0x2da: {  	[tilespmem:s2+$0x10480] =	vst v0;
	v2 =	vld [tilespmem:s9+$0x6020]  }
0x2db: {  	[tilespmem:s2+$0x10410] =	vst v0  }
0x2dc: {  	[tilespmem:s2+$0x10490] =	vst v0  }
0x2dd: {  	[tilespmem:s2+$0x10420] =	vst v0  }
0x2de: {  	[tilespmem:s2+$0x104A0] =	vst v0  }
0x2df: {  	[tilespmem:s2+$0x10430] =	vst v0;
	v3 =	vshra.s32 v2, $0x9;
	v4 =	vand.u32 $0x7F, v2;
	v2 =	vshll.u32 v2, $0x3  }
0x2e0: {  	[tilespmem:s2+$0x104B0] =	vst v0;
	v5 =	vsub.s32 v3, v1;
	v2 =	vand.u32 $0xC00, v2;
	v3 =	vshll.u32 v3, $0x7  }
0x2e1: {  	[tilespmem:s2+$0x10440] =	vst v0;
	v5 =	vshll.u32 v5, $0x9;
	v3 =	vand.u32 $0x380, v3;
	v2 =	vor.u32 v4, v2  }
0x2e2: {  	[tilespmem:s2+$0x104C0] =	vst v0;
	v4 =	vand.u32 $0xFFFFF000, v5;
	v2 =	vor.u32 v3, v2  }
0x2e3: {  	[tilespmem:s2+$0x10450] =	vst v0;
	v3 =	vld [tilespmem:s9+$0x2020];
	v2 =	vor.u32 v4, v2  }
0x2e4: {  	[tilespmem:s2+$0x104D0] =	vst v0  }
0x2e5: {  	[tilespmem:s2+$0x10460] =	vst v0  }
0x2e6: {  	[tilespmem:s2+$0x104E0] =	vst v0  }
0x2e7: {  	[tilespmem:s2+$0x10470] =	vst v0  }
0x2e8: {  	[tilespmem:v2+s22+$0x0] =	vst.idx.msk $0xffff, v3  }
0x2e9: {  	[tilespmem:s2+$0x104F0] =	vst v0;
	v2 =	vld [tilespmem:s9+$0x6030]  }
0x2ea: {  	[tilespmem:s2+$0x10800] =	vst v0  }
0x2eb: {  	[tilespmem:s2+$0x10880] =	vst v0  }
0x2ec: {  	[tilespmem:s2+$0x10810] =	vst v0  }
0x2ed: {  	[tilespmem:s2+$0x10890] =	vst v0  }
0x2ee: {  	[tilespmem:s2+$0x10820] =	vst v0;
	v3 =	vshra.s32 v2, $0x9;
	v4 =	vand.u32 $0x7F, v2;
	v2 =	vshll.u32 v2, $0x3  }
0x2ef: {  	[tilespmem:s2+$0x108A0] =	vst v0;
	v5 =	vsub.s32 v3, v1;
	v2 =	vand.u32 $0xC00, v2;
	v3 =	vshll.u32 v3, $0x7  }
0x2f0: {  	[tilespmem:s2+$0x10830] =	vst v0;
	v5 =	vshll.u32 v5, $0x9;
	v3 =	vand.u32 $0x380, v3;
	v2 =	vor.u32 v4, v2  }
0x2f1: {  	[tilespmem:s2+$0x108B0] =	vst v0;
	v4 =	vand.u32 $0xFFFFF000, v5;
	v2 =	vor.u32 v3, v2  }
0x2f2: {  	[tilespmem:s2+$0x10840] =	vst v0;
	v3 =	vld [tilespmem:s9+$0x2030];
	v2 =	vor.u32 v4, v2  }
0x2f3: {  	[tilespmem:s2+$0x108C0] =	vst v0  }
0x2f4: {  	[tilespmem:s2+$0x10850] =	vst v0  }
0x2f5: {  	[tilespmem:s2+$0x108D0] =	vst v0  }
0x2f6: {  	s14 =	simm.s32 $0x1;
	[tilespmem:s2+$0x10860] =	vst v0  }
0x2f7: {  	s8 =	sand.u32 $0x3, s14;
	[tilespmem:v2+s22+$0x0] =	vst.idx.msk $0xffff, v3  }
0x2f8: {  	s8 =	sshll.u32 s8, $0x8;
	[tilespmem:s2+$0x108E0] =	vst v0;
	v2 =	vld [tilespmem:s9+$0x6040]  }
0x2f9: {  	s8 =	sadd.s32 $0x400, s8;
	[tilespmem:s2+$0x10870] =	vst v0  }
0x2fa: {  	s23 =	sor.u32 $0xC00, s8;
	s10 =	sadd.s32 $0x80, s8;
	[tilespmem:s2+$0x108F0] =	vst v0  }
0x2fb: {  	s24 =	sor.u32 $0xC00, s10;
	[tilespmem:s23+$0x10000] =	vst v0  }
0x2fc: {  	s11 =	sor.u32 $0xC10, s8;
	[tilespmem:s24+$0x10000] =	vst v0  }
0x2fd: {  	s13 =	sor.u32 $0xC10, s10;
	[tilespmem:s11+$0x10000] =	vst v0;
	v3 =	vshra.s32 v2, $0x9;
	v4 =	vand.u32 $0x7F, v2;
	v2 =	vshll.u32 v2, $0x3  }
0x2fe: {  	s14 =	sor.u32 $0xC20, s8;
	[tilespmem:s13+$0x10000] =	vst v0;
	v5 =	vsub.s32 v3, v1;
	v2 =	vand.u32 $0xC00, v2;
	v3 =	vshll.u32 v3, $0x7  }
0x2ff: {  	s23 =	sor.u32 $0xC20, s10;
	[tilespmem:s14+$0x10000] =	vst v0;
	v5 =	vshll.u32 v5, $0x9;
	v3 =	vand.u32 $0x380, v3;
	v2 =	vor.u32 v4, v2  }
0x300: {  	s24 =	sor.u32 $0xC30, s8;
	[tilespmem:s23+$0x10000] =	vst v0;
	v4 =	vand.u32 $0xFFFFF000, v5;
	v2 =	vor.u32 v3, v2  }
0x301: {  	s11 =	sor.u32 $0xC30, s10;
	[tilespmem:s24+$0x10000] =	vst v0;
	v3 =	vld [tilespmem:s9+$0x2040];
	v2 =	vor.u32 v4, v2  }
0x302: {  	s13 =	sor.u32 $0xC40, s8;
	[tilespmem:s11+$0x10000] =	vst v0  }
0x303: {  	s14 =	sor.u32 $0xC40, s10;
	[tilespmem:s13+$0x10000] =	vst v0  }
0x304: {  	s23 =	sor.u32 $0xC50, s8;
	[tilespmem:s14+$0x10000] =	vst v0  }
0x305: {  	[tilespmem:s23+$0x10000] =	vst v0  }
0x306: {  	s24 =	sor.u32 $0xC50, s10;
	[tilespmem:v2+s22+$0x0] =	vst.idx.msk $0xffff, v3  }
0x307: {  	s11 =	sor.u32 $0xC60, s8;
	[tilespmem:s24+$0x10000] =	vst v0;
	v2 =	vld [tilespmem:s9+$0x6050]  }
0x308: {  	s13 =	sor.u32 $0xC60, s10;
	[tilespmem:s11+$0x10000] =	vst v0  }
0x309: {  	s14 =	sor.u32 $0xC70, s8;
	s23 =	simm.s32 $0x80;
	[tilespmem:s13+$0x10000] =	vst v0  }
0x30a: {  	s0 =	sand.u32 $0x1800, s0;
	s24 =	sor.u32 $0xC70, s10;
	s8 =	sand.u32 $0x380, s23;
	[tilespmem:s14+$0x10000] =	vst v0  }
0x30b: {  	s31 =	sor.u32 s8, s0;
	[tilespmem:s24+$0x10000] =	vst v0  }
0x30c: {  	v3 =	vld [tilespmem:s31+$0x6000];
	v4 =	vshra.s32 v2, $0x9;
	v5 =	vand.u32 $0x7F, v2;
	v2 =	vshll.u32 v2, $0x3  }
0x30d: {  	v6 =	vsub.s32 v4, v1;
	v2 =	vand.u32 $0xC00, v2;
	v4 =	vshll.u32 v4, $0x7  }
0x30e: {  	v6 =	vshll.u32 v6, $0x9;
	v4 =	vand.u32 $0x380, v4;
	v2 =	vor.u32 v5, v2  }
0x30f: {  	s2 =	simm.s32 $0x200;
	s8 =	simm.s32 $0x800;
	v5 =	vand.u32 $0xFFFFF000, v6;
	v2 =	vor.u32 v4, v2  }
0x310: {  	s10 =	sand.u32 $0x300, s2;
	s0 =	sand.u32 $0x7000, s8;
	v4 =	vld [tilespmem:s9+$0x2050];
	v2 =	vor.u32 v5, v2  }
0x311: {  	s0 =	sor.u32 s10, s0;
	v6 =	vand.u32 $0x7F, v3;
	v5 =	vshra.s32 v3, $0x9;
	v3 =	vshll.u32 v3, $0x3  }
0x312: {  	[tilespmem:s0+$0x10000] =	vst v0;
	v7 =	vsub.s32 v5, v1;
	v3 =	vand.u32 $0xC00, v3;
	v5 =	vshll.u32 v5, $0x7  }
0x313: {  	[tilespmem:s0+$0x10080] =	vst v0;
	v7 =	vshll.u32 v7, $0x9;
	v5 =	vand.u32 $0x380, v5;
	v3 =	vor.u32 v6, v3  }
0x314: {  	[tilespmem:s0+$0x10010] =	vst v0;
	v6 =	vand.u32 $0xFFFFF000, v7;
	v3 =	vor.u32 v5, v3  }
0x315: {  	v5 =	vld [tilespmem:s31+$0x2000];
	v3 =	vor.u32 v6, v3;
	[tilespmem:v2+s22+$0x0] =	vst.idx.msk $0xffff, v4  }
0x316: {  	[tilespmem:s0+$0x10090] =	vst v0;
	v2 =	vld [tilespmem:s9+$0x6060]  }
0x317: {  	[tilespmem:s0+$0x10020] =	vst v0  }
0x318: {  	[tilespmem:s0+$0x100A0] =	vst v0  }
0x319: {  	[tilespmem:s0+$0x10030] =	vst v0  }
0x31a: {  	[tilespmem:v3+s22+$0x0] =	vst.idx.msk $0xffff, v5  }
0x31b: {  	[tilespmem:s0+$0x100B0] =	vst v0;
	v3 =	vld [tilespmem:s31+$0x6010];
	v4 =	vshra.s32 v2, $0x9;
	v5 =	vand.u32 $0x7F, v2;
	v2 =	vshll.u32 v2, $0x3  }
0x31c: {  	[tilespmem:s0+$0x10040] =	vst v0;
	v6 =	vsub.s32 v4, v1;
	v2 =	vand.u32 $0xC00, v2;
	v4 =	vshll.u32 v4, $0x7  }
0x31d: {  	[tilespmem:s0+$0x100C0] =	vst v0;
	v6 =	vshll.u32 v6, $0x9;
	v4 =	vand.u32 $0x380, v4;
	v2 =	vor.u32 v5, v2  }
0x31e: {  	[tilespmem:s0+$0x10050] =	vst v0;
	v5 =	vand.u32 $0xFFFFF000, v6;
	v2 =	vor.u32 v4, v2  }
0x31f: {  	[tilespmem:s0+$0x100D0] =	vst v0;
	v4 =	vld [tilespmem:s9+$0x2060];
	v2 =	vor.u32 v5, v2  }
0x320: {  	[tilespmem:s0+$0x10060] =	vst v0;
	v5 =	vshra.s32 v3, $0x9;
	v6 =	vand.u32 $0x7F, v3;
	v3 =	vshll.u32 v3, $0x3  }
0x321: {  	[tilespmem:s0+$0x100E0] =	vst v0;
	v7 =	vsub.s32 v5, v1;
	v3 =	vand.u32 $0xC00, v3;
	v5 =	vshll.u32 v5, $0x7  }
0x322: {  	[tilespmem:s0+$0x10070] =	vst v0;
	v7 =	vshll.u32 v7, $0x9;
	v5 =	vand.u32 $0x380, v5;
	v3 =	vor.u32 v6, v3  }
0x323: {  	[tilespmem:s0+$0x100F0] =	vst v0;
	v6 =	vand.u32 $0xFFFFF000, v7;
	v3 =	vor.u32 v5, v3  }
0x324: {  	v5 =	vld [tilespmem:s31+$0x2010];
	v3 =	vor.u32 v6, v3;
	[tilespmem:v2+s22+$0x0] =	vst.idx.msk $0xffff, v4  }
0x325: {  	[tilespmem:s0+$0x10400] =	vst v0;
	v2 =	vld [tilespmem:s9+$0x6070]  }
0x326: {  	[tilespmem:s0+$0x10480] =	vst v0  }
0x327: {  	[tilespmem:s0+$0x10410] =	vst v0  }
0x328: {  	[tilespmem:s0+$0x10490] =	vst v0  }
0x329: {  	[tilespmem:v3+s22+$0x0] =	vst.idx.msk $0xffff, v5  }
0x32a: {  	[tilespmem:s0+$0x10420] =	vst v0;
	v3 =	vld [tilespmem:s31+$0x6020];
	v4 =	vshra.s32 v2, $0x9;
	v5 =	vand.u32 $0x7F, v2;
	v2 =	vshll.u32 v2, $0x3  }
0x32b: {  	[tilespmem:s0+$0x104A0] =	vst v0;
	v6 =	vsub.s32 v4, v1;
	v2 =	vand.u32 $0xC00, v2;
	v4 =	vshll.u32 v4, $0x7  }
0x32c: {  	[tilespmem:s0+$0x10430] =	vst v0;
	v6 =	vshll.u32 v6, $0x9;
	v4 =	vand.u32 $0x380, v4;
	v2 =	vor.u32 v5, v2  }
0x32d: {  	[tilespmem:s0+$0x104B0] =	vst v0;
	v5 =	vand.u32 $0xFFFFF000, v6;
	v2 =	vor.u32 v4, v2  }
0x32e: {  	[tilespmem:s0+$0x10440] =	vst v0;
	v4 =	vld [tilespmem:s9+$0x2070];
	v2 =	vor.u32 v5, v2  }
0x32f: {  	[tilespmem:s0+$0x104C0] =	vst v0;
	v5 =	vshra.s32 v3, $0x9;
	v6 =	vand.u32 $0x7F, v3;
	v3 =	vshll.u32 v3, $0x3  }
0x330: {  	[tilespmem:s0+$0x10450] =	vst v0;
	v7 =	vsub.s32 v5, v1;
	v3 =	vand.u32 $0xC00, v3;
	v5 =	vshll.u32 v5, $0x7  }
0x331: {  	[tilespmem:s0+$0x104D0] =	vst v0;
	v7 =	vshll.u32 v7, $0x9;
	v5 =	vand.u32 $0x380, v5;
	v3 =	vor.u32 v6, v3  }
0x332: {  	[tilespmem:s0+$0x10460] =	vst v0;
	v6 =	vand.u32 $0xFFFFF000, v7;
	v3 =	vor.u32 v5, v3  }
0x333: {  	v5 =	vld [tilespmem:s31+$0x2020];
	v3 =	vor.u32 v6, v3;
	[tilespmem:v2+s22+$0x0] =	vst.idx.msk $0xffff, v4  }
0x334: {  	[tilespmem:s0+$0x104E0] =	vst v0;
	v2 =	vld [tilespmem:s9+$0x6400]  }
0x335: {  	[tilespmem:s0+$0x10470] =	vst v0  }
0x336: {  	[tilespmem:s0+$0x104F0] =	vst v0  }
0x337: {  	[tilespmem:s0+$0x10800] =	vst v0  }
0x338: {  	[tilespmem:v3+s22+$0x0] =	vst.idx.msk $0xffff, v5  }
0x339: {  	[tilespmem:s0+$0x10880] =	vst v0;
	v3 =	vld [tilespmem:s31+$0x6030];
	v4 =	vshra.s32 v2, $0x9;
	v5 =	vand.u32 $0x7F, v2;
	v2 =	vshll.u32 v2, $0x3  }
0x33a: {  	[tilespmem:s0+$0x10810] =	vst v0;
	v6 =	vsub.s32 v4, v1;
	v2 =	vand.u32 $0xC00, v2;
	v4 =	vshll.u32 v4, $0x7  }
0x33b: {  	[tilespmem:s0+$0x10890] =	vst v0;
	v6 =	vshll.u32 v6, $0x9;
	v4 =	vand.u32 $0x380, v4;
	v2 =	vor.u32 v5, v2  }
0x33c: {  	[tilespmem:s0+$0x10820] =	vst v0;
	v5 =	vand.u32 $0xFFFFF000, v6;
	v2 =	vor.u32 v4, v2  }
0x33d: {  	[tilespmem:s0+$0x108A0] =	vst v0;
	v4 =	vld [tilespmem:s9+$0x2400];
	v2 =	vor.u32 v5, v2  }
0x33e: {  	[tilespmem:s0+$0x10830] =	vst v0;
	v5 =	vshra.s32 v3, $0x9;
	v6 =	vand.u32 $0x7F, v3;
	v3 =	vshll.u32 v3, $0x3  }
0x33f: {  	[tilespmem:s0+$0x108B0] =	vst v0;
	v7 =	vsub.s32 v5, v1;
	v3 =	vand.u32 $0xC00, v3;
	v5 =	vshll.u32 v5, $0x7  }
0x340: {  	[tilespmem:s0+$0x10840] =	vst v0;
	v7 =	vshll.u32 v7, $0x9;
	v5 =	vand.u32 $0x380, v5;
	v3 =	vor.u32 v6, v3  }
0x341: {  	[tilespmem:s0+$0x108C0] =	vst v0;
	v6 =	vand.u32 $0xFFFFF000, v7;
	v3 =	vor.u32 v5, v3  }
0x342: {  	v5 =	vld [tilespmem:s31+$0x2030];
	v3 =	vor.u32 v6, v3;
	[tilespmem:v2+s22+$0x0] =	vst.idx.msk $0xffff, v4  }
0x343: {  	[tilespmem:s0+$0x10850] =	vst v0;
	v2 =	vld [tilespmem:s9+$0x6410]  }
0x344: {  	[tilespmem:s0+$0x108D0] =	vst v0  }
0x345: {  	s11 =	simm.s32 $0x2;
	[tilespmem:s0+$0x10860] =	vst v0  }
0x346: {  	s8 =	sand.u32 $0x3, s11;
	[tilespmem:s0+$0x108E0] =	vst v0  }
0x347: {  	s8 =	sshll.u32 s8, $0x8;
	[tilespmem:v3+s22+$0x0] =	vst.idx.msk $0xffff, v5  }
0x348: {  	[tilespmem:s0+$0x10870] =	vst v0;
	s8 =	sadd.s32 $0x800, s8;
	v3 =	vld [tilespmem:s31+$0x6040];
	v4 =	vshra.s32 v2, $0x9;
	v5 =	vand.u32 $0x7F, v2;
	v2 =	vshll.u32 v2, $0x3  }
0x349: {  	[tilespmem:s0+$0x108F0] =	vst v0;
	s13 =	sor.u32 $0xC00, s8;
	s10 =	sadd.s32 $0x80, s8;
	v6 =	vsub.s32 v4, v1;
	v2 =	vand.u32 $0xC00, v2;
	v4 =	vshll.u32 v4, $0x7  }
0x34a: {  	[tilespmem:s13+$0x10000] =	vst v0;
	s14 =	sor.u32 $0xC00, s10;
	v6 =	vshll.u32 v6, $0x9;
	v4 =	vand.u32 $0x380, v4;
	v2 =	vor.u32 v5, v2  }
0x34b: {  	s23 =	sor.u32 $0xC10, s8;
	[tilespmem:s14+$0x10000] =	vst v0;
	v5 =	vand.u32 $0xFFFFF000, v6;
	v2 =	vor.u32 v4, v2  }
0x34c: {  	s24 =	sor.u32 $0xC10, s10;
	[tilespmem:s23+$0x10000] =	vst v0;
	v4 =	vld [tilespmem:s9+$0x2410];
	v2 =	vor.u32 v5, v2  }
0x34d: {  	s11 =	sor.u32 $0xC20, s8;
	[tilespmem:s24+$0x10000] =	vst v0;
	v5 =	vshra.s32 v3, $0x9;
	v6 =	vand.u32 $0x7F, v3;
	v3 =	vshll.u32 v3, $0x3  }
0x34e: {  	s13 =	sor.u32 $0xC20, s10;
	[tilespmem:s11+$0x10000] =	vst v0;
	v7 =	vsub.s32 v5, v1;
	v3 =	vand.u32 $0xC00, v3;
	v5 =	vshll.u32 v5, $0x7  }
0x34f: {  	s14 =	sor.u32 $0xC30, s8;
	[tilespmem:s13+$0x10000] =	vst v0;
	v7 =	vshll.u32 v7, $0x9;
	v5 =	vand.u32 $0x380, v5;
	v3 =	vor.u32 v6, v3  }
0x350: {  	[tilespmem:s14+$0x10000] =	vst v0;
	v6 =	vand.u32 $0xFFFFF000, v7;
	v3 =	vor.u32 v5, v3  }
0x351: {  	s23 =	sor.u32 $0xC30, s10;
	v5 =	vld [tilespmem:s31+$0x2040];
	v3 =	vor.u32 v6, v3;
	[tilespmem:v2+s22+$0x0] =	vst.idx.msk $0xffff, v4  }
0x352: {  	s24 =	sor.u32 $0xC40, s8;
	[tilespmem:s23+$0x10000] =	vst v0;
	v2 =	vld [tilespmem:s9+$0x6420]  }
0x353: {  	s11 =	sor.u32 $0xC40, s10;
	[tilespmem:s24+$0x10000] =	vst v0  }
0x354: {  	s13 =	sor.u32 $0xC50, s8;
	[tilespmem:s11+$0x10000] =	vst v0  }
0x355: {  	[tilespmem:s13+$0x10000] =	vst v0  }
0x356: {  	s14 =	sor.u32 $0xC50, s10;
	[tilespmem:v3+s22+$0x0] =	vst.idx.msk $0xffff, v5  }
0x357: {  	s23 =	sor.u32 $0xC60, s8;
	[tilespmem:s14+$0x10000] =	vst v0;
	v3 =	vld [tilespmem:s31+$0x6050];
	v4 =	vshra.s32 v2, $0x9;
	v5 =	vand.u32 $0x7F, v2;
	v2 =	vshll.u32 v2, $0x3  }
0x358: {  	s11 =	sor.u32 $0xC60, s10;
	[tilespmem:s23+$0x10000] =	vst v0;
	v6 =	vsub.s32 v4, v1;
	v2 =	vand.u32 $0xC00, v2;
	v4 =	vshll.u32 v4, $0x7  }
0x359: {  	s0 =	simm.s32 $0x100;
	s24 =	sor.u32 $0xC70, s8;
	[tilespmem:s11+$0x10000] =	vst v0;
	v6 =	vshll.u32 v6, $0x9;
	v4 =	vand.u32 $0x380, v4;
	v2 =	vor.u32 v5, v2  }
0x35a: {  	s2 =	sand.u32 $0x1800, s2;
	s10 =	sor.u32 $0xC70, s10;
	[tilespmem:s24+$0x10000] =	vst v0;
	s24 =	sand.u32 $0x380, s0;
	v5 =	vand.u32 $0xFFFFF000, v6;
	v2 =	vor.u32 v4, v2  }
0x35b: {  	s8 =	simm.s32 $0xC00;
	s14 =	simm.s32 $0x300;
	[tilespmem:s10+$0x10000] =	vst v0;
	s2 =	sor.u32 s24, s2;
	v4 =	vld [tilespmem:s9+$0x2420];
	v2 =	vor.u32 v5, v2  }
0x35c: {  	s13 =	sand.u32 $0x7000, s8;
	s23 =	sand.u32 $0x300, s14;
	v5 =	vld [tilespmem:s2+$0x6000];
	v6 =	vshra.s32 v3, $0x9;
	v7 =	vand.u32 $0x7F, v3;
	v3 =	vshll.u32 v3, $0x3  }
0x35d: {  	s11 =	sor.u32 s23, s13;
	v49 =	vsub.s32 v6, v1;
	v3 =	vand.u32 $0xC00, v3;
	v6 =	vshll.u32 v6, $0x7  }
0x35e: {  	[tilespmem:s11+$0x10000] =	vst v0;
	v8 =	vshll.u32 v49, $0x9;
	v6 =	vand.u32 $0x380, v6;
	v3 =	vor.u32 v7, v3  }
0x35f: {  	[tilespmem:s11+$0x10080] =	vst v0;
	v7 =	vand.u32 $0xFFFFF000, v8;
	v3 =	vor.u32 v6, v3  }
0x360: {  	v6 =	vld [tilespmem:s31+$0x2050];
	v3 =	vor.u32 v7, v3;
	[tilespmem:v2+s22+$0x0] =	vst.idx.msk $0xffff, v4  }
0x361: {  	[tilespmem:s11+$0x10010] =	vst v0;
	v2 =	vshra.s32 v5, $0x9;
	v4 =	vand.u32 $0x7F, v5;
	v5 =	vshll.u32 v5, $0x3;
	v7 =	vld [tilespmem:s9+$0x6430]  }
0x362: {  	[tilespmem:s11+$0x10090] =	vst v0;
	v50 =	vsub.s32 v2, v1;
	v5 =	vand.u32 $0xC00, v5;
	v2 =	vshll.u32 v2, $0x7  }
0x363: {  	[tilespmem:s11+$0x10020] =	vst v0;
	v8 =	vshll.u32 v50, $0x9;
	v2 =	vand.u32 $0x380, v2;
	v4 =	vor.u32 v4, v5  }
0x364: {  	[tilespmem:s11+$0x100A0] =	vst v0;
	v5 =	vand.u32 $0xFFFFF000, v8;
	v2 =	vor.u32 v2, v4  }
0x365: {  	v4 =	vld [tilespmem:s2+$0x2000];
	v2 =	vor.u32 v5, v2;
	[tilespmem:v3+s22+$0x0] =	vst.idx.msk $0xffff, v6  }
0x366: {  	[tilespmem:s11+$0x10030] =	vst v0;
	v3 =	vld [tilespmem:s31+$0x6060];
	v5 =	vshra.s32 v7, $0x9;
	v6 =	vand.u32 $0x7F, v7;
	v7 =	vshll.u32 v7, $0x3  }
0x367: {  	[tilespmem:s11+$0x100B0] =	vst v0;
	v51 =	vsub.s32 v5, v1;
	v7 =	vand.u32 $0xC00, v7;
	v5 =	vshll.u32 v5, $0x7  }
0x368: {  	[tilespmem:s11+$0x10040] =	vst v0;
	v8 =	vshll.u32 v51, $0x9;
	v5 =	vand.u32 $0x380, v5;
	v6 =	vor.u32 v6, v7  }
0x369: {  	[tilespmem:s11+$0x100C0] =	vst v0;
	v7 =	vand.u32 $0xFFFFF000, v8;
	v5 =	vor.u32 v5, v6  }
0x36a: {  	[tilespmem:v2+s22+$0x0] =	vst.idx.msk $0xffff, v4;
	v2 =	vld [tilespmem:s9+$0x2430];
	v4 =	vor.u32 v7, v5  }
0x36b: {  	[tilespmem:s11+$0x10050] =	vst v0;
	v5 =	vld [tilespmem:s2+$0x6010];
	v6 =	vshra.s32 v3, $0x9;
	v7 =	vand.u32 $0x7F, v3;
	v3 =	vshll.u32 v3, $0x3  }
0x36c: {  	[tilespmem:s11+$0x100D0] =	vst v0;
	v52 =	vsub.s32 v6, v1;
	v3 =	vand.u32 $0xC00, v3;
	v6 =	vshll.u32 v6, $0x7  }
0x36d: {  	[tilespmem:s11+$0x10060] =	vst v0;
	v8 =	vshll.u32 v52, $0x9;
	v6 =	vand.u32 $0x380, v6;
	v3 =	vor.u32 v7, v3  }
0x36e: {  	[tilespmem:s11+$0x100E0] =	vst v0;
	v7 =	vand.u32 $0xFFFFF000, v8;
	v3 =	vor.u32 v6, v3  }
0x36f: {  	v6 =	vld [tilespmem:s31+$0x2060];
	v3 =	vor.u32 v7, v3;
	[tilespmem:v4+s22+$0x0] =	vst.idx.msk $0xffff, v2  }
0x370: {  	[tilespmem:s11+$0x10070] =	vst v0;
	v2 =	vshra.s32 v5, $0x9;
	v4 =	vand.u32 $0x7F, v5;
	v5 =	vshll.u32 v5, $0x3;
	v7 =	vld [tilespmem:s9+$0x6440]  }
0x371: {  	[tilespmem:s11+$0x100F0] =	vst v0;
	v53 =	vsub.s32 v2, v1;
	v5 =	vand.u32 $0xC00, v5;
	v2 =	vshll.u32 v2, $0x7  }
0x372: {  	[tilespmem:s11+$0x10400] =	vst v0;
	v8 =	vshll.u32 v53, $0x9;
	v2 =	vand.u32 $0x380, v2;
	v4 =	vor.u32 v4, v5  }
0x373: {  	[tilespmem:s11+$0x10480] =	vst v0;
	v5 =	vand.u32 $0xFFFFF000, v8;
	v2 =	vor.u32 v2, v4  }
0x374: {  	v4 =	vld [tilespmem:s2+$0x2010];
	v2 =	vor.u32 v5, v2;
	[tilespmem:v3+s22+$0x0] =	vst.idx.msk $0xffff, v6  }
0x375: {  	[tilespmem:s11+$0x10410] =	vst v0;
	v3 =	vld [tilespmem:s31+$0x6070];
	v5 =	vshra.s32 v7, $0x9;
	v6 =	vand.u32 $0x7F, v7;
	v7 =	vshll.u32 v7, $0x3  }
0x376: {  	[tilespmem:s11+$0x10490] =	vst v0;
	v54 =	vsub.s32 v5, v1;
	v7 =	vand.u32 $0xC00, v7;
	v5 =	vshll.u32 v5, $0x7  }
0x377: {  	[tilespmem:s11+$0x10420] =	vst v0;
	v8 =	vshll.u32 v54, $0x9;
	v5 =	vand.u32 $0x380, v5;
	v6 =	vor.u32 v6, v7  }
0x378: {  	[tilespmem:s11+$0x104A0] =	vst v0;
	v7 =	vand.u32 $0xFFFFF000, v8;
	v5 =	vor.u32 v5, v6  }
0x379: {  	[tilespmem:v2+s22+$0x0] =	vst.idx.msk $0xffff, v4;
	v2 =	vld [tilespmem:s9+$0x2440];
	v4 =	vor.u32 v7, v5  }
0x37a: {  	[tilespmem:s11+$0x10430] =	vst v0;
	v5 =	vld [tilespmem:s2+$0x6020];
	v6 =	vshra.s32 v3, $0x9;
	v7 =	vand.u32 $0x7F, v3;
	v3 =	vshll.u32 v3, $0x3  }
0x37b: {  	[tilespmem:s11+$0x104B0] =	vst v0;
	v55 =	vsub.s32 v6, v1;
	v3 =	vand.u32 $0xC00, v3;
	v6 =	vshll.u32 v6, $0x7  }
0x37c: {  	[tilespmem:s11+$0x10440] =	vst v0;
	v8 =	vshll.u32 v55, $0x9;
	v6 =	vand.u32 $0x380, v6;
	v3 =	vor.u32 v7, v3  }
0x37d: {  	[tilespmem:s11+$0x104C0] =	vst v0;
	v7 =	vand.u32 $0xFFFFF000, v8;
	v3 =	vor.u32 v6, v3  }
0x37e: {  	v6 =	vld [tilespmem:s31+$0x2070];
	v3 =	vor.u32 v7, v3;
	[tilespmem:v4+s22+$0x0] =	vst.idx.msk $0xffff, v2  }
0x37f: {  	[tilespmem:s11+$0x10450] =	vst v0;
	v2 =	vshra.s32 v5, $0x9;
	v4 =	vand.u32 $0x7F, v5;
	v5 =	vshll.u32 v5, $0x3;
	v7 =	vld [tilespmem:s9+$0x6450]  }
0x380: {  	[tilespmem:s11+$0x104D0] =	vst v0;
	v56 =	vsub.s32 v2, v1;
	v5 =	vand.u32 $0xC00, v5;
	v2 =	vshll.u32 v2, $0x7  }
0x381: {  	[tilespmem:s11+$0x10460] =	vst v0;
	v8 =	vshll.u32 v56, $0x9;
	v2 =	vand.u32 $0x380, v2;
	v4 =	vor.u32 v4, v5  }
0x382: {  	[tilespmem:s11+$0x104E0] =	vst v0;
	v5 =	vand.u32 $0xFFFFF000, v8;
	v2 =	vor.u32 v2, v4  }
0x383: {  	v4 =	vld [tilespmem:s2+$0x2020];
	v2 =	vor.u32 v5, v2;
	[tilespmem:v3+s22+$0x0] =	vst.idx.msk $0xffff, v6  }
0x384: {  	[tilespmem:s11+$0x10470] =	vst v0;
	v3 =	vld [tilespmem:s31+$0x6400];
	v5 =	vshra.s32 v7, $0x9;
	v6 =	vand.u32 $0x7F, v7;
	v7 =	vshll.u32 v7, $0x3  }
0x385: {  	[tilespmem:s11+$0x104F0] =	vst v0;
	v57 =	vsub.s32 v5, v1;
	v7 =	vand.u32 $0xC00, v7;
	v5 =	vshll.u32 v5, $0x7  }
0x386: {  	[tilespmem:s11+$0x10800] =	vst v0;
	v8 =	vshll.u32 v57, $0x9;
	v5 =	vand.u32 $0x380, v5;
	v6 =	vor.u32 v6, v7  }
0x387: {  	[tilespmem:s11+$0x10880] =	vst v0;
	v7 =	vand.u32 $0xFFFFF000, v8;
	v5 =	vor.u32 v5, v6  }
0x388: {  	[tilespmem:v2+s22+$0x0] =	vst.idx.msk $0xffff, v4;
	v2 =	vld [tilespmem:s9+$0x2450];
	v4 =	vor.u32 v7, v5  }
0x389: {  	[tilespmem:s11+$0x10810] =	vst v0;
	v5 =	vld [tilespmem:s2+$0x6030];
	v6 =	vshra.s32 v3, $0x9;
	v7 =	vand.u32 $0x7F, v3;
	v3 =	vshll.u32 v3, $0x3  }
0x38a: {  	[tilespmem:s11+$0x10890] =	vst v0;
	v58 =	vsub.s32 v6, v1;
	v3 =	vand.u32 $0xC00, v3;
	v6 =	vshll.u32 v6, $0x7  }
0x38b: {  	[tilespmem:s11+$0x10820] =	vst v0;
	v8 =	vshll.u32 v58, $0x9;
	v6 =	vand.u32 $0x380, v6;
	v3 =	vor.u32 v7, v3  }
0x38c: {  	[tilespmem:s11+$0x108A0] =	vst v0;
	v7 =	vand.u32 $0xFFFFF000, v8;
	v3 =	vor.u32 v6, v3  }
0x38d: {  	v6 =	vld [tilespmem:s31+$0x2400];
	v3 =	vor.u32 v7, v3;
	[tilespmem:v4+s22+$0x0] =	vst.idx.msk $0xffff, v2  }
0x38e: {  	[tilespmem:s11+$0x10830] =	vst v0;
	v2 =	vshra.s32 v5, $0x9;
	v4 =	vand.u32 $0x7F, v5;
	v5 =	vshll.u32 v5, $0x3;
	v7 =	vld [tilespmem:s9+$0x6460]  }
0x38f: {  	[tilespmem:s11+$0x108B0] =	vst v0;
	v59 =	vsub.s32 v2, v1;
	v5 =	vand.u32 $0xC00, v5;
	v2 =	vshll.u32 v2, $0x7  }
0x390: {  	[tilespmem:s11+$0x10840] =	vst v0;
	v8 =	vshll.u32 v59, $0x9;
	v2 =	vand.u32 $0x380, v2;
	v4 =	vor.u32 v4, v5  }
0x391: {  	[tilespmem:s11+$0x108C0] =	vst v0;
	v5 =	vand.u32 $0xFFFFF000, v8;
	v2 =	vor.u32 v2, v4  }
0x392: {  	[tilespmem:s11+$0x10850] =	vst v0;
	v4 =	vld [tilespmem:s2+$0x2030];
	v2 =	vor.u32 v5, v2  }
0x393: {  	[tilespmem:v3+s22+$0x0] =	vst.idx.msk $0xffff, v6;
	v5 =	vshra.s32 v7, $0x9;
	v6 =	vand.u32 $0x7F, v7;
	v7 =	vshll.u32 v7, $0x3  }
0x394: {  	[tilespmem:s11+$0x108D0] =	vst v0;
	v3 =	vld [tilespmem:s31+$0x6410];
	v60 =	vsub.s32 v5, v1;
	v7 =	vand.u32 $0xC00, v7;
	v5 =	vshll.u32 v5, $0x7  }
0x395: {  	[tilespmem:s11+$0x10860] =	vst v0;
	s10 =	simm.s32 $0x3;
	v8 =	vshll.u32 v60, $0x9;
	v5 =	vand.u32 $0x380, v5;
	v6 =	vor.u32 v6, v7  }
0x396: {  	[tilespmem:s11+$0x108E0] =	vst v0;
	s23 =	sand.u32 $0x3, s10;
	v7 =	vand.u32 $0xFFFFF000, v8;
	v5 =	vor.u32 v5, v6  }
0x397: {  	s13 =	sshll.u32 s23, $0x8;
	[tilespmem:v2+s22+$0x0] =	vst.idx.msk $0xffff, v4;
	v2 =	vld [tilespmem:s9+$0x2460];
	v4 =	vor.u32 v7, v5  }
0x398: {  	[tilespmem:s11+$0x10870] =	vst v0;
	s23 =	sadd.s32 $0xC00, s13  }
0x399: {  	[tilespmem:s11+$0x108F0] =	vst v0;
	s24 =	sor.u32 $0xC00, s23;
	s13 =	sadd.s32 $0x80, s23;
	v5 =	vld [tilespmem:s2+$0x6040];
	v6 =	vshra.s32 v3, $0x9;
	v7 =	vand.u32 $0x7F, v3;
	v3 =	vshll.u32 v3, $0x3  }
0x39a: {  	[tilespmem:s24+$0x10000] =	vst v0;
	s24 =	sor.u32 $0xC00, s13;
	v61 =	vsub.s32 v6, v1;
	v3 =	vand.u32 $0xC00, v3;
	v6 =	vshll.u32 v6, $0x7  }
0x39b: {  	[tilespmem:s24+$0x10000] =	vst v0;
	v8 =	vshll.u32 v61, $0x9;
	v6 =	vand.u32 $0x380, v6;
	v3 =	vor.u32 v7, v3  }
0x39c: {  	s24 =	sor.u32 $0xC10, s23;
	v7 =	vand.u32 $0xFFFFF000, v8;
	v3 =	vor.u32 v6, v3;
	[tilespmem:v4+s22+$0x0] =	vst.idx.msk $0xffff, v2  }
0x39d: {  	[tilespmem:s24+$0x10000] =	vst v0;
	s24 =	sor.u32 $0xC10, s13;
	v3 =	vor.u32 v7, v3;
	v7 =	vld [tilespmem:s9+$0x6470]  }
0x39e: {  	[tilespmem:s24+$0x10000] =	vst v0;
	s24 =	sor.u32 $0xC20, s23;
	v6 =	vld [tilespmem:s31+$0x2410];
	v2 =	vshra.s32 v5, $0x9;
	v4 =	vand.u32 $0x7F, v5;
	v5 =	vshll.u32 v5, $0x3  }
0x39f: {  	[tilespmem:s24+$0x10000] =	vst v0;
	s24 =	sor.u32 $0xC20, s13;
	v62 =	vsub.s32 v2, v1;
	v5 =	vand.u32 $0xC00, v5;
	v2 =	vshll.u32 v2, $0x7  }
0x3a0: {  	[tilespmem:s24+$0x10000] =	vst v0;
	s24 =	sor.u32 $0xC30, s23;
	v8 =	vshll.u32 v62, $0x9;
	v2 =	vand.u32 $0x380, v2;
	v4 =	vor.u32 v4, v5  }
0x3a1: {  	[tilespmem:s24+$0x10000] =	vst v0;
	s24 =	sor.u32 $0xC30, s13;
	v5 =	vand.u32 $0xFFFFF000, v8;
	v2 =	vor.u32 v2, v4  }
0x3a2: {  	[tilespmem:s24+$0x10000] =	vst v0;
	v2 =	vor.u32 v5, v2;
	v5 =	vshll.u32 v7, $0x3  }
0x3a3: {  	s24 =	sor.u32 $0xC40, s23;
	v63 =	vld [tilespmem:s2+$0x2040];
	[tilespmem:v3+s22+$0x0] =	vst.idx.msk $0xffff, v6;
	v4 =	vand.u32 $0x7F, v7;
	v5 =	vand.u32 $0xC00, v5  }
0x3a4: {  	[tilespmem:s24+$0x10000] =	vst v0;
	s24 =	sor.u32 $0xC40, s13;
	v3 =	vshra.s32 v7, $0x9;
	v5 =	vor.u32 v4, v5;
	v4 =	vld [tilespmem:s31+$0x6420]  }
0x3a5: {  	[tilespmem:s24+$0x10000] =	vst v0;
	s24 =	sor.u32 $0xC50, s23;
	v6 =	vsub.s32 v3, v1;
	v3 =	vshll.u32 v3, $0x7  }
0x3a6: {  	[tilespmem:s24+$0x10000] =	vst v0;
	s24 =	sor.u32 $0xC50, s13;
	v6 =	vshll.u32 v6, $0x9;
	v3 =	vand.u32 $0x380, v3  }
0x3a7: {  	[tilespmem:s24+$0x10000] =	vst v0;
	v6 =	vand.u32 $0xFFFFF000, v6;
	v3 =	vor.u32 v3, v5  }
0x3a8: {  	s11 =	simm.s32 $0x400;
	s24 =	sor.u32 $0xC60, s23;
	[tilespmem:v2+s22+$0x0] =	vst.idx.msk $0xffff, v63;
	v2 =	vld [tilespmem:s9+$0x2470];
	v3 =	vor.u32 v6, v3  }
.LBB2_5:
0x3a9: {  	p0 =	sne.s32 s11, $0x1F00;
	[tilespmem:s24+$0x10000] =	vst v0;
	s24 =	sor.u32 $0xC60, s13;
	v5 =	vld [tilespmem:s2+$0x6050];
	v6 =	vshra.s32 v4, $0x9;
	v7 =	vand.u32 $0x7F, v4;
	v4 =	vshll.u32 v4, $0x3;
	s9 =	smov.u32 s2  }
0x3aa: {  	s2 =	sor.u32 $0xC70, s23;
	s0 =	sadd.s32 $0x80, s0;
	[tilespmem:s24+$0x10000] =	vst v0;
	v8 =	vsub.s32 v6, v1;
	v4 =	vand.u32 $0xC00, v4;
	v6 =	vshll.u32 v6, $0x7  }
0x3ab: {  	s14 =	sand.u32 $0x1800, s14;
	s8 =	sadd.s32 $0x400, s8;
	[tilespmem:s2+$0x10000] =	vst v0;
	s2 =	sor.u32 $0xC70, s13;
	v8 =	vshll.u32 v8, $0x9;
	v6 =	vand.u32 $0x380, v6;
	v4 =	vor.u32 v7, v4  }
0x3ac: {  	s23 =	sand.u32 $0x300, s11;
	s13 =	sand.u32 $0x7000, s8;
	[tilespmem:s2+$0x10000] =	vst v0;
	s2 =	sand.u32 $0x380, s0;
	v7 =	vand.u32 $0xFFFFF000, v8;
	v4 =	vor.u32 v6, v4  }
0x3ad: {  	s13 =	sor.u32 s23, s13;
	s2 =	sor.u32 s2, s14;
	v6 =	vld [tilespmem:s31+$0x2420];
	v4 =	vor.u32 v7, v4;
	[tilespmem:v3+s22+$0x0] =	vst.idx.msk $0xffff, v2;
	s14 =	smov.u32 s11  }
0x3ae: {  	[tilespmem:s13+$0x10000] =	vst v0;
	v2 =	vld [tilespmem:s2+$0x6000];
	v3 =	vshra.s32 v5, $0x9;
	v7 =	vand.u32 $0x7F, v5;
	v5 =	vshll.u32 v5, $0x3  }
0x3af: {  	[tilespmem:s13+$0x10080] =	vst v0;
	v8 =	vsub.s32 v3, v1;
	v5 =	vand.u32 $0xC00, v5;
	v3 =	vshll.u32 v3, $0x7  }
0x3b0: {  	[tilespmem:s13+$0x10010] =	vst v0;
	v8 =	vshll.u32 v8, $0x9;
	v3 =	vand.u32 $0x380, v3;
	v5 =	vor.u32 v7, v5  }
0x3b1: {  	[tilespmem:s13+$0x10090] =	vst v0;
	v7 =	vand.u32 $0xFFFFF000, v8;
	v3 =	vor.u32 v3, v5  }
0x3b2: {  	v5 =	vld [tilespmem:s9+$0x2050];
	v3 =	vor.u32 v7, v3;
	[tilespmem:v4+s22+$0x0] =	vst.idx.msk $0xffff, v6  }
0x3b3: {  	[tilespmem:s13+$0x10020] =	vst v0;
	v4 =	vshra.s32 v2, $0x9;
	v6 =	vand.u32 $0x7F, v2;
	v2 =	vshll.u32 v2, $0x3;
	v7 =	vld [tilespmem:s31+$0x6430]  }
0x3b4: {  	[tilespmem:s13+$0x100A0] =	vst v0;
	v8 =	vsub.s32 v4, v1;
	v2 =	vand.u32 $0xC00, v2;
	v4 =	vshll.u32 v4, $0x7  }
0x3b5: {  	[tilespmem:s13+$0x10030] =	vst v0;
	v8 =	vshll.u32 v8, $0x9;
	v4 =	vand.u32 $0x380, v4;
	v2 =	vor.u32 v6, v2  }
0x3b6: {  	[tilespmem:s13+$0x100B0] =	vst v0;
	v6 =	vand.u32 $0xFFFFF000, v8;
	v2 =	vor.u32 v4, v2  }
0x3b7: {  	v4 =	vld [tilespmem:s2+$0x2000];
	v2 =	vor.u32 v6, v2;
	[tilespmem:v3+s22+$0x0] =	vst.idx.msk $0xffff, v5  }
0x3b8: {  	[tilespmem:s13+$0x10040] =	vst v0;
	v3 =	vld [tilespmem:s9+$0x6060];
	v5 =	vshra.s32 v7, $0x9;
	v6 =	vand.u32 $0x7F, v7;
	v7 =	vshll.u32 v7, $0x3  }
0x3b9: {  	[tilespmem:s13+$0x100C0] =	vst v0;
	v8 =	vsub.s32 v5, v1;
	v7 =	vand.u32 $0xC00, v7;
	v5 =	vshll.u32 v5, $0x7  }
0x3ba: {  	[tilespmem:s13+$0x10050] =	vst v0;
	v8 =	vshll.u32 v8, $0x9;
	v5 =	vand.u32 $0x380, v5;
	v6 =	vor.u32 v6, v7  }
0x3bb: {  	[tilespmem:s13+$0x100D0] =	vst v0;
	v7 =	vand.u32 $0xFFFFF000, v8;
	v5 =	vor.u32 v5, v6  }
0x3bc: {  	[tilespmem:v2+s22+$0x0] =	vst.idx.msk $0xffff, v4;
	v2 =	vld [tilespmem:s31+$0x2430];
	v4 =	vor.u32 v7, v5  }
0x3bd: {  	[tilespmem:s13+$0x10060] =	vst v0;
	v5 =	vld [tilespmem:s2+$0x6010];
	v6 =	vshra.s32 v3, $0x9;
	v7 =	vand.u32 $0x7F, v3;
	v3 =	vshll.u32 v3, $0x3  }
0x3be: {  	[tilespmem:s13+$0x100E0] =	vst v0;
	v8 =	vsub.s32 v6, v1;
	v3 =	vand.u32 $0xC00, v3;
	v6 =	vshll.u32 v6, $0x7  }
0x3bf: {  	[tilespmem:s13+$0x10070] =	vst v0;
	v8 =	vshll.u32 v8, $0x9;
	v6 =	vand.u32 $0x380, v6;
	v3 =	vor.u32 v7, v3  }
0x3c0: {  	[tilespmem:s13+$0x100F0] =	vst v0;
	v7 =	vand.u32 $0xFFFFF000, v8;
	v3 =	vor.u32 v6, v3  }
0x3c1: {  	v6 =	vld [tilespmem:s9+$0x2060];
	v3 =	vor.u32 v7, v3;
	[tilespmem:v4+s22+$0x0] =	vst.idx.msk $0xffff, v2  }
0x3c2: {  	[tilespmem:s13+$0x10400] =	vst v0;
	v2 =	vshra.s32 v5, $0x9;
	v4 =	vand.u32 $0x7F, v5;
	v5 =	vshll.u32 v5, $0x3;
	v7 =	vld [tilespmem:s31+$0x6440]  }
0x3c3: {  	[tilespmem:s13+$0x10480] =	vst v0;
	v8 =	vsub.s32 v2, v1;
	v5 =	vand.u32 $0xC00, v5;
	v2 =	vshll.u32 v2, $0x7  }
0x3c4: {  	[tilespmem:s13+$0x10410] =	vst v0;
	v8 =	vshll.u32 v8, $0x9;
	v2 =	vand.u32 $0x380, v2;
	v4 =	vor.u32 v4, v5  }
0x3c5: {  	[tilespmem:s13+$0x10490] =	vst v0;
	v5 =	vand.u32 $0xFFFFF000, v8;
	v2 =	vor.u32 v2, v4  }
0x3c6: {  	v4 =	vld [tilespmem:s2+$0x2010];
	v2 =	vor.u32 v5, v2;
	[tilespmem:v3+s22+$0x0] =	vst.idx.msk $0xffff, v6  }
0x3c7: {  	[tilespmem:s13+$0x10420] =	vst v0;
	v3 =	vld [tilespmem:s9+$0x6070];
	v5 =	vshra.s32 v7, $0x9;
	v6 =	vand.u32 $0x7F, v7;
	v7 =	vshll.u32 v7, $0x3  }
0x3c8: {  	[tilespmem:s13+$0x104A0] =	vst v0;
	v8 =	vsub.s32 v5, v1;
	v7 =	vand.u32 $0xC00, v7;
	v5 =	vshll.u32 v5, $0x7  }
0x3c9: {  	[tilespmem:s13+$0x10430] =	vst v0;
	v8 =	vshll.u32 v8, $0x9;
	v5 =	vand.u32 $0x380, v5;
	v6 =	vor.u32 v6, v7  }
0x3ca: {  	[tilespmem:s13+$0x104B0] =	vst v0;
	v7 =	vand.u32 $0xFFFFF000, v8;
	v5 =	vor.u32 v5, v6  }
0x3cb: {  	[tilespmem:v2+s22+$0x0] =	vst.idx.msk $0xffff, v4;
	v2 =	vld [tilespmem:s31+$0x2440];
	v4 =	vor.u32 v7, v5  }
0x3cc: {  	[tilespmem:s13+$0x10440] =	vst v0;
	v5 =	vld [tilespmem:s2+$0x6020];
	v6 =	vshra.s32 v3, $0x9;
	v7 =	vand.u32 $0x7F, v3;
	v3 =	vshll.u32 v3, $0x3  }
0x3cd: {  	[tilespmem:s13+$0x104C0] =	vst v0;
	v8 =	vsub.s32 v6, v1;
	v3 =	vand.u32 $0xC00, v3;
	v6 =	vshll.u32 v6, $0x7  }
0x3ce: {  	[tilespmem:s13+$0x10450] =	vst v0;
	v8 =	vshll.u32 v8, $0x9;
	v6 =	vand.u32 $0x380, v6;
	v3 =	vor.u32 v7, v3  }
0x3cf: {  	[tilespmem:s13+$0x104D0] =	vst v0;
	v7 =	vand.u32 $0xFFFFF000, v8;
	v3 =	vor.u32 v6, v3  }
0x3d0: {  	v6 =	vld [tilespmem:s9+$0x2070];
	v3 =	vor.u32 v7, v3;
	[tilespmem:v4+s22+$0x0] =	vst.idx.msk $0xffff, v2  }
0x3d1: {  	[tilespmem:s13+$0x10460] =	vst v0;
	v2 =	vshra.s32 v5, $0x9;
	v4 =	vand.u32 $0x7F, v5;
	v5 =	vshll.u32 v5, $0x3;
	v7 =	vld [tilespmem:s31+$0x6450]  }
0x3d2: {  	[tilespmem:s13+$0x104E0] =	vst v0;
	v8 =	vsub.s32 v2, v1;
	v5 =	vand.u32 $0xC00, v5;
	v2 =	vshll.u32 v2, $0x7  }
0x3d3: {  	[tilespmem:s13+$0x10470] =	vst v0;
	v8 =	vshll.u32 v8, $0x9;
	v2 =	vand.u32 $0x380, v2;
	v4 =	vor.u32 v4, v5  }
0x3d4: {  	[tilespmem:s13+$0x104F0] =	vst v0;
	v5 =	vand.u32 $0xFFFFF000, v8;
	v2 =	vor.u32 v2, v4  }
0x3d5: {  	v4 =	vld [tilespmem:s2+$0x2020];
	v2 =	vor.u32 v5, v2;
	[tilespmem:v3+s22+$0x0] =	vst.idx.msk $0xffff, v6  }
0x3d6: {  	[tilespmem:s13+$0x10800] =	vst v0;
	v3 =	vld [tilespmem:s9+$0x6400];
	v5 =	vshra.s32 v7, $0x9;
	v6 =	vand.u32 $0x7F, v7;
	v7 =	vshll.u32 v7, $0x3  }
0x3d7: {  	[tilespmem:s13+$0x10880] =	vst v0;
	v8 =	vsub.s32 v5, v1;
	v7 =	vand.u32 $0xC00, v7;
	v5 =	vshll.u32 v5, $0x7  }
0x3d8: {  	[tilespmem:s13+$0x10810] =	vst v0;
	v8 =	vshll.u32 v8, $0x9;
	v5 =	vand.u32 $0x380, v5;
	v6 =	vor.u32 v6, v7  }
0x3d9: {  	[tilespmem:s13+$0x10890] =	vst v0;
	v7 =	vand.u32 $0xFFFFF000, v8;
	v5 =	vor.u32 v5, v6  }
0x3da: {  	[tilespmem:v2+s22+$0x0] =	vst.idx.msk $0xffff, v4;
	v2 =	vld [tilespmem:s31+$0x2450];
	v4 =	vor.u32 v7, v5  }
0x3db: {  	[tilespmem:s13+$0x10820] =	vst v0;
	v5 =	vld [tilespmem:s2+$0x6030];
	v6 =	vshra.s32 v3, $0x9;
	v7 =	vand.u32 $0x7F, v3;
	v3 =	vshll.u32 v3, $0x3  }
0x3dc: {  	[tilespmem:s13+$0x108A0] =	vst v0;
	v8 =	vsub.s32 v6, v1;
	v3 =	vand.u32 $0xC00, v3;
	v6 =	vshll.u32 v6, $0x7  }
0x3dd: {  	[tilespmem:s13+$0x10830] =	vst v0;
	v8 =	vshll.u32 v8, $0x9;
	v6 =	vand.u32 $0x380, v6;
	v3 =	vor.u32 v7, v3  }
0x3de: {  	[tilespmem:s13+$0x108B0] =	vst v0;
	v7 =	vand.u32 $0xFFFFF000, v8;
	v3 =	vor.u32 v6, v3  }
0x3df: {  	v6 =	vld [tilespmem:s9+$0x2400];
	v3 =	vor.u32 v7, v3;
	[tilespmem:v4+s22+$0x0] =	vst.idx.msk $0xffff, v2  }
0x3e0: {  	[tilespmem:s13+$0x10840] =	vst v0;
	v2 =	vshra.s32 v5, $0x9;
	v4 =	vand.u32 $0x7F, v5;
	v5 =	vshll.u32 v5, $0x3;
	v7 =	vld [tilespmem:s31+$0x6460]  }
0x3e1: {  	[tilespmem:s13+$0x108C0] =	vst v0;
	v8 =	vsub.s32 v2, v1;
	v5 =	vand.u32 $0xC00, v5;
	v2 =	vshll.u32 v2, $0x7  }
0x3e2: {  	[tilespmem:s13+$0x10850] =	vst v0;
	v8 =	vshll.u32 v8, $0x9;
	v2 =	vand.u32 $0x380, v2;
	v4 =	vor.u32 v4, v5  }
0x3e3: {  	[tilespmem:s13+$0x108D0] =	vst v0;
	v5 =	vand.u32 $0xFFFFF000, v8;
	v2 =	vor.u32 v2, v4  }
0x3e4: {  	v4 =	vld [tilespmem:s2+$0x2030];
	v2 =	vor.u32 v5, v2;
	[tilespmem:v3+s22+$0x0] =	vst.idx.msk $0xffff, v6  }
0x3e5: {  	s10 =	sadd.s32 $0x1, s10;
	[tilespmem:s13+$0x10860] =	vst v0;
	v3 =	vld [tilespmem:s9+$0x6410];
	v5 =	vshra.s32 v7, $0x9;
	v6 =	vand.u32 $0x7F, v7;
	v7 =	vshll.u32 v7, $0x3  }
0x3e6: {  	s23 =	sand.u32 $0x3, s10;
	[tilespmem:s13+$0x108E0] =	vst v0;
	v8 =	vsub.s32 v5, v1;
	v7 =	vand.u32 $0xC00, v7;
	v5 =	vshll.u32 v5, $0x7  }
0x3e7: {  	s23 =	sshll.u32 s23, $0x8;
	[tilespmem:s13+$0x10870] =	vst v0;
	v8 =	vshll.u32 v8, $0x9;
	v5 =	vand.u32 $0x380, v5;
	v6 =	vor.u32 v6, v7  }
0x3e8: {  	s23 =	sadd.s32 s23, s8;
	[tilespmem:s13+$0x108F0] =	vst v0;
	v7 =	vand.u32 $0xFFFFF000, v8;
	v5 =	vor.u32 v5, v6  }
0x3e9: {  	s24 =	sor.u32 $0xC00, s23;
	s13 =	sadd.s32 $0x80, s23;
	[tilespmem:v2+s22+$0x0] =	vst.idx.msk $0xffff, v4;
	v2 =	vld [tilespmem:s31+$0x2460];
	v4 =	vor.u32 v7, v5  }
0x3ea: {  	[tilespmem:s24+$0x10000] =	vst v0;
	s24 =	sor.u32 $0xC00, s13;
	v5 =	vld [tilespmem:s2+$0x6040];
	v6 =	vshra.s32 v3, $0x9;
	v7 =	vand.u32 $0x7F, v3;
	v3 =	vshll.u32 v3, $0x3  }
0x3eb: {  	[tilespmem:s24+$0x10000] =	vst v0;
	s24 =	sor.u32 $0xC10, s23;
	v8 =	vsub.s32 v6, v1;
	v3 =	vand.u32 $0xC00, v3;
	v6 =	vshll.u32 v6, $0x7  }
0x3ec: {  	[tilespmem:s24+$0x10000] =	vst v0;
	s24 =	sor.u32 $0xC10, s13;
	v8 =	vshll.u32 v8, $0x9;
	v6 =	vand.u32 $0x380, v6;
	v3 =	vor.u32 v7, v3  }
0x3ed: {  	[tilespmem:s24+$0x10000] =	vst v0;
	v7 =	vand.u32 $0xFFFFF000, v8;
	v3 =	vor.u32 v6, v3  }
0x3ee: {  	s24 =	sor.u32 $0xC20, s23;
	v6 =	vld [tilespmem:s9+$0x2410];
	v3 =	vor.u32 v7, v3;
	[tilespmem:v4+s22+$0x0] =	vst.idx.msk $0xffff, v2  }
0x3ef: {  	[tilespmem:s24+$0x10000] =	vst v0;
	s24 =	sor.u32 $0xC20, s13;
	v2 =	vshra.s32 v5, $0x9;
	v4 =	vand.u32 $0x7F, v5;
	v5 =	vshll.u32 v5, $0x3;
	v7 =	vld [tilespmem:s31+$0x6470]  }
0x3f0: {  	[tilespmem:s24+$0x10000] =	vst v0;
	s24 =	sor.u32 $0xC30, s23;
	v8 =	vsub.s32 v2, v1;
	v5 =	vand.u32 $0xC00, v5;
	v2 =	vshll.u32 v2, $0x7  }
0x3f1: {  	[tilespmem:s24+$0x10000] =	vst v0;
	s24 =	sor.u32 $0xC30, s13;
	v8 =	vshll.u32 v8, $0x9;
	v2 =	vand.u32 $0x380, v2;
	v4 =	vor.u32 v4, v5  }
0x3f2: {  	[tilespmem:s24+$0x10000] =	vst v0;
	v5 =	vand.u32 $0xFFFFF000, v8;
	v2 =	vor.u32 v2, v4  }
0x3f3: {  	s24 =	sor.u32 $0xC40, s23;
	v8 =	vld [tilespmem:s2+$0x2040];
	v2 =	vor.u32 v5, v2;
	[tilespmem:v3+s22+$0x0] =	vst.idx.msk $0xffff, v6  }
.Ltmp3:
0x3f4: {  	[tilespmem:s24+$0x10000] =	vst v0;
	s24 =	sor.u32 $0xC40, s13;
	v4 =	vld [tilespmem:s9+$0x6420];
	v3 =	vshra.s32 v7, $0x9;
	v5 =	vand.u32 $0x7F, v7;
	v6 =	vshll.u32 v7, $0x3;
	(pc) =	sbr.rel @p0 .LBB2_5-.Ltmp3, $4  }
0x3f5: {  	[tilespmem:s24+$0x10000] =	vst v0;
	s24 =	sor.u32 $0xC50, s23;
	v7 =	vsub.s32 v3, v1;
	v6 =	vand.u32 $0xC00, v6;
	v3 =	vshll.u32 v3, $0x7  }
0x3f6: {  	[tilespmem:s24+$0x10000] =	vst v0;
	s24 =	sor.u32 $0xC50, s13;
	v7 =	vshll.u32 v7, $0x9;
	v3 =	vand.u32 $0x380, v3;
	v5 =	vor.u32 v5, v6  }
0x3f7: {  	[tilespmem:s24+$0x10000] =	vst v0;
	v6 =	vand.u32 $0xFFFFF000, v7;
	v3 =	vor.u32 v3, v5  }
0x3f8: {  	s11 =	sadd.s32 $0x100, s11;
	s24 =	sor.u32 $0xC60, s23;
	[tilespmem:v2+s22+$0x0] =	vst.idx.msk $0xffff, v8;
	v2 =	vld [tilespmem:s31+$0x2470];
	v3 =	vor.u32 v6, v3;
	s31 =	smov.u32 s9  }
0x3f9: {  	[tilespmem:s24+$0x10000] =	vst v0;
	s8 =	sor.u32 $0xC60, s13  }
0x3fa: {  	s23 =	sor.u32 $0xC70, s23;
	s0 =	sadd.s32 $0x80, s0;
	[tilespmem:s8+$0x10000] =	vst v0  }
0x3fb: {  	s24 =	sor.u32 $0xC70, s13;
	s9 =	sand.u32 $0x1800, s14;
	s0 =	sand.u32 $0x380, s0;
	[tilespmem:s23+$0x10000] =	vst v0  }
0x3fc: {  	s0 =	sor.u32 s0, s9;
	[tilespmem:s24+$0x10000] =	vst v0  }
0x3fd: {  	v5 =	vld [tilespmem:s0+$0x6000];
	_ =	sdelay $0x4  }
0x3fe: {  	v6 =	vshra.s32 v5, $0x9;
	v7 =	vand.u32 $0x7F, v5;
	v5 =	vshll.u32 v5, $0x3  }
0x3ff: {  	v8 =	vsub.s32 v6, v1;
	v5 =	vand.u32 $0xC00, v5;
	v6 =	vshll.u32 v6, $0x7  }
0x400: {  	v8 =	vshll.u32 v8, $0x9;
	v6 =	vand.u32 $0x380, v6;
	v5 =	vor.u32 v7, v5  }
0x401: {  	v26 =	vand.u32 $0xFFFFF000, v8;
	v5 =	vor.u32 v6, v5  }
0x402: {  	v27 =	vld [tilespmem:s0+$0x2000];
	v5 =	vor.u32 v26, v5;
	_ =	sdelay $0x4  }
0x403: {  	[tilespmem:v5+s22+$0x0] =	vst.idx.msk $0xffff, v27  }
0x404: {  	v5 =	vld [tilespmem:s0+$0x6010];
	_ =	sdelay $0x4  }
0x405: {  	v28 =	vshra.s32 v5, $0x9;
	v29 =	vand.u32 $0x7F, v5;
	v5 =	vshll.u32 v5, $0x3  }
0x406: {  	v30 =	vsub.s32 v28, v1;
	v5 =	vand.u32 $0xC00, v5;
	v6 =	vshll.u32 v28, $0x7  }
0x407: {  	v8 =	vshll.u32 v30, $0x9;
	v6 =	vand.u32 $0x380, v6;
	v5 =	vor.u32 v29, v5  }
0x408: {  	v31 =	vand.u32 $0xFFFFF000, v8;
	v5 =	vor.u32 v6, v5  }
0x409: {  	v32 =	vld [tilespmem:s0+$0x2010];
	v5 =	vor.u32 v31, v5;
	_ =	sdelay $0x4  }
0x40a: {  	[tilespmem:v5+s22+$0x0] =	vst.idx.msk $0xffff, v32  }
0x40b: {  	v5 =	vld [tilespmem:s0+$0x6020];
	_ =	sdelay $0x4  }
0x40c: {  	v33 =	vshra.s32 v5, $0x9;
	v34 =	vand.u32 $0x7F, v5;
	v5 =	vshll.u32 v5, $0x3  }
0x40d: {  	v35 =	vsub.s32 v33, v1;
	v5 =	vand.u32 $0xC00, v5;
	v6 =	vshll.u32 v33, $0x7  }
0x40e: {  	v8 =	vshll.u32 v35, $0x9;
	v6 =	vand.u32 $0x380, v6;
	v5 =	vor.u32 v34, v5  }
0x40f: {  	v36 =	vand.u32 $0xFFFFF000, v8;
	v5 =	vor.u32 v6, v5  }
0x410: {  	v37 =	vld [tilespmem:s0+$0x2020];
	v5 =	vor.u32 v36, v5;
	_ =	sdelay $0x4  }
0x411: {  	[tilespmem:v5+s22+$0x0] =	vst.idx.msk $0xffff, v37  }
0x412: {  	v5 =	vld [tilespmem:s0+$0x6030];
	_ =	sdelay $0x4  }
0x413: {  	v38 =	vshra.s32 v5, $0x9;
	v39 =	vand.u32 $0x7F, v5;
	v5 =	vshll.u32 v5, $0x3  }
0x414: {  	v40 =	vsub.s32 v38, v1;
	v5 =	vand.u32 $0xC00, v5;
	v6 =	vshll.u32 v38, $0x7  }
0x415: {  	v8 =	vshll.u32 v40, $0x9;
	v6 =	vand.u32 $0x380, v6;
	v5 =	vor.u32 v39, v5  }
0x416: {  	v41 =	vand.u32 $0xFFFFF000, v8;
	v5 =	vor.u32 v6, v5  }
0x417: {  	v42 =	vld [tilespmem:s0+$0x2030];
	v5 =	vor.u32 v41, v5;
	_ =	sdelay $0x4  }
0x418: {  	[tilespmem:v5+s22+$0x0] =	vst.idx.msk $0xffff, v42  }
0x419: {  	v5 =	vld [tilespmem:s0+$0x6040];
	_ =	sdelay $0x4  }
0x41a: {  	v43 =	vshra.s32 v5, $0x9;
	v44 =	vand.u32 $0x7F, v5;
	v5 =	vshll.u32 v5, $0x3  }
0x41b: {  	v45 =	vsub.s32 v43, v1;
	v5 =	vand.u32 $0xC00, v5;
	v6 =	vshll.u32 v43, $0x7  }
0x41c: {  	v8 =	vshll.u32 v45, $0x9;
	v6 =	vand.u32 $0x380, v6;
	v5 =	vor.u32 v44, v5  }
0x41d: {  	v46 =	vand.u32 $0xFFFFF000, v8;
	v5 =	vor.u32 v6, v5  }
0x41e: {  	v47 =	vld [tilespmem:s0+$0x2040];
	v5 =	vor.u32 v46, v5  }
0x41f: {  	v48 =	vld [tilespmem:s2+$0x6050];
	_ =	sdelay $0x3  }
0x420: {  	[tilespmem:v5+s22+$0x0] =	vst.idx.msk $0xffff, v47  }
0x421: {  	v49 =	vshra.s32 v48, $0x9;
	v50 =	vand.u32 $0x7F, v48;
	v7 =	vshll.u32 v48, $0x3;
	v51 =	vld [tilespmem:s0+$0x6050]  }
0x422: {  	v9 =	vsub.s32 v49, v1;
	v7 =	vand.u32 $0xC00, v7;
	v5 =	vshll.u32 v49, $0x7  }
0x423: {  	v9 =	vshll.u32 v9, $0x9;
	v6 =	vor.u32 v50, v7;
	v5 =	vand.u32 $0x380, v5  }
0x424: {  	v52 =	vand.u32 $0xFFFFF000, v9;
	v5 =	vor.u32 v5, v6  }
0x425: {  	v53 =	vld [tilespmem:s2+$0x2050];
	v5 =	vor.u32 v52, v5  }
0x426: {  	v54 =	vshra.s32 v51, $0x9;
	v55 =	vand.u32 $0x7F, v51;
	v8 =	vshll.u32 v51, $0x3  }
0x427: {  	v10 =	vsub.s32 v54, v1;
	v8 =	vand.u32 $0xC00, v8;
	v7 =	vshll.u32 v54, $0x7  }
0x428: {  	v10 =	vshll.u32 v10, $0x9;
	v7 =	vand.u32 $0x380, v7;
	v8 =	vor.u32 v55, v8  }
0x429: {  	v56 =	vand.u32 $0xFFFFF000, v10;
	v7 =	vor.u32 v7, v8  }
0x42a: {  	v57 =	vld [tilespmem:s0+$0x2050];
	[tilespmem:v5+s22+$0x0] =	vst.idx.msk $0xffff, v53;
	v58 =	vor.u32 v56, v7  }
0x42b: {  	v59 =	vld [tilespmem:s2+$0x6060];
	_ =	sdelay $0x3  }
0x42c: {  	[tilespmem:v58+s22+$0x0] =	vst.idx.msk $0xffff, v57  }
0x42d: {  	v60 =	vshra.s32 v59, $0x9;
	v61 =	vand.u32 $0x7F, v59;
	v7 =	vshll.u32 v59, $0x3;
	v62 =	vld [tilespmem:s0+$0x6060]  }
0x42e: {  	v63 =	vsub.s32 v60, v1;
	v7 =	vand.u32 $0xC00, v7;
	v5 =	vshll.u32 v60, $0x7  }
0x42f: {  	v9 =	vshll.u32 v63, $0x9;
	v5 =	vand.u32 $0x380, v5;
	v6 =	vor.u32 v61, v7  }
0x430: {  	v11 =	vand.u32 $0xFFFFF000, v9;
	v5 =	vor.u32 v5, v6  }
0x431: {  	v12 =	vld [tilespmem:s2+$0x2060];
	v5 =	vor.u32 v11, v5  }
0x432: {  	v13 =	vshra.s32 v62, $0x9;
	v14 =	vand.u32 $0x7F, v62;
	v8 =	vshll.u32 v62, $0x3  }
0x433: {  	v15 =	vsub.s32 v13, v1;
	v8 =	vand.u32 $0xC00, v8;
	v7 =	vshll.u32 v13, $0x7  }
0x434: {  	v10 =	vshll.u32 v15, $0x9;
	v7 =	vand.u32 $0x380, v7;
	v8 =	vor.u32 v14, v8  }
0x435: {  	v16 =	vand.u32 $0xFFFFF000, v10;
	v7 =	vor.u32 v7, v8  }
0x436: {  	v17 =	vld [tilespmem:s0+$0x2060];
	[tilespmem:v5+s22+$0x0] =	vst.idx.msk $0xffff, v12;
	v18 =	vor.u32 v16, v7  }
0x437: {  	v19 =	vld [tilespmem:s2+$0x6070];
	_ =	sdelay $0x3  }
0x438: {  	[tilespmem:v18+s22+$0x0] =	vst.idx.msk $0xffff, v17  }
0x439: {  	v20 =	vshra.s32 v19, $0x9;
	v21 =	vand.u32 $0x7F, v19;
	v7 =	vshll.u32 v19, $0x3;
	v22 =	vld [tilespmem:s0+$0x6070]  }
0x43a: {  	v23 =	vsub.s32 v20, v1;
	v7 =	vand.u32 $0xC00, v7;
	v5 =	vshll.u32 v20, $0x7  }
0x43b: {  	v9 =	vshll.u32 v23, $0x9;
	v5 =	vand.u32 $0x380, v5;
	v6 =	vor.u32 v21, v7  }
0x43c: {  	v24 =	vand.u32 $0xFFFFF000, v9;
	v5 =	vor.u32 v5, v6  }
0x43d: {  	v25 =	vld [tilespmem:s2+$0x2070];
	v5 =	vor.u32 v24, v5  }
0x43e: {  	v26 =	vshra.s32 v22, $0x9;
	v27 =	vand.u32 $0x7F, v22;
	v8 =	vshll.u32 v22, $0x3  }
0x43f: {  	v28 =	vsub.s32 v26, v1;
	v8 =	vand.u32 $0xC00, v8;
	v7 =	vshll.u32 v26, $0x7  }
0x440: {  	v10 =	vshll.u32 v28, $0x9;
	v7 =	vand.u32 $0x380, v7;
	v8 =	vor.u32 v27, v8  }
0x441: {  	v29 =	vand.u32 $0xFFFFF000, v10;
	v7 =	vor.u32 v7, v8  }
0x442: {  	v30 =	vld [tilespmem:s0+$0x2070];
	[tilespmem:v5+s22+$0x0] =	vst.idx.msk $0xffff, v25;
	v31 =	vor.u32 v29, v7  }
0x443: {  	v32 =	vld [tilespmem:s2+$0x6400];
	_ =	sdelay $0x3  }
0x444: {  	[tilespmem:v31+s22+$0x0] =	vst.idx.msk $0xffff, v30  }
0x445: {  	v33 =	vshra.s32 v32, $0x9;
	v34 =	vand.u32 $0x7F, v32;
	v7 =	vshll.u32 v32, $0x3;
	v35 =	vld [tilespmem:s0+$0x6400]  }
0x446: {  	v36 =	vsub.s32 v33, v1;
	v7 =	vand.u32 $0xC00, v7;
	v5 =	vshll.u32 v33, $0x7  }
0x447: {  	v9 =	vshll.u32 v36, $0x9;
	v5 =	vand.u32 $0x380, v5;
	v6 =	vor.u32 v34, v7  }
0x448: {  	v37 =	vand.u32 $0xFFFFF000, v9;
	v5 =	vor.u32 v5, v6  }
0x449: {  	v38 =	vld [tilespmem:s2+$0x2400];
	v5 =	vor.u32 v37, v5  }
0x44a: {  	v39 =	vshra.s32 v35, $0x9;
	v40 =	vand.u32 $0x7F, v35;
	v8 =	vshll.u32 v35, $0x3  }
0x44b: {  	v41 =	vsub.s32 v39, v1;
	v8 =	vand.u32 $0xC00, v8;
	v7 =	vshll.u32 v39, $0x7  }
0x44c: {  	v10 =	vshll.u32 v41, $0x9;
	v7 =	vand.u32 $0x380, v7;
	v8 =	vor.u32 v40, v8  }
0x44d: {  	v42 =	vand.u32 $0xFFFFF000, v10;
	v7 =	vor.u32 v7, v8  }
0x44e: {  	v43 =	vld [tilespmem:s0+$0x2400];
	[tilespmem:v5+s22+$0x0] =	vst.idx.msk $0xffff, v38;
	v44 =	vor.u32 v42, v7  }
0x44f: {  	v45 =	vld [tilespmem:s2+$0x6410];
	_ =	sdelay $0x3  }
0x450: {  	[tilespmem:v44+s22+$0x0] =	vst.idx.msk $0xffff, v43  }
0x451: {  	v46 =	vshra.s32 v45, $0x9;
	v47 =	vand.u32 $0x7F, v45;
	v7 =	vshll.u32 v45, $0x3;
	v48 =	vld [tilespmem:s0+$0x6410]  }
0x452: {  	v49 =	vsub.s32 v46, v1;
	v7 =	vand.u32 $0xC00, v7;
	v5 =	vshll.u32 v46, $0x7  }
0x453: {  	v9 =	vshll.u32 v49, $0x9;
	v5 =	vand.u32 $0x380, v5;
	v6 =	vor.u32 v47, v7  }
0x454: {  	v50 =	vand.u32 $0xFFFFF000, v9;
	v5 =	vor.u32 v5, v6  }
0x455: {  	v51 =	vld [tilespmem:s2+$0x2410];
	v5 =	vor.u32 v50, v5  }
0x456: {  	v52 =	vshra.s32 v48, $0x9;
	v53 =	vand.u32 $0x7F, v48;
	v8 =	vshll.u32 v48, $0x3  }
0x457: {  	v54 =	vsub.s32 v52, v1;
	v8 =	vand.u32 $0xC00, v8;
	v7 =	vshll.u32 v52, $0x7  }
0x458: {  	v10 =	vshll.u32 v54, $0x9;
	v7 =	vand.u32 $0x380, v7;
	v8 =	vor.u32 v53, v8  }
0x459: {  	v55 =	vand.u32 $0xFFFFF000, v10;
	v7 =	vor.u32 v7, v8  }
0x45a: {  	v56 =	vld [tilespmem:s0+$0x2410];
	[tilespmem:v5+s22+$0x0] =	vst.idx.msk $0xffff, v51;
	v57 =	vor.u32 v55, v7  }
0x45b: {  	v59 =	vand.u32 $0x7F, v4;
	v58 =	vshra.s32 v4, $0x9;
	v60 =	vshll.u32 v4, $0x3;
	v61 =	vld [tilespmem:s2+$0x6420]  }
0x45c: {  	v4 =	vand.u32 $0xC00, v60;
	v62 =	vsub.s32 v58, v1;
	v7 =	vshll.u32 v58, $0x7  }
0x45d: {  	v4 =	vor.u32 v59, v4;
	v10 =	vshll.u32 v62, $0x9;
	v7 =	vand.u32 $0x380, v7  }
0x45e: {  	v63 =	vand.u32 $0xFFFFF000, v10;
	v4 =	vor.u32 v7, v4  }
0x45f: {  	v12 =	vld [tilespmem:s31+$0x2420];
	v4 =	vor.u32 v63, v4;
	[tilespmem:v57+s22+$0x0] =	vst.idx.msk $0xffff, v56  }
0x460: {  	v13 =	vshra.s32 v61, $0x9;
	v14 =	vand.u32 $0x7F, v61;
	v15 =	vshll.u32 v61, $0x3;
	v16 =	vld [tilespmem:s0+$0x6420]  }
0x461: {  	v17 =	vsub.s32 v13, v1;
	v8 =	vand.u32 $0xC00, v15;
	v5 =	vshll.u32 v13, $0x7  }
0x462: {  	v10 =	vshll.u32 v17, $0x9;
	v5 =	vand.u32 $0x380, v5;
	v6 =	vor.u32 v14, v8  }
0x463: {  	v18 =	vand.u32 $0xFFFFF000, v10;
	v5 =	vor.u32 v5, v6  }
0x464: {  	v19 =	vld [tilespmem:s2+$0x2420];
	[tilespmem:v4+s22+$0x0] =	vst.idx.msk $0xffff, v12;
	v5 =	vor.u32 v18, v5  }
0x465: {  	v20 =	vld [tilespmem:s31+$0x6430];
	v21 =	vshra.s32 v16, $0x9;
	v22 =	vand.u32 $0x7F, v16;
	v9 =	vshll.u32 v16, $0x3  }
0x466: {  	v23 =	vsub.s32 v21, v1;
	v9 =	vand.u32 $0xC00, v9;
	v7 =	vshll.u32 v21, $0x7  }
0x467: {  	v10 =	vshll.u32 v23, $0x9;
	v7 =	vand.u32 $0x380, v7;
	v8 =	vor.u32 v22, v9  }
0x468: {  	v24 =	vand.u32 $0xFFFFF000, v10;
	v7 =	vor.u32 v7, v8  }
0x469: {  	v25 =	vld [tilespmem:s0+$0x2420];
	[tilespmem:v5+s22+$0x0] =	vst.idx.msk $0xffff, v19;
	v26 =	vor.u32 v24, v7  }
0x46a: {  	v27 =	vshra.s32 v20, $0x9;
	v28 =	vand.u32 $0x7F, v20;
	v6 =	vshll.u32 v20, $0x3;
	v29 =	vld [tilespmem:s2+$0x6430]  }
0x46b: {  	v30 =	vsub.s32 v27, v1;
	v6 =	vand.u32 $0xC00, v6;
	v7 =	vshll.u32 v27, $0x7  }
0x46c: {  	v10 =	vshll.u32 v30, $0x9;
	v7 =	vand.u32 $0x380, v7;
	v6 =	vor.u32 v28, v6  }
0x46d: {  	v31 =	vand.u32 $0xFFFFF000, v10;
	v6 =	vor.u32 v7, v6  }
0x46e: {  	v32 =	vld [tilespmem:s31+$0x2430];
	v6 =	vor.u32 v31, v6;
	[tilespmem:v26+s22+$0x0] =	vst.idx.msk $0xffff, v25  }
0x46f: {  	v33 =	vshra.s32 v29, $0x9;
	v34 =	vand.u32 $0x7F, v29;
	v35 =	vshll.u32 v29, $0x3;
	v36 =	vld [tilespmem:s0+$0x6430]  }
0x470: {  	v37 =	vsub.s32 v33, v1;
	v8 =	vand.u32 $0xC00, v35;
	v4 =	vshll.u32 v33, $0x7  }
0x471: {  	v10 =	vshll.u32 v37, $0x9;
	v4 =	vand.u32 $0x380, v4;
	v5 =	vor.u32 v34, v8  }
0x472: {  	v38 =	vand.u32 $0xFFFFF000, v10;
	v4 =	vor.u32 v4, v5  }
0x473: {  	v39 =	vld [tilespmem:s2+$0x2430];
	[tilespmem:v6+s22+$0x0] =	vst.idx.msk $0xffff, v32;
	v4 =	vor.u32 v38, v4  }
0x474: {  	v6 =	vld [tilespmem:s31+$0x6440];
	v40 =	vshra.s32 v36, $0x9;
	v41 =	vand.u32 $0x7F, v36;
	v9 =	vshll.u32 v36, $0x3  }
0x475: {  	v42 =	vsub.s32 v40, v1;
	v9 =	vand.u32 $0xC00, v9;
	v7 =	vshll.u32 v40, $0x7  }
0x476: {  	v10 =	vshll.u32 v42, $0x9;
	v7 =	vand.u32 $0x380, v7;
	v8 =	vor.u32 v41, v9  }
0x477: {  	v43 =	vand.u32 $0xFFFFF000, v10;
	v7 =	vor.u32 v7, v8  }
0x478: {  	v44 =	vld [tilespmem:s0+$0x2430];
	[tilespmem:v4+s22+$0x0] =	vst.idx.msk $0xffff, v39;
	v45 =	vor.u32 v43, v7  }
0x479: {  	v46 =	vshra.s32 v6, $0x9;
	v47 =	vand.u32 $0x7F, v6;
	v6 =	vshll.u32 v6, $0x3;
	v48 =	vld [tilespmem:s2+$0x6440]  }
0x47a: {  	v49 =	vsub.s32 v46, v1;
	v6 =	vand.u32 $0xC00, v6;
	v7 =	vshll.u32 v46, $0x7  }
0x47b: {  	v10 =	vshll.u32 v49, $0x9;
	v7 =	vand.u32 $0x380, v7;
	v6 =	vor.u32 v47, v6  }
0x47c: {  	v50 =	vand.u32 $0xFFFFF000, v10;
	v6 =	vor.u32 v7, v6  }
0x47d: {  	v51 =	vld [tilespmem:s31+$0x2440];
	v6 =	vor.u32 v50, v6;
	[tilespmem:v45+s22+$0x0] =	vst.idx.msk $0xffff, v44  }
0x47e: {  	v52 =	vshra.s32 v48, $0x9;
	v53 =	vand.u32 $0x7F, v48;
	v54 =	vshll.u32 v48, $0x3;
	v55 =	vld [tilespmem:s0+$0x6440]  }
0x47f: {  	v56 =	vsub.s32 v52, v1;
	v8 =	vand.u32 $0xC00, v54;
	v4 =	vshll.u32 v52, $0x7  }
0x480: {  	v10 =	vshll.u32 v56, $0x9;
	v4 =	vand.u32 $0x380, v4;
	v5 =	vor.u32 v53, v8  }
0x481: {  	v57 =	vand.u32 $0xFFFFF000, v10;
	v4 =	vor.u32 v4, v5  }
0x482: {  	v58 =	vld [tilespmem:s2+$0x2440];
	[tilespmem:v6+s22+$0x0] =	vst.idx.msk $0xffff, v51;
	v4 =	vor.u32 v57, v4  }
0x483: {  	v6 =	vld [tilespmem:s31+$0x6450];
	v59 =	vshra.s32 v55, $0x9;
	v60 =	vand.u32 $0x7F, v55;
	v9 =	vshll.u32 v55, $0x3  }
0x484: {  	v61 =	vsub.s32 v59, v1;
	v9 =	vand.u32 $0xC00, v9;
	v7 =	vshll.u32 v59, $0x7  }
0x485: {  	v10 =	vshll.u32 v61, $0x9;
	v7 =	vand.u32 $0x380, v7;
	v8 =	vor.u32 v60, v9  }
0x486: {  	v62 =	vand.u32 $0xFFFFF000, v10;
	v7 =	vor.u32 v7, v8  }
0x487: {  	v63 =	vld [tilespmem:s0+$0x2440];
	[tilespmem:v4+s22+$0x0] =	vst.idx.msk $0xffff, v58;
	v12 =	vor.u32 v62, v7  }
0x488: {  	v13 =	vshra.s32 v6, $0x9;
	v14 =	vand.u32 $0x7F, v6;
	v6 =	vshll.u32 v6, $0x3;
	v15 =	vld [tilespmem:s2+$0x6450]  }
0x489: {  	v16 =	vsub.s32 v13, v1;
	v6 =	vand.u32 $0xC00, v6;
	v7 =	vshll.u32 v13, $0x7  }
0x48a: {  	v10 =	vshll.u32 v16, $0x9;
	v7 =	vand.u32 $0x380, v7;
	v6 =	vor.u32 v14, v6  }
0x48b: {  	v17 =	vand.u32 $0xFFFFF000, v10;
	v6 =	vor.u32 v7, v6  }
0x48c: {  	v18 =	vld [tilespmem:s31+$0x2450];
	v6 =	vor.u32 v17, v6;
	[tilespmem:v12+s22+$0x0] =	vst.idx.msk $0xffff, v63  }
0x48d: {  	v19 =	vshra.s32 v15, $0x9;
	v20 =	vand.u32 $0x7F, v15;
	v21 =	vshll.u32 v15, $0x3;
	v22 =	vld [tilespmem:s0+$0x6450]  }
0x48e: {  	v23 =	vsub.s32 v19, v1;
	v8 =	vand.u32 $0xC00, v21;
	v4 =	vshll.u32 v19, $0x7  }
0x48f: {  	v10 =	vshll.u32 v23, $0x9;
	v4 =	vand.u32 $0x380, v4;
	v5 =	vor.u32 v20, v8  }
0x490: {  	v24 =	vand.u32 $0xFFFFF000, v10;
	v4 =	vor.u32 v4, v5  }
0x491: {  	v25 =	vld [tilespmem:s2+$0x2450];
	[tilespmem:v6+s22+$0x0] =	vst.idx.msk $0xffff, v18;
	v4 =	vor.u32 v24, v4  }
0x492: {  	v6 =	vld [tilespmem:s31+$0x6460];
	v26 =	vshra.s32 v22, $0x9;
	v27 =	vand.u32 $0x7F, v22;
	v9 =	vshll.u32 v22, $0x3  }
0x493: {  	v28 =	vsub.s32 v26, v1;
	v9 =	vand.u32 $0xC00, v9;
	v7 =	vshll.u32 v26, $0x7  }
0x494: {  	v10 =	vshll.u32 v28, $0x9;
	v7 =	vand.u32 $0x380, v7;
	v8 =	vor.u32 v27, v9  }
0x495: {  	v29 =	vand.u32 $0xFFFFF000, v10;
	v7 =	vor.u32 v7, v8  }
0x496: {  	v30 =	vld [tilespmem:s0+$0x2450];
	[tilespmem:v4+s22+$0x0] =	vst.idx.msk $0xffff, v25;
	v31 =	vor.u32 v29, v7  }
0x497: {  	v32 =	vshra.s32 v6, $0x9;
	v33 =	vand.u32 $0x7F, v6;
	v6 =	vshll.u32 v6, $0x3;
	v34 =	vld [tilespmem:s2+$0x6460]  }
0x498: {  	v35 =	vsub.s32 v32, v1;
	v6 =	vand.u32 $0xC00, v6;
	v7 =	vshll.u32 v32, $0x7  }
0x499: {  	v10 =	vshll.u32 v35, $0x9;
	v7 =	vand.u32 $0x380, v7;
	v6 =	vor.u32 v33, v6  }
0x49a: {  	v36 =	vand.u32 $0xFFFFF000, v10;
	v6 =	vor.u32 v7, v6  }
0x49b: {  	v42 =	vld [tilespmem:s31+$0x2460];
	v6 =	vor.u32 v36, v6;
	[tilespmem:v31+s22+$0x0] =	vst.idx.msk $0xffff, v30  }
0x49c: {  	v37 =	vshra.s32 v34, $0x9;
	v38 =	vand.u32 $0x7F, v34;
	v39 =	vshll.u32 v34, $0x3;
	v40 =	vld [tilespmem:s0+$0x6460]  }
0x49d: {  	v41 =	vsub.s32 v37, v1;
	v7 =	vand.u32 $0xC00, v39;
	v4 =	vshll.u32 v37, $0x7  }
0x49e: {  	v9 =	vshll.u32 v41, $0x9;
	v4 =	vand.u32 $0x380, v4;
	v5 =	vor.u32 v38, v7  }
0x49f: {  	v43 =	vand.u32 $0xFFFFF000, v9;
	v4 =	vor.u32 v4, v5  }
0x4a0: {  	v46 =	vld [tilespmem:s2+$0x2460];
	v4 =	vor.u32 v43, v4  }
0x4a1: {  	[tilespmem:v6+s22+$0x0] =	vst.idx.msk $0xffff, v42;
	v44 =	vshra.s32 v40, $0x9;
	v45 =	vand.u32 $0x7F, v40;
	v8 =	vshll.u32 v40, $0x3  }
0x4a2: {  	v48 =	vld [tilespmem:s31+$0x6470];
	v11 =	vsub.s32 v44, v1;
	v8 =	vand.u32 $0xC00, v8;
	v5 =	vshll.u32 v44, $0x7  }
0x4a3: {  	v47 =	vshll.u32 v11, $0x9;
	v5 =	vand.u32 $0x380, v5;
	v7 =	vor.u32 v45, v8  }
0x4a4: {  	v6 =	vand.u32 $0xFFFFF000, v47;
	v5 =	vor.u32 v5, v7  }
0x4a5: {  	v49 =	vld [tilespmem:s0+$0x2460];
	[tilespmem:v4+s22+$0x0] =	vst.idx.msk $0xffff, v46;
	v5 =	vor.u32 v6, v5  }
0x4a6: {  	v4 =	vld [tilespmem:s2+$0x6470]  }
0x4a7: {  	v50 =	vshra.s32 v48, $0x9;
	v8 =	vshll.u32 v48, $0x3  }
0x4a8: {  	v51 =	vand.u32 $0x7F, v48;
	v53 =	vand.u32 $0xC00, v8;
	v6 =	vshll.u32 v50, $0x7  }
0x4a9: {  	v6 =	vand.u32 $0x380, v6;
	v7 =	vor.u32 v51, v53  }
0x4aa: {  	v52 =	vsub.s32 v50, v1;
	v6 =	vor.u32 v6, v7;
	[tilespmem:v5+s22+$0x0] =	vst.idx.msk $0xffff, v49  }
0x4ab: {  	v55 =	vshra.s32 v4, $0x9;
	v56 =	vshll.u32 v4, $0x3;
	v5 =	vshll.u32 v52, $0x9;
	v54 =	vld [tilespmem:s0+$0x6470]  }
0x4ac: {  	v4 =	vand.u32 $0x7F, v4;
	v7 =	vand.u32 $0xC00, v56;
	v5 =	vand.u32 $0xFFFFF000, v5  }
0x4ad: {  	v57 =	vshll.u32 v55, $0x7;
	v5 =	vor.u32 v5, v6;
	v6 =	vsub.s32 v55, v1  }
0x4ae: {  	v9 =	vand.u32 $0x380, v57;
	v4 =	vor.u32 v4, v7;
	v6 =	vshll.u32 v6, $0x9  }
0x4af: {  	v4 =	vor.u32 v9, v4;
	v6 =	vand.u32 $0xFFFFF000, v6  }
0x4b0: {  	v58 =	vshll.u32 v54, $0x3;
	v59 =	vshra.s32 v54, $0x9;
	v8 =	vand.u32 $0x7F, v54  }
0x4b1: {  	v7 =	vand.u32 $0xC00, v58;
	v1 =	vsub.s32 v59, v1;
	v9 =	vshll.u32 v59, $0x7  }
0x4b2: {  	v60 =	vld [tilespmem:s31+$0x2470];
	v7 =	vor.u32 v8, v7;
	v1 =	vshll.u32 v1, $0x9;
	v9 =	vand.u32 $0x380, v9  }
0x4b3: {  	v62 =	vld [tilespmem:s2+$0x2470];
	v4 =	vor.u32 v6, v4;
	v61 =	vor.u32 v9, v7;
	v1 =	vand.u32 $0xFFFFF000, v1  }
0x4b4: {  	v63 =	vld [tilespmem:s0+$0x2470];
	v1 =	vor.u32 v1, v61;
	_ =	sdelay $0x1  }
.Ltmp4:
0x4b5: {  	[tilespmem:v3+s22+$0x0] =	vst.idx.msk $0xffff, v2;
	s31 =	sshll.u32 s29, $0x9;
	(pc) =	sbr.rel @p1 .LBB2_8-.Ltmp4, $4  }
0x4b6: {  	s0 =	sor.u32 s31, s30;
	[tilespmem:v5+s22+$0x0] =	vst.idx.msk $0xffff, v60  }
0x4b7: {  	s0 =	sshrl.u32 s0, $0x3;
	[tilespmem:v4+s22+$0x0] =	vst.idx.msk $0xffff, v62  }
0x4b8: {  	s0 =	sadd.s32 s5, s0;
	[tilespmem:v1+s22+$0x0] =	vst.idx.msk $0xffff, v63  }
0x4b9: {  	[hbm4b:s0+s6] =	stream.linear.scatter [tilespmem:s22], [sflag:$0x6], $0x8000, $0x38;
	[tilespmem:$0x18000] =	vst v63  }
0x4ba: {  	s0 =	sadd.s32 $0x3, s28  }
0x4bb: {  	s2 =	sshrl.u32 s0, $0x3  }
0x4bc: {  	s2 =	sadd.s32 s7, s2  }
0x4bd: {  	s0 =	sshll.u32 s0, $0xD;
	s2 =	sshll.u32 s2, $0x10  }
0x4be: {  	s0 =	sand.u32 $0xE000, s0;
	s2 =	sadd.s32 s4, s2  }
0x4bf: {  	s0 =	sor.u32 s0, s2  }
.Ltmp5:
0x4c0: {  	s0 =	sshrl.u32 s0, $0x3;
	(pc) =	sbr.rel .LBB2_2-.Ltmp5, $4  }
0x4c1: {  	s31 =	sadd.s32 s1, s0  }
0x4c2: {  	[tilespmem:s15], [sflag:$0x2] =	stream.linear.gather [hbm4b:s31+s6], $0x2000, $0x38;
	[tilespmem:$0x18000] =	vst v63  }
0x4c3: {  	s26 =	sadd.s32 $0x1, s26;
	s0 =	sadd.s32 s3, s0  }
0x4c4: {  	[tilespmem:s16], [sflag:$0x4] =	stream.linear.gather [hbm4b:s0+s6], $0x2000, $0x38;
	[tilespmem:$0x18000] =	vst v63  }
.LBB2_9:
0x4c5: {  	_ =	sfence.sel $0x180000  }
0x4c6: {  	[bflag:$0x0] =	sbarrier.arrive $0xFFFF  }
0x4c7: {  	_ =	strace $0x90000047  }
0x4c8: {  	s0 =	stileid.u32;
	[bflag:$0x2] =	sbarrier.arrive $0xFFFF  }
0x4c9: {  	p0 =	sne.s32 s0, $0x0;
	s0 =	rddreg [dreg:$0x3]  }
0x4ca: {  	s0 =	sadd.s32 @!p0 $0x100000, s0  }
0x4cb: {  	[sflag:s0] =	ssyncadd.tile.s32 @!p0 $0x1;
	_ =	shalt  }
.Lfunc_end2:
_tile_overlayer_lowered:
.L_overlay_start_2:
0x4cc: {  	(tag) =	ssettag $0x2  }
0x4cd: {  	s0 =	rddreg [dreg:$0x0];
	s2 =	stileid.u32  }
0x4ce: {  	s1 =	rddreg [dreg:$0x1];
	p0 =	sne.s32 s2, $0x0  }
0x4cf: {  	s3 =	rddreg [dreg:$0x2];
	[bflag:$0x3] =	sbarrier.arrive $0xFFFF;
	s2 =	simm.s32 @!p0 $0x1C07  }
0x4d0: {  	[timem:s3], [sflag:s2] =	dma.local @!p0 [hbm:s0], s1  }
0x4d1: {  	s0 =	simm.s32 @!p0 $0x7  }
0x4d2: {  	_ =	swait.ge @!p0 [sflag:s0], s1  }
0x4d3: {  	s1 =	ssub.s32 @!p0 $0x0, s1;
	[sflag:s0] =	ssyncset.done @!p0 $0x0  }
0x4d4: {  	[sflag:s0] =	ssyncadd.s32 @!p0 s1  }
0x4d5: {  	[bflag:$0x3] =	sbarrier.arrive $0xFFFF  }
0x4d6: {  	_ =	shalt  }

</sc_bundles>
